<compile_context>
chip_gen: v7x
topology: tpu7x:2x2x1
jax: 0.10.2.dev20260603
libtpu: 0.0.44.dev20260713+nightly
codegen_flags: <defaults>
</compile_context>

<pallas_src>
import functools
import jax
import jax.numpy as jnp
from jax import lax
from jax.experimental import pallas as pl
from jax.experimental.pallas import tpu as pltpu
from jax.experimental.pallas import tpu_sc as plsc

H = 128
LANES = 16
HV = H // LANES
NC = 2
NS = 16
NW = NC * NS
CH = 64
NBUF = 4
EPS = 1e-12


def _rsqrt(v):
    bits = lax.bitcast_convert_type(v, jnp.int32)
    y = lax.bitcast_convert_type(
        jnp.int32(0x5F3759DF) - lax.shift_right_logical(bits, 1), jnp.float32)
    half = 0.5 * v
    for _ in range(3):
        y = y * (1.5 - half * y * y)
    return y


_GATHER_DNUMS = lax.GatherDimensionNumbers(
    offset_dims=(), collapsed_slice_dims=(0,), start_index_map=(0,))


def _lane_shuffle(x, idx):
    return lax.gather(x, idx[:, None], _GATHER_DNUMS, (1,),
                      mode=lax.GatherScatterMode.PROMISE_IN_BOUNDS)


def _hsum(x):
    lanes = lax.iota(jnp.int32, LANES)
    for sh in (8, 4, 2, 1):
        x = x + _lane_shuffle(x, lanes ^ sh)
    return x


def _sc_fused(tgt_ids2d, msa_ids2d, table, pos_tab, gamma, beta, B, L, n_msa):
    total = B * L
    P = total // NW
    n_chunks = P // CH
    n_steps = n_chunks * n_msa
    inv_n = 1.0 / n_msa
    inv_h = 1.0 / H

    mesh = plsc.VectorSubcoreMesh(core_axis_name="c", subcore_axis_name="s")

    @functools.partial(
        pl.kernel,
        out_type=(
            jax.ShapeDtypeStruct((total, H), jnp.float32),
            jax.ShapeDtypeStruct((total, H), jnp.float32),
        ),
        mesh=mesh,
        scratch_types=[
            pltpu.VMEM((B, P), jnp.int32),
            pltpu.VMEM((P // 128, n_msa, 128), jnp.int32),
            pltpu.VMEM((P, H), jnp.float32),
            pltpu.VMEM((NBUF, CH, H), jnp.float32),
            pltpu.VMEM((P, H), jnp.float32),
            pltpu.VMEM((2, CH, H), jnp.float32),
            pltpu.VMEM((H,), jnp.float32),
            pltpu.VMEM((H,), jnp.float32),
            pltpu.SemaphoreType.DMA,
            pltpu.SemaphoreType.DMA,
            pltpu.SemaphoreType.DMA,
            pltpu.SemaphoreType.DMA,
            pltpu.SemaphoreType.DMA((NBUF,)),
            pltpu.SemaphoreType.DMA((2,)),
            pltpu.SemaphoreType.DMA,
        ],
    )
    def k(tgt_hbm, msa_hbm, table_hbm, pos_hbm, gamma_hbm, beta_hbm,
          emb_out, m_out,
          tidx, midx, trows, ring, acc, pbuf, gvec, bvec,
          sem_im, sem_i, sem_t, sem_a, rsems, psems, sem_o):
        wid = lax.axis_index("s") * NC + lax.axis_index("c")
        base = pl.multiple_of(wid * P, P)
        b = base // L
        l0 = pl.multiple_of(base - b * L, P)

        mcps = []
        for t in range(P // 128):
            mcps.append(pltpu.make_async_copy(
                msa_hbm.at[pl.ds(b * n_msa, n_msa), pl.ds(l0 + t * 128, 128)],
                midx.at[t], sem_im))
        for cp in mcps:
            cp.start()
        icps = [
            pltpu.make_async_copy(tgt_hbm.at[:, pl.ds(l0, P)], tidx, sem_i),
            pltpu.make_async_copy(gamma_hbm, gvec, sem_i),
            pltpu.make_async_copy(beta_hbm, bvec, sem_i),
        ]
        for cp in icps:
            cp.start()

        for ci in range(min(2, n_chunks)):
            pltpu.make_async_copy(
                pos_hbm.at[pl.ds(l0 + ci * CH, CH)], pbuf.at[ci % 2],
                psems.at[ci % 2]).start()

        def _mo(x, m):
            return x if isinstance(x, int) else pl.multiple_of(x, m)

        def gather_cp(step):
            ci = step // n_msa
            j = step - ci * n_msa
            t = ci // 2
            half = ci - t * 2
            isl = midx.at[t, j, pl.ds(_mo(half * CH, CH), CH)]
            a0 = _mo(ci * CH, CH)

            def to_acc():
                return pltpu.make_async_copy(
                    table_hbm.at[isl], acc.at[pl.ds(a0, CH)], sem_a)

            def to_ring():
                sl = step % NBUF
                return pltpu.make_async_copy(
                    table_hbm.at[isl], ring.at[sl], rsems.at[sl])

            return j, ci, to_acc, to_ring

        def fire(step):
            j, _, to_acc, to_ring = gather_cp(step)
            if isinstance(step, int):
                (to_acc() if j == 0 else to_ring()).start()
                return

            @pl.when(j == 0)
            def _():
                to_acc().start()

            @pl.when(j != 0)
            def _():
                to_ring().start()

        def step_body(step, _):
            j, ci, to_acc, to_ring = gather_cp(step)
            a0 = _mo(ci * CH, CH)

            @pl.when(j == 0)
            def _():
                to_acc().wait()

            @pl.when(j != 0)
            def _():
                to_ring().wait()
                sl = step % NBUF
                src = ring.at[sl]

                @plsc.parallel_loop(0, CH, unroll=2)
                def add_row(p):
                    for h in range(HV):
                        hs = pl.ds(h * LANES, LANES)
                        plsc.addupdate(acc.at[a0 + p, hs], src[p, hs])

            @pl.when(step + NBUF < n_steps)
            def _():
                fire(step + NBUF)

            @pl.when(j == n_msa - 1)
            def _():
                pltpu.make_async_copy(
                    table_hbm.at[tidx.at[b, pl.ds(a0, CH)]],
                    trows.at[pl.ds(a0, CH)], sem_t).wait()
                pb = ci % 2
                pltpu.make_async_copy(
                    pos_hbm.at[pl.ds(l0 + a0, CH)], pbuf.at[pb],
                    psems.at[pb]).wait()

                @plsc.parallel_loop(0, CH, unroll=2)
                def fin_row(p):
                    r = a0 + p
                    s16 = jnp.zeros((LANES,), jnp.float32)
                    q16 = jnp.zeros((LANES,), jnp.float32)
                    for h in range(HV):
                        hs = pl.ds(h * LANES, LANES)
                        m = acc[r, hs] * inv_n
                        acc[r, hs] = m
                        x = trows[r, hs] + m + pbuf[pb, p, hs]
                        trows[r, hs] = x
                        s16 = s16 + x
                        q16 = q16 + x * x
                    mean = _hsum(s16) * inv_h
                    var = _hsum(q16) * inv_h - mean * mean
                    inv = _rsqrt(var + EPS)
                    for h in range(HV):
                        hs = pl.ds(h * LANES, LANES)
                        trows[r, hs] = ((trows[r, hs] - mean) * inv
                                        * g_regs[h] + b_regs[h])

                for ref, out in ((trows, emb_out), (acc, m_out)):
                    pltpu.make_async_copy(
                        ref.at[pl.ds(a0, CH)],
                        out.at[pl.ds(base + a0, CH)], sem_o).start()

                @pl.when(ci + 2 < n_chunks)
                def _():
                    a2 = pl.multiple_of((ci + 2) * CH, CH)
                    pltpu.make_async_copy(
                        pos_hbm.at[pl.ds(l0 + a2, CH)], pbuf.at[pb],
                        psems.at[pb]).start()

            return 0

        for cp in mcps:
            cp.wait()
        for s in range(min(NBUF, n_steps)):
            fire(s)
        for cp in icps:
            cp.wait()
        g_regs = [gvec[pl.ds(h * LANES, LANES)] for h in range(HV)]
        b_regs = [bvec[pl.ds(h * LANES, LANES)] for h in range(HV)]
        for ci in range(n_chunks):
            pltpu.make_async_copy(
                table_hbm.at[tidx.at[b, pl.ds(ci * CH, CH)]],
                trows.at[pl.ds(ci * CH, CH)], sem_t).start()
        lax.fori_loop(0, n_steps, step_body, 0)

        for ci in range(n_chunks):
            a0 = ci * CH
            for ref, out in ((trows, emb_out), (acc, m_out)):
                pltpu.make_async_copy(
                    ref.at[pl.ds(a0, CH)],
                    out.at[pl.ds(base + a0, CH)], sem_o).wait()

    return k(tgt_ids2d, msa_ids2d, table, pos_tab, gamma, beta)


def kernel(target_ids, input_ids, word_embeddings, position_embeddings, gamma, beta):
    B, L = target_ids.shape
    n_msa = input_ids.shape[1]
    tgt_idx = target_ids.astype(jnp.int32)
    msa_idx = input_ids.astype(jnp.int32).reshape(B * n_msa, L)
    emb, msa_mean = _sc_fused(tgt_idx, msa_idx, word_embeddings,
                              position_embeddings, gamma, beta, B, L, n_msa)
    return emb.reshape(B, L, H), msa_mean.reshape(B, L, H)

# --- scband reference (transcript-rebuilt; emitter-appended) ---
"""Pipeline reference for scband-embeddings-score-76416058131443 (READ-ONLY COPY).

The authoritative reference and input builder live on the scoring server;
editing this copy changes nothing except your own understanding.
"""

import jax, jax.numpy as jnp
import numpy as np

VOCAB = 100000
HIDDEN = 128
MAXPOS = 4096


def layer_norm(x, gamma, beta, eps=1e-12):
    mean = jnp.mean(x, axis=-1, keepdims=True)
    var = jnp.mean((x - mean) ** 2, axis=-1, keepdims=True)
    xhat = (x - mean) / jnp.sqrt(var + eps)
    return xhat * gamma + beta


def setup_inputs(seed: int = 0) -> dict:
    key = jax.random.key(seed)
    k1, k2, k3, k4 = jax.random.split(key, 4)
    target_ids = jax.random.randint(k1, (4, 2048), 0, VOCAB)
    input_ids = jax.random.randint(k2, (4, 8, 2048), 0, VOCAB)
    word_embeddings = jax.random.normal(k3, (VOCAB, HIDDEN), dtype=jnp.float32) * 0.02
    position_embeddings = jax.random.normal(k4, (MAXPOS, HIDDEN), dtype=jnp.float32) * 0.02
    gamma = jnp.ones((HIDDEN,), dtype=jnp.float32)
    beta = jnp.zeros((HIDDEN,), dtype=jnp.float32)
    return {
        "target_ids": target_ids,
        "input_ids": input_ids,
        "word_embeddings": word_embeddings,
        "position_embeddings": position_embeddings,
        "gamma": gamma,
        "beta": beta,
    }


def reference(target_ids, input_ids, word_embeddings, position_embeddings, gamma, beta):
    B, L = target_ids.shape
    H = word_embeddings.shape[1]
    # position ids: arange(seq_len) expanded to target_ids shape
    position_ids = jnp.broadcast_to(jnp.arange(L, dtype=target_ids.dtype)[None, :], (B, L))
    # word embedding lookup (gather)
    words_embeddings = jnp.take(word_embeddings, target_ids, axis=0)
    # msa lookup: input_ids reshaped to [-1, hidden_size] then embedded -> [N, H, H]
    msa_embeddings = jnp.take(word_embeddings, input_ids.reshape(-1, H), axis=0)
    position_embeddings_g = jnp.take(position_embeddings, position_ids, axis=0)
    # reshape to [B, n_msa, L, H] and mean over msa axis
    msa_embeddings = msa_embeddings.reshape(B, -1, L, H).mean(axis=1)
    embeddings = words_embeddings + position_embeddings_g + msa_embeddings
    embeddings = layer_norm(embeddings, gamma, beta)
    # dropout is identity in eval mode
    return (embeddings, msa_embeddings)

if __name__ == "__main__":
    import jax
    _d = setup_inputs()
    print(jax.jit(kernel)(*tuple(_d.values())))

</pallas_src>

<mosaic_0001>
#map = affine_map<(d0, d1) -> (0, 0)>
#map1 = affine_map<(d0, d1) -> (0)>
module attributes {stable_mosaic.version = 14 : i64} {
  func.func @k(%arg0: i32, %arg1: i32, %arg2: memref<4x2048xi32, #tpu.memory_space<hbm>>, %arg3: memref<32x2048xi32, #tpu.memory_space<hbm>>, %arg4: memref<100000x128xf32, #tpu.memory_space<hbm>>, %arg5: memref<4096x128xf32, #tpu.memory_space<hbm>>, %arg6: memref<128xf32, #tpu.memory_space<hbm>>, %arg7: memref<128xf32, #tpu.memory_space<hbm>>, %arg8: memref<8192x128xf32, #tpu.memory_space<hbm>>, %arg9: memref<8192x128xf32, #tpu.memory_space<hbm>>, %arg10: memref<4x256xi32, #tpu.memory_space<vmem>>, %arg11: memref<2x8x128xi32, #tpu.memory_space<vmem>>, %arg12: memref<256x128xf32, #tpu.memory_space<vmem>>, %arg13: memref<4x64x128xf32, #tpu.memory_space<vmem>>, %arg14: memref<256x128xf32, #tpu.memory_space<vmem>>, %arg15: memref<2x64x128xf32, #tpu.memory_space<vmem>>, %arg16: memref<128xf32, #tpu.memory_space<vmem>>, %arg17: memref<128xf32, #tpu.memory_space<vmem>>, %arg18: memref<!tpu.dma_semaphore, #tpu.memory_space<semaphore_mem>>, %arg19: memref<!tpu.dma_semaphore, #tpu.memory_space<semaphore_mem>>, %arg20: memref<!tpu.dma_semaphore, #tpu.memory_space<semaphore_mem>>, %arg21: memref<!tpu.dma_semaphore, #tpu.memory_space<semaphore_mem>>, %arg22: memref<4x!tpu.dma_semaphore, #tpu.memory_space<semaphore_mem>>, %arg23: memref<2x!tpu.dma_semaphore, #tpu.memory_space<semaphore_mem>>, %arg24: memref<!tpu.dma_semaphore, #tpu.memory_space<semaphore_mem>>) attributes {dimension_semantics = [#tpu.dimension_semantics<core_parallel>, #tpu.dimension_semantics<subcore_parallel>], iteration_bounds = array<i64: 2, 16>, scalar_prefetch = 0 : i64, scratch_operands = 15 : i64, tpu.core_type = #tpu.core_type<sc_vector_subcore>, window_params = [{transform_indices = #map}, {transform_indices = #map}, {transform_indices = #map}, {transform_indices = #map}, {transform_indices = #map1}, {transform_indices = #map1}, {transform_indices = #map}, {transform_indices = #map}]} {
    %mul3A = arith.constant 2 : i32
    %mul3A_0 = arith.muli %arg1, %mul3A : i32
    %add3A = arith.addi %mul3A_0, %arg0 : i32
    %mul3A_1 = arith.constant 256 : i32
    %mul3A_2 = arith.muli %add3A, %mul3A_1 : i32
    %multiple_of3A = tpu.assume_multiple %mul3A_2, 256 : i32
    %jit3A = arith.constant 2048 : i32
    %div3A = arith.divsi %multiple_of3A, %jit3A : i32
    %sign3A = arith.constant 0 : i32
    %sign3A_3 = arith.cmpi sgt, %multiple_of3A, %sign3A : i32
    %sign3A_4 = arith.extui %sign3A_3 : i1 to i32
    %sign3A_5 = arith.constant 0 : i32
    %sign3A_6 = arith.cmpi slt, %multiple_of3A, %sign3A_5 : i32
    %sign3A_7 = arith.extui %sign3A_6 : i1 to i32
    %sign3A_8 = arith.subi %sign3A_4, %sign3A_7 : i32
    %sign3A_9 = arith.constant 0 : i32
    %sign3A_10 = arith.cmpi sgt, %jit3A, %sign3A_9 : i32
    %sign3A_11 = arith.extui %sign3A_10 : i1 to i32
    %sign3A_12 = arith.constant 0 : i32
    %sign3A_13 = arith.cmpi slt, %jit3A, %sign3A_12 : i32
    %sign3A_14 = arith.extui %sign3A_13 : i1 to i32
    %sign3A_15 = arith.subi %sign3A_11, %sign3A_14 : i32
    %ne3A = arith.cmpi ne, %sign3A_8, %sign3A_15 : i32
    %rem3A = arith.remsi %multiple_of3A, %jit3A : i32
    %ne3A_16 = arith.constant 0 : i32
    %ne3A_17 = arith.cmpi ne, %rem3A, %ne3A_16 : i32
    %and3A = arith.andi %ne3A, %ne3A_17 : i1
    %sub3A = arith.constant 1 : i32
    %sub3A_18 = arith.subi %div3A, %sub3A : i32
    %select_n3A = arith.select %and3A, %sub3A_18, %div3A : i32
    %mul3A_19 = arith.constant 2048 : i32
    %mul3A_20 = arith.muli %select_n3A, %mul3A_19 : i32
    %sub3A_21 = arith.subi %multiple_of3A, %mul3A_20 : i32
    %multiple_of3A_22 = tpu.assume_multiple %sub3A_21, 256 : i32
    %mul3A_23 = arith.constant 8 : i32
    %mul3A_24 = arith.muli %select_n3A, %mul3A_23 : i32
    %add3A_25 = arith.constant 0 : i32
    %add3A_26 = arith.addi %multiple_of3A_22, %add3A_25 : i32
    %mul3A_27 = arith.constant 8 : i32
    %mul3A_28 = arith.muli %select_n3A, %mul3A_27 : i32
    %add3A_29 = arith.constant 128 : i32
    %add3A_30 = arith.addi %multiple_of3A_22, %add3A_29 : i32
    %dma_start3A = arith.constant 0 : i32
    %dma_start3A_31 = arith.constant 0 : i32
    %dma_start3A_32 = arith.constant 0 : i32
    %dma_start3A_33 = tpu.memref_slice %arg11[%dma_start3A, %dma_start3A_31, %dma_start3A_32] : memref<2x8x128xi32, #tpu.memory_space<vmem>> -> memref<1x8x128xi32, #tpu.memory_space<vmem>>
    %dma_start3A_34 = tpu.memref_squeeze %dma_start3A_33 : memref<1x8x128xi32, #tpu.memory_space<vmem>> -> memref<8x128xi32, #tpu.memory_space<vmem>>
    %dma_start3A_35 = tpu.memref_slice %arg3[%mul3A_24, %add3A_26] : memref<32x2048xi32, #tpu.memory_space<hbm>> -> memref<8x128xi32, #tpu.memory_space<hbm>>
    %dma_start3A_36 = arith.constant 0 : i32
    %dma_start3A_37 = arith.constant 0 : i32
    %dma_start3A_38 = tpu.memref_slice %arg11[%dma_start3A, %dma_start3A_36, %dma_start3A_37] : memref<2x8x128xi32, #tpu.memory_space<vmem>> -> memref<1x8x128xi32, #tpu.memory_space<vmem>>
    %dma_start3A_39 = tpu.memref_squeeze %dma_start3A_38 : memref<1x8x128xi32, #tpu.memory_space<vmem>> -> memref<8x128xi32, #tpu.memory_space<vmem>>
    %dma_start3A_40 = tpu.memref_slice %arg3[%mul3A_24, %add3A_26] : memref<32x2048xi32, #tpu.memory_space<hbm>> -> memref<8x128xi32, #tpu.memory_space<hbm>>
    tpu.enqueue_dma source(%dma_start3A_40 : memref<8x128xi32, #tpu.memory_space<hbm>>) target(%dma_start3A_39 : memref<8x128xi32, #tpu.memory_space<vmem>>) target_semaphore(%arg18 : memref<!tpu.dma_semaphore, #tpu.memory_space<semaphore_mem>>)
    %dma_start3A_41 = arith.constant 1 : i32
    %dma_start3A_42 = arith.constant 0 : i32
    %dma_start3A_43 = arith.constant 0 : i32
    %dma_start3A_44 = tpu.memref_slice %arg11[%dma_start3A_41, %dma_start3A_42, %dma_start3A_43] : memref<2x8x128xi32, #tpu.memory_space<vmem>> -> memref<1x8x128xi32, #tpu.memory_space<vmem>>
    %dma_start3A_45 = tpu.memref_squeeze %dma_start3A_44 : memref<1x8x128xi32, #tpu.memory_space<vmem>> -> memref<8x128xi32, #tpu.memory_space<vmem>>
    %dma_start3A_46 = tpu.memref_slice %arg3[%mul3A_28, %add3A_30] : memref<32x2048xi32, #tpu.memory_space<hbm>> -> memref<8x128xi32, #tpu.memory_space<hbm>>
    %dma_start3A_47 = arith.constant 0 : i32
    %dma_start3A_48 = arith.constant 0 : i32
    %dma_start3A_49 = tpu.memref_slice %arg11[%dma_start3A_41, %dma_start3A_47, %dma_start3A_48] : memref<2x8x128xi32, #tpu.memory_space<vmem>> -> memref<1x8x128xi32, #tpu.memory_space<vmem>>
    %dma_start3A_50 = tpu.memref_squeeze %dma_start3A_49 : memref<1x8x128xi32, #tpu.memory_space<vmem>> -> memref<8x128xi32, #tpu.memory_space<vmem>>
    %dma_start3A_51 = tpu.memref_slice %arg3[%mul3A_28, %add3A_30] : memref<32x2048xi32, #tpu.memory_space<hbm>> -> memref<8x128xi32, #tpu.memory_space<hbm>>
    tpu.enqueue_dma source(%dma_start3A_51 : memref<8x128xi32, #tpu.memory_space<hbm>>) target(%dma_start3A_50 : memref<8x128xi32, #tpu.memory_space<vmem>>) target_semaphore(%arg18 : memref<!tpu.dma_semaphore, #tpu.memory_space<semaphore_mem>>)
    %dma_start3A_52 = arith.constant 0 : i32
    %dma_start3A_53 = tpu.memref_slice %arg2[%dma_start3A_52, %multiple_of3A_22] : memref<4x2048xi32, #tpu.memory_space<hbm>> -> memref<4x256xi32, #tpu.memory_space<hbm>>
    %dma_start3A_54 = arith.constant 0 : i32
    %dma_start3A_55 = tpu.memref_slice %arg2[%dma_start3A_54, %multiple_of3A_22] : memref<4x2048xi32, #tpu.memory_space<hbm>> -> memref<4x256xi32, #tpu.memory_space<hbm>>
    tpu.enqueue_dma source(%dma_start3A_55 : memref<4x256xi32, #tpu.memory_space<hbm>>) target(%arg10 : memref<4x256xi32, #tpu.memory_space<vmem>>) target_semaphore(%arg19 : memref<!tpu.dma_semaphore, #tpu.memory_space<semaphore_mem>>)
    tpu.enqueue_dma source(%arg6 : memref<128xf32, #tpu.memory_space<hbm>>) target(%arg16 : memref<128xf32, #tpu.memory_space<vmem>>) target_semaphore(%arg19 : memref<!tpu.dma_semaphore, #tpu.memory_space<semaphore_mem>>)
    tpu.enqueue_dma source(%arg7 : memref<128xf32, #tpu.memory_space<hbm>>) target(%arg17 : memref<128xf32, #tpu.memory_space<vmem>>) target_semaphore(%arg19 : memref<!tpu.dma_semaphore, #tpu.memory_space<semaphore_mem>>)
    %add3A_56 = arith.constant 0 : i32
    %add3A_57 = arith.addi %multiple_of3A_22, %add3A_56 : i32
    %dma_start3A_58 = arith.constant 0 : i32
    %dma_start3A_59 = arith.constant 0 : i32
    %dma_start3A_60 = arith.constant 0 : i32
    %dma_start3A_61 = arith.constant 0 : i32
    %dma_start3A_62 = tpu.memref_slice %arg15[%dma_start3A_58, %dma_start3A_60, %dma_start3A_61] : memref<2x64x128xf32, #tpu.memory_space<vmem>> -> memref<1x64x128xf32, #tpu.memory_space<vmem>>
    %dma_start3A_63 = tpu.memref_squeeze %dma_start3A_62 : memref<1x64x128xf32, #tpu.memory_space<vmem>> -> memref<64x128xf32, #tpu.memory_space<vmem>>
    %dma_start3A_64 = arith.constant 0 : i32
    %dma_start3A_65 = tpu.memref_slice %arg5[%add3A_57, %dma_start3A_64] : memref<4096x128xf32, #tpu.memory_space<hbm>> -> memref<64x128xf32, #tpu.memory_space<hbm>>
    %dma_start3A_66 = tpu.memref_slice %arg23[%dma_start3A_59] : memref<2x!tpu.dma_semaphore, #tpu.memory_space<semaphore_mem>> -> memref<1x!tpu.dma_semaphore, #tpu.memory_space<semaphore_mem>>
    %dma_start3A_67 = tpu.memref_squeeze %dma_start3A_66 : memref<1x!tpu.dma_semaphore, #tpu.memory_space<semaphore_mem>> -> memref<!tpu.dma_semaphore, #tpu.memory_space<semaphore_mem>>
    %dma_start3A_68 = arith.constant 0 : i32
    %dma_start3A_69 = arith.constant 0 : i32
    %dma_start3A_70 = tpu.memref_slice %arg15[%dma_start3A_58, %dma_start3A_68, %dma_start3A_69] : memref<2x64x128xf32, #tpu.memory_space<vmem>> -> memref<1x64x128xf32, #tpu.memory_space<vmem>>
    %dma_start3A_71 = tpu.memref_squeeze %dma_start3A_70 : memref<1x64x128xf32, #tpu.memory_space<vmem>> -> memref<64x128xf32, #tpu.memory_space<vmem>>
    %dma_start3A_72 = arith.constant 0 : i32
    %dma_start3A_73 = tpu.memref_slice %arg5[%add3A_57, %dma_start3A_72] : memref<4096x128xf32, #tpu.memory_space<hbm>> -> memref<64x128xf32, #tpu.memory_space<hbm>>
    tpu.enqueue_dma source(%dma_start3A_73 : memref<64x128xf32, #tpu.memory_space<hbm>>) target(%dma_start3A_71 : memref<64x128xf32, #tpu.memory_space<vmem>>) target_semaphore(%dma_start3A_67 : memref<!tpu.dma_semaphore, #tpu.memory_space<semaphore_mem>>)
    %add3A_74 = arith.constant 64 : i32
    %add3A_75 = arith.addi %multiple_of3A_22, %add3A_74 : i32
    %dma_start3A_76 = arith.constant 1 : i32
    %dma_start3A_77 = arith.constant 1 : i32
    %dma_start3A_78 = arith.constant 0 : i32
    %dma_start3A_79 = arith.constant 0 : i32
    %dma_start3A_80 = tpu.memref_slice %arg15[%dma_start3A_76, %dma_start3A_78, %dma_start3A_79] : memref<2x64x128xf32, #tpu.memory_space<vmem>> -> memref<1x64x128xf32, #tpu.memory_space<vmem>>
    %dma_start3A_81 = tpu.memref_squeeze %dma_start3A_80 : memref<1x64x128xf32, #tpu.memory_space<vmem>> -> memref<64x128xf32, #tpu.memory_space<vmem>>
    %dma_start3A_82 = arith.constant 0 : i32
    %dma_start3A_83 = tpu.memref_slice %arg5[%add3A_75, %dma_start3A_82] : memref<4096x128xf32, #tpu.memory_space<hbm>> -> memref<64x128xf32, #tpu.memory_space<hbm>>
    %dma_start3A_84 = tpu.memref_slice %arg23[%dma_start3A_77] : memref<2x!tpu.dma_semaphore, #tpu.memory_space<semaphore_mem>> -> memref<1x!tpu.dma_semaphore, #tpu.memory_space<semaphore_mem>>
    %dma_start3A_85 = tpu.memref_squeeze %dma_start3A_84 : memref<1x!tpu.dma_semaphore, #tpu.memory_space<semaphore_mem>> -> memref<!tpu.dma_semaphore, #tpu.memory_space<semaphore_mem>>
    %dma_start3A_86 = arith.constant 0 : i32
    %dma_start3A_87 = arith.constant 0 : i32
    %dma_start3A_88 = tpu.memref_slice %arg15[%dma_start3A_76, %dma_start3A_86, %dma_start3A_87] : memref<2x64x128xf32, #tpu.memory_space<vmem>> -> memref<1x64x128xf32, #tpu.memory_space<vmem>>
    %dma_start3A_89 = tpu.memref_squeeze %dma_start3A_88 : memref<1x64x128xf32, #tpu.memory_space<vmem>> -> memref<64x128xf32, #tpu.memory_space<vmem>>
    %dma_start3A_90 = arith.constant 0 : i32
    %dma_start3A_91 = tpu.memref_slice %arg5[%add3A_75, %dma_start3A_90] : memref<4096x128xf32, #tpu.memory_space<hbm>> -> memref<64x128xf32, #tpu.memory_space<hbm>>
    tpu.enqueue_dma source(%dma_start3A_91 : memref<64x128xf32, #tpu.memory_space<hbm>>) target(%dma_start3A_89 : memref<64x128xf32, #tpu.memory_space<vmem>>) target_semaphore(%dma_start3A_85 : memref<!tpu.dma_semaphore, #tpu.memory_space<semaphore_mem>>)
    %dma_wait3A = arith.constant 0 : i32
    %dma_wait3A_92 = arith.constant 0 : i32
    %dma_wait3A_93 = arith.constant 0 : i32
    %dma_wait3A_94 = tpu.memref_slice %arg11[%dma_wait3A, %dma_wait3A_92, %dma_wait3A_93] : memref<2x8x128xi32, #tpu.memory_space<vmem>> -> memref<1x8x128xi32, #tpu.memory_space<vmem>>
    %dma_wait3A_95 = tpu.memref_squeeze %dma_wait3A_94 : memref<1x8x128xi32, #tpu.memory_space<vmem>> -> memref<8x128xi32, #tpu.memory_space<vmem>>
    %dma_wait3A_96 = tpu.memref_slice %arg3[%mul3A_24, %add3A_26] : memref<32x2048xi32, #tpu.memory_space<hbm>> -> memref<8x128xi32, #tpu.memory_space<hbm>>
    %dma_wait3A_97 = arith.constant 0 : i32
    %dma_wait3A_98 = arith.constant 0 : i32
    %dma_wait3A_99 = tpu.memref_slice %arg11[%dma_wait3A, %dma_wait3A_97, %dma_wait3A_98] : memref<2x8x128xi32, #tpu.memory_space<vmem>> -> memref<1x8x128xi32, #tpu.memory_space<vmem>>
    %dma_wait3A_100 = tpu.memref_squeeze %dma_wait3A_99 : memref<1x8x128xi32, #tpu.memory_space<vmem>> -> memref<8x128xi32, #tpu.memory_space<vmem>>
    %dma_wait3A_101 = tpu.memref_slice %arg3[%mul3A_24, %add3A_26] : memref<32x2048xi32, #tpu.memory_space<hbm>> -> memref<8x128xi32, #tpu.memory_space<hbm>>
    tpu.wait_dma2 semaphore(%arg18 : memref<!tpu.dma_semaphore, #tpu.memory_space<semaphore_mem>>) src(%dma_wait3A_101 : memref<8x128xi32, #tpu.memory_space<hbm>>) dst(%dma_wait3A_100 : memref<8x128xi32, #tpu.memory_space<vmem>>)
    %dma_wait3A_102 = arith.constant 1 : i32
    %dma_wait3A_103 = arith.constant 0 : i32
    %dma_wait3A_104 = arith.constant 0 : i32
    %dma_wait3A_105 = tpu.memref_slice %arg11[%dma_wait3A_102, %dma_wait3A_103, %dma_wait3A_104] : memref<2x8x128xi32, #tpu.memory_space<vmem>> -> memref<1x8x128xi32, #tpu.memory_space<vmem>>
    %dma_wait3A_106 = tpu.memref_squeeze %dma_wait3A_105 : memref<1x8x128xi32, #tpu.memory_space<vmem>> -> memref<8x128xi32, #tpu.memory_space<vmem>>
    %dma_wait3A_107 = tpu.memref_slice %arg3[%mul3A_28, %add3A_30] : memref<32x2048xi32, #tpu.memory_space<hbm>> -> memref<8x128xi32, #tpu.memory_space<hbm>>
    %dma_wait3A_108 = arith.constant 0 : i32
    %dma_wait3A_109 = arith.constant 0 : i32
    %dma_wait3A_110 = tpu.memref_slice %arg11[%dma_wait3A_102, %dma_wait3A_108, %dma_wait3A_109] : memref<2x8x128xi32, #tpu.memory_space<vmem>> -> memref<1x8x128xi32, #tpu.memory_space<vmem>>
    %dma_wait3A_111 = tpu.memref_squeeze %dma_wait3A_110 : memref<1x8x128xi32, #tpu.memory_space<vmem>> -> memref<8x128xi32, #tpu.memory_space<vmem>>
    %dma_wait3A_112 = tpu.memref_slice %arg3[%mul3A_28, %add3A_30] : memref<32x2048xi32, #tpu.memory_space<hbm>> -> memref<8x128xi32, #tpu.memory_space<hbm>>
    tpu.wait_dma2 semaphore(%arg18 : memref<!tpu.dma_semaphore, #tpu.memory_space<semaphore_mem>>) src(%dma_wait3A_112 : memref<8x128xi32, #tpu.memory_space<hbm>>) dst(%dma_wait3A_111 : memref<8x128xi32, #tpu.memory_space<vmem>>)
    %dma_start3A_113 = arith.constant 0 : i32
    %dma_start3A_114 = arith.constant 0 : i32
    %dma_start3A_115 = arith.constant 0 : i32
    %dma_start3A_116 = arith.constant 0 : i32
    %dma_start3A_117 = tpu.memref_slice %arg14[%dma_start3A_115, %dma_start3A_116] : memref<256x128xf32, #tpu.memory_space<vmem>> -> memref<64x128xf32, #tpu.memory_space<vmem>>
    %dma_start3A_118 = arith.constant 0 : i32
    %dma_start3A_119 = tpu.memref_slice %arg11[%dma_start3A_113, %dma_start3A_114, %dma_start3A_118] : memref<2x8x128xi32, #tpu.memory_space<vmem>> -> memref<1x1x64xi32, #tpu.memory_space<vmem>>
    %dma_start3A_120 = tpu.memref_squeeze %dma_start3A_119 : memref<1x1x64xi32, #tpu.memory_space<vmem>> -> memref<64xi32, #tpu.memory_space<vmem>>
    %dma_start3A_121 = arith.constant 0 : i32
    %dma_start3A_122 = arith.constant 0 : i32
    %dma_start3A_123 = tpu.memref_slice %arg4[%dma_start3A_121, %dma_start3A_122] : memref<100000x128xf32, #tpu.memory_space<hbm>> -> memref<100000x128xf32, #tpu.memory_space<hbm>>
    tpu.enqueue_indirect_dma source(%dma_start3A_123 : memref<100000x128xf32, #tpu.memory_space<hbm>>) target(%dma_start3A_117 : memref<64x128xf32, #tpu.memory_space<vmem>>) offsets(%dma_start3A_120 : memref<64xi32, #tpu.memory_space<vmem>>) semaphore(%arg21 : memref<!tpu.dma_semaphore, #tpu.memory_space<semaphore_mem>>)
    %dma_start3A_124 = arith.constant 0 : i32
    %dma_start3A_125 = arith.constant 1 : i32
    %dma_start3A_126 = arith.constant 1 : i32
    %dma_start3A_127 = arith.constant 1 : i32
    %dma_start3A_128 = arith.constant 0 : i32
    %dma_start3A_129 = arith.constant 0 : i32
    %dma_start3A_130 = tpu.memref_slice %arg13[%dma_start3A_126, %dma_start3A_128, %dma_start3A_129] : memref<4x64x128xf32, #tpu.memory_space<vmem>> -> memref<1x64x128xf32, #tpu.memory_space<vmem>>
    %dma_start3A_131 = tpu.memref_squeeze %dma_start3A_130 : memref<1x64x128xf32, #tpu.memory_space<vmem>> -> memref<64x128xf32, #tpu.memory_space<vmem>>
    %dma_start3A_132 = arith.constant 0 : i32
    %dma_start3A_133 = tpu.memref_slice %arg11[%dma_start3A_124, %dma_start3A_125, %dma_start3A_132] : memref<2x8x128xi32, #tpu.memory_space<vmem>> -> memref<1x1x64xi32, #tpu.memory_space<vmem>>
    %dma_start3A_134 = tpu.memref_squeeze %dma_start3A_133 : memref<1x1x64xi32, #tpu.memory_space<vmem>> -> memref<64xi32, #tpu.memory_space<vmem>>
    %dma_start3A_135 = arith.constant 0 : i32
    %dma_start3A_136 = arith.constant 0 : i32
    %dma_start3A_137 = tpu.memref_slice %arg4[%dma_start3A_135, %dma_start3A_136] : memref<100000x128xf32, #tpu.memory_space<hbm>> -> memref<100000x128xf32, #tpu.memory_space<hbm>>
    %dma_start3A_138 = tpu.memref_slice %arg22[%dma_start3A_127] : memref<4x!tpu.dma_semaphore, #tpu.memory_space<semaphore_mem>> -> memref<1x!tpu.dma_semaphore, #tpu.memory_space<semaphore_mem>>
    %dma_start3A_139 = tpu.memref_squeeze %dma_start3A_138 : memref<1x!tpu.dma_semaphore, #tpu.memory_space<semaphore_mem>> -> memref<!tpu.dma_semaphore, #tpu.memory_space<semaphore_mem>>
    tpu.enqueue_indirect_dma source(%dma_start3A_137 : memref<100000x128xf32, #tpu.memory_space<hbm>>) target(%dma_start3A_131 : memref<64x128xf32, #tpu.memory_space<vmem>>) offsets(%dma_start3A_134 : memref<64xi32, #tpu.memory_space<vmem>>) semaphore(%dma_start3A_139 : memref<!tpu.dma_semaphore, #tpu.memory_space<semaphore_mem>>)
    %dma_start3A_140 = arith.constant 0 : i32
    %dma_start3A_141 = arith.constant 2 : i32
    %dma_start3A_142 = arith.constant 2 : i32
    %dma_start3A_143 = arith.constant 2 : i32
    %dma_start3A_144 = arith.constant 0 : i32
    %dma_start3A_145 = arith.constant 0 : i32
    %dma_start3A_146 = tpu.memref_slice %arg13[%dma_start3A_142, %dma_start3A_144, %dma_start3A_145] : memref<4x64x128xf32, #tpu.memory_space<vmem>> -> memref<1x64x128xf32, #tpu.memory_space<vmem>>
    %dma_start3A_147 = tpu.memref_squeeze %dma_start3A_146 : memref<1x64x128xf32, #tpu.memory_space<vmem>> -> memref<64x128xf32, #tpu.memory_space<vmem>>
    %dma_start3A_148 = arith.constant 0 : i32
    %dma_start3A_149 = tpu.memref_slice %arg11[%dma_start3A_140, %dma_start3A_141, %dma_start3A_148] : memref<2x8x128xi32, #tpu.memory_space<vmem>> -> memref<1x1x64xi32, #tpu.memory_space<vmem>>
    %dma_start3A_150 = tpu.memref_squeeze %dma_start3A_149 : memref<1x1x64xi32, #tpu.memory_space<vmem>> -> memref<64xi32, #tpu.memory_space<vmem>>
    %dma_start3A_151 = arith.constant 0 : i32
    %dma_start3A_152 = arith.constant 0 : i32
    %dma_start3A_153 = tpu.memref_slice %arg4[%dma_start3A_151, %dma_start3A_152] : memref<100000x128xf32, #tpu.memory_space<hbm>> -> memref<100000x128xf32, #tpu.memory_space<hbm>>
    %dma_start3A_154 = tpu.memref_slice %arg22[%dma_start3A_143] : memref<4x!tpu.dma_semaphore, #tpu.memory_space<semaphore_mem>> -> memref<1x!tpu.dma_semaphore, #tpu.memory_space<semaphore_mem>>
    %dma_start3A_155 = tpu.memref_squeeze %dma_start3A_154 : memref<1x!tpu.dma_semaphore, #tpu.memory_space<semaphore_mem>> -> memref<!tpu.dma_semaphore, #tpu.memory_space<semaphore_mem>>
    tpu.enqueue_indirect_dma source(%dma_start3A_153 : memref<100000x128xf32, #tpu.memory_space<hbm>>) target(%dma_start3A_147 : memref<64x128xf32, #tpu.memory_space<vmem>>) offsets(%dma_start3A_150 : memref<64xi32, #tpu.memory_space<vmem>>) semaphore(%dma_start3A_155 : memref<!tpu.dma_semaphore, #tpu.memory_space<semaphore_mem>>)
    %dma_start3A_156 = arith.constant 0 : i32
    %dma_start3A_157 = arith.constant 3 : i32
    %dma_start3A_158 = arith.constant 3 : i32
    %dma_start3A_159 = arith.constant 3 : i32
    %dma_start3A_160 = arith.constant 0 : i32
    %dma_start3A_161 = arith.constant 0 : i32
    %dma_start3A_162 = tpu.memref_slice %arg13[%dma_start3A_158, %dma_start3A_160, %dma_start3A_161] : memref<4x64x128xf32, #tpu.memory_space<vmem>> -> memref<1x64x128xf32, #tpu.memory_space<vmem>>
    %dma_start3A_163 = tpu.memref_squeeze %dma_start3A_162 : memref<1x64x128xf32, #tpu.memory_space<vmem>> -> memref<64x128xf32, #tpu.memory_space<vmem>>
    %dma_start3A_164 = arith.constant 0 : i32
    %dma_start3A_165 = tpu.memref_slice %arg11[%dma_start3A_156, %dma_start3A_157, %dma_start3A_164] : memref<2x8x128xi32, #tpu.memory_space<vmem>> -> memref<1x1x64xi32, #tpu.memory_space<vmem>>
    %dma_start3A_166 = tpu.memref_squeeze %dma_start3A_165 : memref<1x1x64xi32, #tpu.memory_space<vmem>> -> memref<64xi32, #tpu.memory_space<vmem>>
    %dma_start3A_167 = arith.constant 0 : i32
    %dma_start3A_168 = arith.constant 0 : i32
    %dma_start3A_169 = tpu.memref_slice %arg4[%dma_start3A_167, %dma_start3A_168] : memref<100000x128xf32, #tpu.memory_space<hbm>> -> memref<100000x128xf32, #tpu.memory_space<hbm>>
    %dma_start3A_170 = tpu.memref_slice %arg22[%dma_start3A_159] : memref<4x!tpu.dma_semaphore, #tpu.memory_space<semaphore_mem>> -> memref<1x!tpu.dma_semaphore, #tpu.memory_space<semaphore_mem>>
    %dma_start3A_171 = tpu.memref_squeeze %dma_start3A_170 : memref<1x!tpu.dma_semaphore, #tpu.memory_space<semaphore_mem>> -> memref<!tpu.dma_semaphore, #tpu.memory_space<semaphore_mem>>
    tpu.enqueue_indirect_dma source(%dma_start3A_169 : memref<100000x128xf32, #tpu.memory_space<hbm>>) target(%dma_start3A_163 : memref<64x128xf32, #tpu.memory_space<vmem>>) offsets(%dma_start3A_166 : memref<64xi32, #tpu.memory_space<vmem>>) semaphore(%dma_start3A_171 : memref<!tpu.dma_semaphore, #tpu.memory_space<semaphore_mem>>)
    %dma_wait3A_172 = arith.constant 0 : i32
    %dma_wait3A_173 = tpu.memref_slice %arg2[%dma_wait3A_172, %multiple_of3A_22] : memref<4x2048xi32, #tpu.memory_space<hbm>> -> memref<4x256xi32, #tpu.memory_space<hbm>>
    %dma_wait3A_174 = arith.constant 0 : i32
    %dma_wait3A_175 = tpu.memref_slice %arg2[%dma_wait3A_174, %multiple_of3A_22] : memref<4x2048xi32, #tpu.memory_space<hbm>> -> memref<4x256xi32, #tpu.memory_space<hbm>>
    tpu.wait_dma2 semaphore(%arg19 : memref<!tpu.dma_semaphore, #tpu.memory_space<semaphore_mem>>) src(%dma_wait3A_175 : memref<4x256xi32, #tpu.memory_space<hbm>>) dst(%arg10 : memref<4x256xi32, #tpu.memory_space<vmem>>)
    tpu.wait_dma2 semaphore(%arg19 : memref<!tpu.dma_semaphore, #tpu.memory_space<semaphore_mem>>) src(%arg6 : memref<128xf32, #tpu.memory_space<hbm>>) dst(%arg16 : memref<128xf32, #tpu.memory_space<vmem>>)
    tpu.wait_dma2 semaphore(%arg19 : memref<!tpu.dma_semaphore, #tpu.memory_space<semaphore_mem>>) src(%arg7 : memref<128xf32, #tpu.memory_space<hbm>>) dst(%arg17 : memref<128xf32, #tpu.memory_space<vmem>>)
    %get3A = arith.constant 0 : index
    %get3A_176 = tpu.vector_load %arg16[%get3A] {strides = array<i32>} : memref<128xf32, #tpu.memory_space<vmem>>, vector<16xf32>,
    %get3A_177 = vector.shape_cast %get3A_176 : vector<16xf32> to vector<16xf32>
    %get3A_178 = arith.constant 16 : index
    %get3A_179 = tpu.vector_load %arg16[%get3A_178] {strides = array<i32>} : memref<128xf32, #tpu.memory_space<vmem>>, vector<16xf32>,
    %get3A_180 = vector.shape_cast %get3A_179 : vector<16xf32> to vector<16xf32>
    %get3A_181 = arith.constant 32 : index
    %get3A_182 = tpu.vector_load %arg16[%get3A_181] {strides = array<i32>} : memref<128xf32, #tpu.memory_space<vmem>>, vector<16xf32>,
    %get3A_183 = vector.shape_cast %get3A_182 : vector<16xf32> to vector<16xf32>
    %get3A_184 = arith.constant 48 : index
    %get3A_185 = tpu.vector_load %arg16[%get3A_184] {strides = array<i32>} : memref<128xf32, #tpu.memory_space<vmem>>, vector<16xf32>,
    %get3A_186 = vector.shape_cast %get3A_185 : vector<16xf32> to vector<16xf32>
    %get3A_187 = arith.constant 64 : index
    %get3A_188 = tpu.vector_load %arg16[%get3A_187] {strides = array<i32>} : memref<128xf32, #tpu.memory_space<vmem>>, vector<16xf32>,
    %get3A_189 = vector.shape_cast %get3A_188 : vector<16xf32> to vector<16xf32>
    %get3A_190 = arith.constant 80 : index
    %get3A_191 = tpu.vector_load %arg16[%get3A_190] {strides = array<i32>} : memref<128xf32, #tpu.memory_space<vmem>>, vector<16xf32>,
    %get3A_192 = vector.shape_cast %get3A_191 : vector<16xf32> to vector<16xf32>
    %get3A_193 = arith.constant 96 : index
    %get3A_194 = tpu.vector_load %arg16[%get3A_193] {strides = array<i32>} : memref<128xf32, #tpu.memory_space<vmem>>, vector<16xf32>,
    %get3A_195 = vector.shape_cast %get3A_194 : vector<16xf32> to vector<16xf32>
    %get3A_196 = arith.constant 112 : index
    %get3A_197 = tpu.vector_load %arg16[%get3A_196] {strides = array<i32>} : memref<128xf32, #tpu.memory_space<vmem>>, vector<16xf32>,
    %get3A_198 = vector.shape_cast %get3A_197 : vector<16xf32> to vector<16xf32>
    %get3A_199 = arith.constant 0 : index
    %get3A_200 = tpu.vector_load %arg17[%get3A_199] {strides = array<i32>} : memref<128xf32, #tpu.memory_space<vmem>>, vector<16xf32>,
    %get3A_201 = vector.shape_cast %get3A_200 : vector<16xf32> to vector<16xf32>
    %get3A_202 = arith.constant 16 : index
    %get3A_203 = tpu.vector_load %arg17[%get3A_202] {strides = array<i32>} : memref<128xf32, #tpu.memory_space<vmem>>, vector<16xf32>,
    %get3A_204 = vector.shape_cast %get3A_203 : vector<16xf32> to vector<16xf32>
    %get3A_205 = arith.constant 32 : index
    %get3A_206 = tpu.vector_load %arg17[%get3A_205] {strides = array<i32>} : memref<128xf32, #tpu.memory_space<vmem>>, vector<16xf32>,
    %get3A_207 = vector.shape_cast %get3A_206 : vector<16xf32> to vector<16xf32>
    %get3A_208 = arith.constant 48 : index
    %get3A_209 = tpu.vector_load %arg17[%get3A_208] {strides = array<i32>} : memref<128xf32, #tpu.memory_space<vmem>>, vector<16xf32>,
    %get3A_210 = vector.shape_cast %get3A_209 : vector<16xf32> to vector<16xf32>
    %get3A_211 = arith.constant 64 : index
    %get3A_212 = tpu.vector_load %arg17[%get3A_211] {strides = array<i32>} : memref<128xf32, #tpu.memory_space<vmem>>, vector<16xf32>,
    %get3A_213 = vector.shape_cast %get3A_212 : vector<16xf32> to vector<16xf32>
    %get3A_214 = arith.constant 80 : index
    %get3A_215 = tpu.vector_load %arg17[%get3A_214] {strides = array<i32>} : memref<128xf32, #tpu.memory_space<vmem>>, vector<16xf32>,
    %get3A_216 = vector.shape_cast %get3A_215 : vector<16xf32> to vector<16xf32>
    %get3A_217 = arith.constant 96 : index
    %get3A_218 = tpu.vector_load %arg17[%get3A_217] {strides = array<i32>} : memref<128xf32, #tpu.memory_space<vmem>>, vector<16xf32>,
    %get3A_219 = vector.shape_cast %get3A_218 : vector<16xf32> to vector<16xf32>
    %get3A_220 = arith.constant 112 : index
    %get3A_221 = tpu.vector_load %arg17[%get3A_220] {strides = array<i32>} : memref<128xf32, #tpu.memory_space<vmem>>, vector<16xf32>,
    %get3A_222 = vector.shape_cast %get3A_221 : vector<16xf32> to vector<16xf32>
    %dma_start3A_223 = arith.constant 0 : i32
    %dma_start3A_224 = arith.constant 0 : i32
    %dma_start3A_225 = tpu.memref_slice %arg12[%dma_start3A_223, %dma_start3A_224] : memref<256x128xf32, #tpu.memory_space<vmem>> -> memref<64x128xf32, #tpu.memory_space<vmem>>
    %dma_start3A_226 = arith.constant 0 : i32
    %dma_start3A_227 = tpu.memref_slice %arg10[%select_n3A, %dma_start3A_226] : memref<4x256xi32, #tpu.memory_space<vmem>> -> memref<1x64xi32, #tpu.memory_space<vmem>>
    %dma_start3A_228 = tpu.memref_squeeze %dma_start3A_227 : memref<1x64xi32, #tpu.memory_space<vmem>> -> memref<64xi32, #tpu.memory_space<vmem>>
    %dma_start3A_229 = arith.constant 0 : i32
    %dma_start3A_230 = arith.constant 0 : i32
    %dma_start3A_231 = tpu.memref_slice %arg4[%dma_start3A_229, %dma_start3A_230] : memref<100000x128xf32, #tpu.memory_space<hbm>> -> memref<100000x128xf32, #tpu.memory_space<hbm>>
    tpu.enqueue_indirect_dma source(%dma_start3A_231 : memref<100000x128xf32, #tpu.memory_space<hbm>>) target(%dma_start3A_225 : memref<64x128xf32, #tpu.memory_space<vmem>>) offsets(%dma_start3A_228 : memref<64xi32, #tpu.memory_space<vmem>>) semaphore(%arg20 : memref<!tpu.dma_semaphore, #tpu.memory_space<semaphore_mem>>)
    %dma_start3A_232 = arith.constant 64 : i32
    %dma_start3A_233 = arith.constant 0 : i32
    %dma_start3A_234 = tpu.memref_slice %arg12[%dma_start3A_232, %dma_start3A_233] : memref<256x128xf32, #tpu.memory_space<vmem>> -> memref<64x128xf32, #tpu.memory_space<vmem>>
    %dma_start3A_235 = arith.constant 64 : i32
    %dma_start3A_236 = tpu.memref_slice %arg10[%select_n3A, %dma_start3A_235] : memref<4x256xi32, #tpu.memory_space<vmem>> -> memref<1x64xi32, #tpu.memory_space<vmem>>
    %dma_start3A_237 = tpu.memref_squeeze %dma_start3A_236 : memref<1x64xi32, #tpu.memory_space<vmem>> -> memref<64xi32, #tpu.memory_space<vmem>>
    %dma_start3A_238 = arith.constant 0 : i32
    %dma_start3A_239 = arith.constant 0 : i32
    %dma_start3A_240 = tpu.memref_slice %arg4[%dma_start3A_238, %dma_start3A_239] : memref<100000x128xf32, #tpu.memory_space<hbm>> -> memref<100000x128xf32, #tpu.memory_space<hbm>>
    tpu.enqueue_indirect_dma source(%dma_start3A_240 : memref<100000x128xf32, #tpu.memory_space<hbm>>) target(%dma_start3A_234 : memref<64x128xf32, #tpu.memory_space<vmem>>) offsets(%dma_start3A_237 : memref<64xi32, #tpu.memory_space<vmem>>) semaphore(%arg20 : memref<!tpu.dma_semaphore, #tpu.memory_space<semaphore_mem>>)
    %dma_start3A_241 = arith.constant 128 : i32
    %dma_start3A_242 = arith.constant 0 : i32
    %dma_start3A_243 = tpu.memref_slice %arg12[%dma_start3A_241, %dma_start3A_242] : memref<256x128xf32, #tpu.memory_space<vmem>> -> memref<64x128xf32, #tpu.memory_space<vmem>>
    %dma_start3A_244 = arith.constant 128 : i32
    %dma_start3A_245 = tpu.memref_slice %arg10[%select_n3A, %dma_start3A_244] : memref<4x256xi32, #tpu.memory_space<vmem>> -> memref<1x64xi32, #tpu.memory_space<vmem>>
    %dma_start3A_246 = tpu.memref_squeeze %dma_start3A_245 : memref<1x64xi32, #tpu.memory_space<vmem>> -> memref<64xi32, #tpu.memory_space<vmem>>
    %dma_start3A_247 = arith.constant 0 : i32
    %dma_start3A_248 = arith.constant 0 : i32
    %dma_start3A_249 = tpu.memref_slice %arg4[%dma_start3A_247, %dma_start3A_248] : memref<100000x128xf32, #tpu.memory_space<hbm>> -> memref<100000x128xf32, #tpu.memory_space<hbm>>
    tpu.enqueue_indirect_dma source(%dma_start3A_249 : memref<100000x128xf32, #tpu.memory_space<hbm>>) target(%dma_start3A_243 : memref<64x128xf32, #tpu.memory_space<vmem>>) offsets(%dma_start3A_246 : memref<64xi32, #tpu.memory_space<vmem>>) semaphore(%arg20 : memref<!tpu.dma_semaphore, #tpu.memory_space<semaphore_mem>>)
    %dma_start3A_250 = arith.constant 192 : i32
    %dma_start3A_251 = arith.constant 0 : i32
    %dma_start3A_252 = tpu.memref_slice %arg12[%dma_start3A_250, %dma_start3A_251] : memref<256x128xf32, #tpu.memory_space<vmem>> -> memref<64x128xf32, #tpu.memory_space<vmem>>
    %dma_start3A_253 = arith.constant 192 : i32
    %dma_start3A_254 = tpu.memref_slice %arg10[%select_n3A, %dma_start3A_253] : memref<4x256xi32, #tpu.memory_space<vmem>> -> memref<1x64xi32, #tpu.memory_space<vmem>>
    %dma_start3A_255 = tpu.memref_squeeze %dma_start3A_254 : memref<1x64xi32, #tpu.memory_space<vmem>> -> memref<64xi32, #tpu.memory_space<vmem>>
    %dma_start3A_256 = arith.constant 0 : i32
    %dma_start3A_257 = arith.constant 0 : i32
    %dma_start3A_258 = tpu.memref_slice %arg4[%dma_start3A_256, %dma_start3A_257] : memref<100000x128xf32, #tpu.memory_space<hbm>> -> memref<100000x128xf32, #tpu.memory_space<hbm>>
    tpu.enqueue_indirect_dma source(%dma_start3A_258 : memref<100000x128xf32, #tpu.memory_space<hbm>>) target(%dma_start3A_252 : memref<64x128xf32, #tpu.memory_space<vmem>>) offsets(%dma_start3A_255 : memref<64xi32, #tpu.memory_space<vmem>>) semaphore(%arg20 : memref<!tpu.dma_semaphore, #tpu.memory_space<semaphore_mem>>)
    %scan3A = arith.constant 0 : i32
    %scan3A_259 = arith.constant 0 : i32
    %scan3A_260 = arith.constant 32 : i32
    %scan3A_261 = arith.addi %scan3A_259, %scan3A_260 : i32
    %scan3A_262 = arith.constant 1 : i32
    %scan3A_263 = scf.for %scan3A_361 = %scan3A_259 to %scan3A_261 step %scan3A_262 iter_args(%scan3A_362 = %scan3A) -> (i32)  : i32 {
      %jit3A_363 = arith.constant 8 : i32
      %div3A_364 = arith.divsi %scan3A_361, %jit3A_363 : i32
      %sign3A_365 = arith.constant 0 : i32
      %sign3A_366 = arith.cmpi sgt, %scan3A_361, %sign3A_365 : i32
      %sign3A_367 = arith.extui %sign3A_366 : i1 to i32
      %sign3A_368 = arith.constant 0 : i32
      %sign3A_369 = arith.cmpi slt, %scan3A_361, %sign3A_368 : i32
      %sign3A_370 = arith.extui %sign3A_369 : i1 to i32
      %sign3A_371 = arith.subi %sign3A_367, %sign3A_370 : i32
      %sign3A_372 = arith.constant 0 : i32
      %sign3A_373 = arith.cmpi sgt, %jit3A_363, %sign3A_372 : i32
      %sign3A_374 = arith.extui %sign3A_373 : i1 to i32
      %sign3A_375 = arith.constant 0 : i32
      %sign3A_376 = arith.cmpi slt, %jit3A_363, %sign3A_375 : i32
      %sign3A_377 = arith.extui %sign3A_376 : i1 to i32
      %sign3A_378 = arith.subi %sign3A_374, %sign3A_377 : i32
      %ne3A_379 = arith.cmpi ne, %sign3A_371, %sign3A_378 : i32
      %rem3A_380 = arith.remsi %scan3A_361, %jit3A_363 : i32
      %ne3A_381 = arith.constant 0 : i32
      %ne3A_382 = arith.cmpi ne, %rem3A_380, %ne3A_381 : i32
      %and3A_383 = arith.andi %ne3A_379, %ne3A_382 : i1
      %sub3A_384 = arith.constant 1 : i32
      %sub3A_385 = arith.subi %div3A_364, %sub3A_384 : i32
      %select_n3A_386 = arith.select %and3A_383, %sub3A_385, %div3A_364 : i32
      %mul3A_387 = arith.constant 8 : i32
      %mul3A_388 = arith.muli %select_n3A_386, %mul3A_387 : i32
      %sub3A_389 = arith.subi %scan3A_361, %mul3A_388 : i32
      %jit3A_390 = arith.constant 2 : i32
      %div3A_391 = arith.divsi %select_n3A_386, %jit3A_390 : i32
      %sign3A_392 = arith.constant 0 : i32
      %sign3A_393 = arith.cmpi sgt, %select_n3A_386, %sign3A_392 : i32
      %sign3A_394 = arith.extui %sign3A_393 : i1 to i32
      %sign3A_395 = arith.constant 0 : i32
      %sign3A_396 = arith.cmpi slt, %select_n3A_386, %sign3A_395 : i32
      %sign3A_397 = arith.extui %sign3A_396 : i1 to i32
      %sign3A_398 = arith.subi %sign3A_394, %sign3A_397 : i32
      %sign3A_399 = arith.constant 0 : i32
      %sign3A_400 = arith.cmpi sgt, %jit3A_390, %sign3A_399 : i32
      %sign3A_401 = arith.extui %sign3A_400 : i1 to i32
      %sign3A_402 = arith.constant 0 : i32
      %sign3A_403 = arith.cmpi slt, %jit3A_390, %sign3A_402 : i32
      %sign3A_404 = arith.extui %sign3A_403 : i1 to i32
      %sign3A_405 = arith.subi %sign3A_401, %sign3A_404 : i32
      %ne3A_406 = arith.cmpi ne, %sign3A_398, %sign3A_405 : i32
      %rem3A_407 = arith.remsi %select_n3A_386, %jit3A_390 : i32
      %ne3A_408 = arith.constant 0 : i32
      %ne3A_409 = arith.cmpi ne, %rem3A_407, %ne3A_408 : i32
      %and3A_410 = arith.andi %ne3A_406, %ne3A_409 : i1
      %sub3A_411 = arith.constant 1 : i32
      %sub3A_412 = arith.subi %div3A_391, %sub3A_411 : i32
      %select_n3A_413 = arith.select %and3A_410, %sub3A_412, %div3A_391 : i32
      %mul3A_414 = arith.constant 2 : i32
      %mul3A_415 = arith.muli %select_n3A_413, %mul3A_414 : i32
      %sub3A_416 = arith.subi %select_n3A_386, %mul3A_415 : i32
      %mul3A_417 = arith.constant 64 : i32
      %mul3A_418 = arith.muli %sub3A_416, %mul3A_417 : i32
      %multiple_of3A_419 = tpu.assume_multiple %mul3A_418, 64 : i32
      %mul3A_420 = arith.constant 64 : i32
      %mul3A_421 = arith.muli %select_n3A_386, %mul3A_420 : i32
      %multiple_of3A_422 = tpu.assume_multiple %mul3A_421, 64 : i32
      %mul3A_423 = arith.constant 64 : i32
      %mul3A_424 = arith.muli %select_n3A_386, %mul3A_423 : i32
      %multiple_of3A_425 = tpu.assume_multiple %mul3A_424, 64 : i32
      %eq3A = arith.constant 0 : i32
      %eq3A_426 = arith.cmpi eq, %sub3A_389, %eq3A : i32
      %convert_element_type3A = arith.extui %eq3A_426 : i1 to i32
      %cond3A = arith.constant 0 : i32
      %cond3A_427 = arith.cmpi ne, %convert_element_type3A, %cond3A : i32
      scf.if %cond3A_427 {
        %dma_wait3A_445 = arith.constant 0 : i32
        %dma_wait3A_446 = tpu.memref_slice %arg14[%multiple_of3A_422, %dma_wait3A_445] : memref<256x128xf32, #tpu.memory_space<vmem>> -> memref<64x128xf32, #tpu.memory_space<vmem>>
        %dma_wait3A_447 = tpu.memref_slice %arg11[%select_n3A_413, %sub3A_389, %multiple_of3A_419] : memref<2x8x128xi32, #tpu.memory_space<vmem>> -> memref<1x1x64xi32, #tpu.memory_space<vmem>>
        %dma_wait3A_448 = tpu.memref_squeeze %dma_wait3A_447 : memref<1x1x64xi32, #tpu.memory_space<vmem>> -> memref<64xi32, #tpu.memory_space<vmem>>
        %dma_wait3A_449 = arith.constant 0 : i32
        %dma_wait3A_450 = arith.constant 0 : i32
        %dma_wait3A_451 = tpu.memref_slice %arg4[%dma_wait3A_449, %dma_wait3A_450] : memref<100000x128xf32, #tpu.memory_space<hbm>> -> memref<100000x128xf32, #tpu.memory_space<hbm>>
        tpu.wait_indirect_dma semaphore(%arg21 : memref<!tpu.dma_semaphore, #tpu.memory_space<semaphore_mem>>) src(%dma_wait3A_451 : memref<100000x128xf32, #tpu.memory_space<hbm>>) dst(%dma_wait3A_446 : memref<64x128xf32, #tpu.memory_space<vmem>>)
      } else {
      }
      %ne3A_428 = arith.constant 0 : i32
      %ne3A_429 = arith.cmpi ne, %sub3A_389, %ne3A_428 : i32
      %convert_element_type3A_430 = arith.extui %ne3A_429 : i1 to i32
      %cond3A_431 = arith.constant 0 : i32
      %cond3A_432 = arith.cmpi ne, %convert_element_type3A_430, %cond3A_431 : i32
      scf.if %cond3A_432 {
        %jit3A_445 = arith.constant 4 : i32
        %eq3A_446 = arith.constant 0 : i32
        %eq3A_447 = arith.cmpi eq, %jit3A_445, %eq3A_446 : i32
        %jit3A_448 = arith.constant 1 : i32
        %select_n3A_449 = arith.select %eq3A_447, %jit3A_448, %jit3A_445 : i32
        %rem3A_450 = arith.remsi %scan3A_361, %select_n3A_449 : i32
        %ne3A_451 = arith.constant 0 : i32
        %ne3A_452 = arith.cmpi ne, %rem3A_450, %ne3A_451 : i32
        %lt3A_453 = arith.constant 0 : i32
        %lt3A_454 = arith.cmpi slt, %rem3A_450, %lt3A_453 : i32
        %lt3A_455 = arith.constant 0 : i32
        %lt3A_456 = arith.cmpi slt, %select_n3A_449, %lt3A_455 : i32
        %ne3A_457 = arith.xori %lt3A_454, %lt3A_456 : i1
        %and3A_458 = arith.andi %ne3A_457, %ne3A_452 : i1
        %add3A_459 = arith.addi %rem3A_450, %select_n3A_449 : i32
        %select_n3A_460 = arith.select %and3A_458, %add3A_459, %rem3A_450 : i32
        %dma_wait3A_461 = arith.constant 0 : i32
        %dma_wait3A_462 = arith.constant 0 : i32
        %dma_wait3A_463 = tpu.memref_slice %arg13[%select_n3A_460, %dma_wait3A_461, %dma_wait3A_462] : memref<4x64x128xf32, #tpu.memory_space<vmem>> -> memref<1x64x128xf32, #tpu.memory_space<vmem>>
        %dma_wait3A_464 = tpu.memref_squeeze %dma_wait3A_463 : memref<1x64x128xf32, #tpu.memory_space<vmem>> -> memref<64x128xf32, #tpu.memory_space<vmem>>
        %dma_wait3A_465 = tpu.memref_slice %arg11[%select_n3A_413, %sub3A_389, %multiple_of3A_419] : memref<2x8x128xi32, #tpu.memory_space<vmem>> -> memref<1x1x64xi32, #tpu.memory_space<vmem>>
        %dma_wait3A_466 = tpu.memref_squeeze %dma_wait3A_465 : memref<1x1x64xi32, #tpu.memory_space<vmem>> -> memref<64xi32, #tpu.memory_space<vmem>>
        %dma_wait3A_467 = arith.constant 0 : i32
        %dma_wait3A_468 = arith.constant 0 : i32
        %dma_wait3A_469 = tpu.memref_slice %arg4[%dma_wait3A_467, %dma_wait3A_468] : memref<100000x128xf32, #tpu.memory_space<hbm>> -> memref<100000x128xf32, #tpu.memory_space<hbm>>
        %dma_wait3A_470 = tpu.memref_slice %arg22[%select_n3A_460] : memref<4x!tpu.dma_semaphore, #tpu.memory_space<semaphore_mem>> -> memref<1x!tpu.dma_semaphore, #tpu.memory_space<semaphore_mem>>
        %dma_wait3A_471 = tpu.memref_squeeze %dma_wait3A_470 : memref<1x!tpu.dma_semaphore, #tpu.memory_space<semaphore_mem>> -> memref<!tpu.dma_semaphore, #tpu.memory_space<semaphore_mem>>
        tpu.wait_indirect_dma semaphore(%dma_wait3A_471 : memref<!tpu.dma_semaphore, #tpu.memory_space<semaphore_mem>>) src(%dma_wait3A_469 : memref<100000x128xf32, #tpu.memory_space<hbm>>) dst(%dma_wait3A_464 : memref<64x128xf32, #tpu.memory_space<vmem>>)
        %jit3A_472 = arith.constant 4 : i32
        %eq3A_473 = arith.constant 0 : i32
        %eq3A_474 = arith.cmpi eq, %jit3A_472, %eq3A_473 : i32
        %jit3A_475 = arith.constant 1 : i32
        %select_n3A_476 = arith.select %eq3A_474, %jit3A_475, %jit3A_472 : i32
        %rem3A_477 = arith.remsi %scan3A_361, %select_n3A_476 : i32
        %ne3A_478 = arith.constant 0 : i32
        %ne3A_479 = arith.cmpi ne, %rem3A_477, %ne3A_478 : i32
        %lt3A_480 = arith.constant 0 : i32
        %lt3A_481 = arith.cmpi slt, %rem3A_477, %lt3A_480 : i32
        %lt3A_482 = arith.constant 0 : i32
        %lt3A_483 = arith.cmpi slt, %select_n3A_476, %lt3A_482 : i32
        %ne3A_484 = arith.xori %lt3A_481, %lt3A_483 : i1
        %and3A_485 = arith.andi %ne3A_484, %ne3A_479 : i1
        %add3A_486 = arith.addi %rem3A_477, %select_n3A_476 : i32
        %select_n3A_487 = arith.select %and3A_485, %add3A_486, %rem3A_477 : i32
        %parallel_loop3A = arith.constant 0 : i32
        %parallel_loop3A_488 = arith.constant 64 : i32
        %parallel_loop3A_489 = arith.constant 1 : i32
        scf.for %parallel_loop3A_490 = %parallel_loop3A to %parallel_loop3A_488 step %parallel_loop3A_489  : i32 {
          %parallel_loop3A_491 = arith.addi %multiple_of3A_425, %parallel_loop3A_490 : i32
          %parallel_loop3A_492 = arith.constant 0 : i32
          %parallel_loop3A_493 = arith.constant 0 : i32
          %parallel_loop3A_494 = tpu.memref_slice %arg13[%select_n3A_487, %parallel_loop3A_492, %parallel_loop3A_493] : memref<4x64x128xf32, #tpu.memory_space<vmem>> -> memref<1x64x128xf32, #tpu.memory_space<vmem>>
          %parallel_loop3A_495 = tpu.memref_squeeze %parallel_loop3A_494 : memref<1x64x128xf32, #tpu.memory_space<vmem>> -> memref<64x128xf32, #tpu.memory_space<vmem>>
          %parallel_loop3A_496 = arith.index_cast %parallel_loop3A_490 : i32 to index
          %parallel_loop3A_497 = arith.constant 0 : index
          %parallel_loop3A_498 = tpu.vector_load %parallel_loop3A_495[%parallel_loop3A_496, %parallel_loop3A_497] {strides = array<i32>} : memref<64x128xf32, #tpu.memory_space<vmem>>, vector<1x16xf32>,
          %parallel_loop3A_499 = vector.shape_cast %parallel_loop3A_498 : vector<1x16xf32> to vector<16xf32>
          %parallel_loop3A_500 = arith.index_cast %parallel_loop3A_491 : i32 to index
          %parallel_loop3A_501 = arith.constant 0 : index
          %parallel_loop3A_502 = tpu.vector_load %arg14[%parallel_loop3A_500, %parallel_loop3A_501] {strides = array<i32>} : memref<256x128xf32, #tpu.memory_space<vmem>>, vector<1x16xf32>,
          %parallel_loop3A_503 = vector.shape_cast %parallel_loop3A_502 : vector<1x16xf32> to vector<16xf32>
          %parallel_loop3A_504 = vector.shape_cast %parallel_loop3A_499 : vector<16xf32> to vector<1x16xf32>
          tpu.vector_store %arg14[%parallel_loop3A_500, %parallel_loop3A_501], %parallel_loop3A_504 {add = true, strides = array<i32>} : memref<256x128xf32, #tpu.memory_space<vmem>>, vector<1x16xf32>,
          %parallel_loop3A_505 = arith.addi %multiple_of3A_425, %parallel_loop3A_490 : i32
          %parallel_loop3A_506 = arith.constant 0 : i32
          %parallel_loop3A_507 = arith.constant 0 : i32
          %parallel_loop3A_508 = tpu.memref_slice %arg13[%select_n3A_487, %parallel_loop3A_506, %parallel_loop3A_507] : memref<4x64x128xf32, #tpu.memory_space<vmem>> -> memref<1x64x128xf32, #tpu.memory_space<vmem>>
          %parallel_loop3A_509 = tpu.memref_squeeze %parallel_loop3A_508 : memref<1x64x128xf32, #tpu.memory_space<vmem>> -> memref<64x128xf32, #tpu.memory_space<vmem>>
          %parallel_loop3A_510 = arith.index_cast %parallel_loop3A_490 : i32 to index
          %parallel_loop3A_511 = arith.constant 16 : index
          %parallel_loop3A_512 = tpu.vector_load %parallel_loop3A_509[%parallel_loop3A_510, %parallel_loop3A_511] {strides = array<i32>} : memref<64x128xf32, #tpu.memory_space<vmem>>, vector<1x16xf32>,
          %parallel_loop3A_513 = vector.shape_cast %parallel_loop3A_512 : vector<1x16xf32> to vector<16xf32>
          %parallel_loop3A_514 = arith.index_cast %parallel_loop3A_505 : i32 to index
          %parallel_loop3A_515 = arith.constant 16 : index
          %parallel_loop3A_516 = tpu.vector_load %arg14[%parallel_loop3A_514, %parallel_loop3A_515] {strides = array<i32>} : memref<256x128xf32, #tpu.memory_space<vmem>>, vector<1x16xf32>,
          %parallel_loop3A_517 = vector.shape_cast %parallel_loop3A_516 : vector<1x16xf32> to vector<16xf32>
          %parallel_loop3A_518 = vector.shape_cast %parallel_loop3A_513 : vector<16xf32> to vector<1x16xf32>
          tpu.vector_store %arg14[%parallel_loop3A_514, %parallel_loop3A_515], %parallel_loop3A_518 {add = true, strides = array<i32>} : memref<256x128xf32, #tpu.memory_space<vmem>>, vector<1x16xf32>,
          %parallel_loop3A_519 = arith.addi %multiple_of3A_425, %parallel_loop3A_490 : i32
          %parallel_loop3A_520 = arith.constant 0 : i32
          %parallel_loop3A_521 = arith.constant 0 : i32
          %parallel_loop3A_522 = tpu.memref_slice %arg13[%select_n3A_487, %parallel_loop3A_520, %parallel_loop3A_521] : memref<4x64x128xf32, #tpu.memory_space<vmem>> -> memref<1x64x128xf32, #tpu.memory_space<vmem>>
          %parallel_loop3A_523 = tpu.memref_squeeze %parallel_loop3A_522 : memref<1x64x128xf32, #tpu.memory_space<vmem>> -> memref<64x128xf32, #tpu.memory_space<vmem>>
          %parallel_loop3A_524 = arith.index_cast %parallel_loop3A_490 : i32 to index
          %parallel_loop3A_525 = arith.constant 32 : index
          %parallel_loop3A_526 = tpu.vector_load %parallel_loop3A_523[%parallel_loop3A_524, %parallel_loop3A_525] {strides = array<i32>} : memref<64x128xf32, #tpu.memory_space<vmem>>, vector<1x16xf32>,
          %parallel_loop3A_527 = vector.shape_cast %parallel_loop3A_526 : vector<1x16xf32> to vector<16xf32>
          %parallel_loop3A_528 = arith.index_cast %parallel_loop3A_519 : i32 to index
          %parallel_loop3A_529 = arith.constant 32 : index
          %parallel_loop3A_530 = tpu.vector_load %arg14[%parallel_loop3A_528, %parallel_loop3A_529] {strides = array<i32>} : memref<256x128xf32, #tpu.memory_space<vmem>>, vector<1x16xf32>,
          %parallel_loop3A_531 = vector.shape_cast %parallel_loop3A_530 : vector<1x16xf32> to vector<16xf32>
          %parallel_loop3A_532 = vector.shape_cast %parallel_loop3A_527 : vector<16xf32> to vector<1x16xf32>
          tpu.vector_store %arg14[%parallel_loop3A_528, %parallel_loop3A_529], %parallel_loop3A_532 {add = true, strides = array<i32>} : memref<256x128xf32, #tpu.memory_space<vmem>>, vector<1x16xf32>,
          %parallel_loop3A_533 = arith.addi %multiple_of3A_425, %parallel_loop3A_490 : i32
          %parallel_loop3A_534 = arith.constant 0 : i32
          %parallel_loop3A_535 = arith.constant 0 : i32
          %parallel_loop3A_536 = tpu.memref_slice %arg13[%select_n3A_487, %parallel_loop3A_534, %parallel_loop3A_535] : memref<4x64x128xf32, #tpu.memory_space<vmem>> -> memref<1x64x128xf32, #tpu.memory_space<vmem>>
          %parallel_loop3A_537 = tpu.memref_squeeze %parallel_loop3A_536 : memref<1x64x128xf32, #tpu.memory_space<vmem>> -> memref<64x128xf32, #tpu.memory_space<vmem>>
          %parallel_loop3A_538 = arith.index_cast %parallel_loop3A_490 : i32 to index
          %parallel_loop3A_539 = arith.constant 48 : index
          %parallel_loop3A_540 = tpu.vector_load %parallel_loop3A_537[%parallel_loop3A_538, %parallel_loop3A_539] {strides = array<i32>} : memref<64x128xf32, #tpu.memory_space<vmem>>, vector<1x16xf32>,
          %parallel_loop3A_541 = vector.shape_cast %parallel_loop3A_540 : vector<1x16xf32> to vector<16xf32>
          %parallel_loop3A_542 = arith.index_cast %parallel_loop3A_533 : i32 to index
          %parallel_loop3A_543 = arith.constant 48 : index
          %parallel_loop3A_544 = tpu.vector_load %arg14[%parallel_loop3A_542, %parallel_loop3A_543] {strides = array<i32>} : memref<256x128xf32, #tpu.memory_space<vmem>>, vector<1x16xf32>,
          %parallel_loop3A_545 = vector.shape_cast %parallel_loop3A_544 : vector<1x16xf32> to vector<16xf32>
          %parallel_loop3A_546 = vector.shape_cast %parallel_loop3A_541 : vector<16xf32> to vector<1x16xf32>
          tpu.vector_store %arg14[%parallel_loop3A_542, %parallel_loop3A_543], %parallel_loop3A_546 {add = true, strides = array<i32>} : memref<256x128xf32, #tpu.memory_space<vmem>>, vector<1x16xf32>,
          %parallel_loop3A_547 = arith.addi %multiple_of3A_425, %parallel_loop3A_490 : i32
          %parallel_loop3A_548 = arith.constant 0 : i32
          %parallel_loop3A_549 = arith.constant 0 : i32
          %parallel_loop3A_550 = tpu.memref_slice %arg13[%select_n3A_487, %parallel_loop3A_548, %parallel_loop3A_549] : memref<4x64x128xf32, #tpu.memory_space<vmem>> -> memref<1x64x128xf32, #tpu.memory_space<vmem>>
          %parallel_loop3A_551 = tpu.memref_squeeze %parallel_loop3A_550 : memref<1x64x128xf32, #tpu.memory_space<vmem>> -> memref<64x128xf32, #tpu.memory_space<vmem>>
          %parallel_loop3A_552 = arith.index_cast %parallel_loop3A_490 : i32 to index
          %parallel_loop3A_553 = arith.constant 64 : index
          %parallel_loop3A_554 = tpu.vector_load %parallel_loop3A_551[%parallel_loop3A_552, %parallel_loop3A_553] {strides = array<i32>} : memref<64x128xf32, #tpu.memory_space<vmem>>, vector<1x16xf32>,
          %parallel_loop3A_555 = vector.shape_cast %parallel_loop3A_554 : vector<1x16xf32> to vector<16xf32>
          %parallel_loop3A_556 = arith.index_cast %parallel_loop3A_547 : i32 to index
          %parallel_loop3A_557 = arith.constant 64 : index
          %parallel_loop3A_558 = tpu.vector_load %arg14[%parallel_loop3A_556, %parallel_loop3A_557] {strides = array<i32>} : memref<256x128xf32, #tpu.memory_space<vmem>>, vector<1x16xf32>,
          %parallel_loop3A_559 = vector.shape_cast %parallel_loop3A_558 : vector<1x16xf32> to vector<16xf32>
          %parallel_loop3A_560 = vector.shape_cast %parallel_loop3A_555 : vector<16xf32> to vector<1x16xf32>
          tpu.vector_store %arg14[%parallel_loop3A_556, %parallel_loop3A_557], %parallel_loop3A_560 {add = true, strides = array<i32>} : memref<256x128xf32, #tpu.memory_space<vmem>>, vector<1x16xf32>,
          %parallel_loop3A_561 = arith.addi %multiple_of3A_425, %parallel_loop3A_490 : i32
          %parallel_loop3A_562 = arith.constant 0 : i32
          %parallel_loop3A_563 = arith.constant 0 : i32
          %parallel_loop3A_564 = tpu.memref_slice %arg13[%select_n3A_487, %parallel_loop3A_562, %parallel_loop3A_563] : memref<4x64x128xf32, #tpu.memory_space<vmem>> -> memref<1x64x128xf32, #tpu.memory_space<vmem>>
          %parallel_loop3A_565 = tpu.memref_squeeze %parallel_loop3A_564 : memref<1x64x128xf32, #tpu.memory_space<vmem>> -> memref<64x128xf32, #tpu.memory_space<vmem>>
          %parallel_loop3A_566 = arith.index_cast %parallel_loop3A_490 : i32 to index
          %parallel_loop3A_567 = arith.constant 80 : index
          %parallel_loop3A_568 = tpu.vector_load %parallel_loop3A_565[%parallel_loop3A_566, %parallel_loop3A_567] {strides = array<i32>} : memref<64x128xf32, #tpu.memory_space<vmem>>, vector<1x16xf32>,
          %parallel_loop3A_569 = vector.shape_cast %parallel_loop3A_568 : vector<1x16xf32> to vector<16xf32>
          %parallel_loop3A_570 = arith.index_cast %parallel_loop3A_561 : i32 to index
          %parallel_loop3A_571 = arith.constant 80 : index
          %parallel_loop3A_572 = tpu.vector_load %arg14[%parallel_loop3A_570, %parallel_loop3A_571] {strides = array<i32>} : memref<256x128xf32, #tpu.memory_space<vmem>>, vector<1x16xf32>,
          %parallel_loop3A_573 = vector.shape_cast %parallel_loop3A_572 : vector<1x16xf32> to vector<16xf32>
          %parallel_loop3A_574 = vector.shape_cast %parallel_loop3A_569 : vector<16xf32> to vector<1x16xf32>
          tpu.vector_store %arg14[%parallel_loop3A_570, %parallel_loop3A_571], %parallel_loop3A_574 {add = true, strides = array<i32>} : memref<256x128xf32, #tpu.memory_space<vmem>>, vector<1x16xf32>,
          %parallel_loop3A_575 = arith.addi %multiple_of3A_425, %parallel_loop3A_490 : i32
          %parallel_loop3A_576 = arith.constant 0 : i32
          %parallel_loop3A_577 = arith.constant 0 : i32
          %parallel_loop3A_578 = tpu.memref_slice %arg13[%select_n3A_487, %parallel_loop3A_576, %parallel_loop3A_577] : memref<4x64x128xf32, #tpu.memory_space<vmem>> -> memref<1x64x128xf32, #tpu.memory_space<vmem>>
          %parallel_loop3A_579 = tpu.memref_squeeze %parallel_loop3A_578 : memref<1x64x128xf32, #tpu.memory_space<vmem>> -> memref<64x128xf32, #tpu.memory_space<vmem>>
          %parallel_loop3A_580 = arith.index_cast %parallel_loop3A_490 : i32 to index
          %parallel_loop3A_581 = arith.constant 96 : index
          %parallel_loop3A_582 = tpu.vector_load %parallel_loop3A_579[%parallel_loop3A_580, %parallel_loop3A_581] {strides = array<i32>} : memref<64x128xf32, #tpu.memory_space<vmem>>, vector<1x16xf32>,
          %parallel_loop3A_583 = vector.shape_cast %parallel_loop3A_582 : vector<1x16xf32> to vector<16xf32>
          %parallel_loop3A_584 = arith.index_cast %parallel_loop3A_575 : i32 to index
          %parallel_loop3A_585 = arith.constant 96 : index
          %parallel_loop3A_586 = tpu.vector_load %arg14[%parallel_loop3A_584, %parallel_loop3A_585] {strides = array<i32>} : memref<256x128xf32, #tpu.memory_space<vmem>>, vector<1x16xf32>,
          %parallel_loop3A_587 = vector.shape_cast %parallel_loop3A_586 : vector<1x16xf32> to vector<16xf32>
          %parallel_loop3A_588 = vector.shape_cast %parallel_loop3A_583 : vector<16xf32> to vector<1x16xf32>
          tpu.vector_store %arg14[%parallel_loop3A_584, %parallel_loop3A_585], %parallel_loop3A_588 {add = true, strides = array<i32>} : memref<256x128xf32, #tpu.memory_space<vmem>>, vector<1x16xf32>,
          %parallel_loop3A_589 = arith.addi %multiple_of3A_425, %parallel_loop3A_490 : i32
          %parallel_loop3A_590 = arith.constant 0 : i32
          %parallel_loop3A_591 = arith.constant 0 : i32
          %parallel_loop3A_592 = tpu.memref_slice %arg13[%select_n3A_487, %parallel_loop3A_590, %parallel_loop3A_591] : memref<4x64x128xf32, #tpu.memory_space<vmem>> -> memref<1x64x128xf32, #tpu.memory_space<vmem>>
          %parallel_loop3A_593 = tpu.memref_squeeze %parallel_loop3A_592 : memref<1x64x128xf32, #tpu.memory_space<vmem>> -> memref<64x128xf32, #tpu.memory_space<vmem>>
          %parallel_loop3A_594 = arith.index_cast %parallel_loop3A_490 : i32 to index
          %parallel_loop3A_595 = arith.constant 112 : index
          %parallel_loop3A_596 = tpu.vector_load %parallel_loop3A_593[%parallel_loop3A_594, %parallel_loop3A_595] {strides = array<i32>} : memref<64x128xf32, #tpu.memory_space<vmem>>, vector<1x16xf32>,
          %parallel_loop3A_597 = vector.shape_cast %parallel_loop3A_596 : vector<1x16xf32> to vector<16xf32>
          %parallel_loop3A_598 = arith.index_cast %parallel_loop3A_589 : i32 to index
          %parallel_loop3A_599 = arith.constant 112 : index
          %parallel_loop3A_600 = tpu.vector_load %arg14[%parallel_loop3A_598, %parallel_loop3A_599] {strides = array<i32>} : memref<256x128xf32, #tpu.memory_space<vmem>>, vector<1x16xf32>,
          %parallel_loop3A_601 = vector.shape_cast %parallel_loop3A_600 : vector<1x16xf32> to vector<16xf32>
          %parallel_loop3A_602 = vector.shape_cast %parallel_loop3A_597 : vector<16xf32> to vector<1x16xf32>
          tpu.vector_store %arg14[%parallel_loop3A_598, %parallel_loop3A_599], %parallel_loop3A_602 {add = true, strides = array<i32>} : memref<256x128xf32, #tpu.memory_space<vmem>>, vector<1x16xf32>,
        } {sc.loop_unroll_factor = 2 : i64, sc.parallel_access}
      } else {
      }
      %add3A_433 = arith.constant 4 : i32
      %add3A_434 = arith.addi %scan3A_361, %add3A_433 : i32
      %lt3A = arith.constant 32 : i32
      %lt3A_435 = arith.cmpi slt, %add3A_434, %lt3A : i32
      %convert_element_type3A_436 = arith.extui %lt3A_435 : i1 to i32
      %cond3A_437 = arith.constant 0 : i32
      %cond3A_438 = arith.cmpi ne, %convert_element_type3A_436, %cond3A_437 : i32
      scf.if %cond3A_438 {
        %add3A_445 = arith.constant 4 : i32
        %add3A_446 = arith.addi %scan3A_361, %add3A_445 : i32
        %jit3A_447 = arith.constant 8 : i32
        %div3A_448 = arith.divsi %add3A_446, %jit3A_447 : i32
        %sign3A_449 = arith.constant 0 : i32
        %sign3A_450 = arith.cmpi sgt, %add3A_446, %sign3A_449 : i32
        %sign3A_451 = arith.extui %sign3A_450 : i1 to i32
        %sign3A_452 = arith.constant 0 : i32
        %sign3A_453 = arith.cmpi slt, %add3A_446, %sign3A_452 : i32
        %sign3A_454 = arith.extui %sign3A_453 : i1 to i32
        %sign3A_455 = arith.subi %sign3A_451, %sign3A_454 : i32
        %sign3A_456 = arith.constant 0 : i32
        %sign3A_457 = arith.cmpi sgt, %jit3A_447, %sign3A_456 : i32
        %sign3A_458 = arith.extui %sign3A_457 : i1 to i32
        %sign3A_459 = arith.constant 0 : i32
        %sign3A_460 = arith.cmpi slt, %jit3A_447, %sign3A_459 : i32
        %sign3A_461 = arith.extui %sign3A_460 : i1 to i32
        %sign3A_462 = arith.subi %sign3A_458, %sign3A_461 : i32
        %ne3A_463 = arith.cmpi ne, %sign3A_455, %sign3A_462 : i32
        %rem3A_464 = arith.remsi %add3A_446, %jit3A_447 : i32
        %ne3A_465 = arith.constant 0 : i32
        %ne3A_466 = arith.cmpi ne, %rem3A_464, %ne3A_465 : i32
        %and3A_467 = arith.andi %ne3A_463, %ne3A_466 : i1
        %sub3A_468 = arith.constant 1 : i32
        %sub3A_469 = arith.subi %div3A_448, %sub3A_468 : i32
        %select_n3A_470 = arith.select %and3A_467, %sub3A_469, %div3A_448 : i32
        %mul3A_471 = arith.constant 8 : i32
        %mul3A_472 = arith.muli %select_n3A_470, %mul3A_471 : i32
        %sub3A_473 = arith.subi %add3A_446, %mul3A_472 : i32
        %jit3A_474 = arith.constant 2 : i32
        %div3A_475 = arith.divsi %select_n3A_470, %jit3A_474 : i32
        %sign3A_476 = arith.constant 0 : i32
        %sign3A_477 = arith.cmpi sgt, %select_n3A_470, %sign3A_476 : i32
        %sign3A_478 = arith.extui %sign3A_477 : i1 to i32
        %sign3A_479 = arith.constant 0 : i32
        %sign3A_480 = arith.cmpi slt, %select_n3A_470, %sign3A_479 : i32
        %sign3A_481 = arith.extui %sign3A_480 : i1 to i32
        %sign3A_482 = arith.subi %sign3A_478, %sign3A_481 : i32
        %sign3A_483 = arith.constant 0 : i32
        %sign3A_484 = arith.cmpi sgt, %jit3A_474, %sign3A_483 : i32
        %sign3A_485 = arith.extui %sign3A_484 : i1 to i32
        %sign3A_486 = arith.constant 0 : i32
        %sign3A_487 = arith.cmpi slt, %jit3A_474, %sign3A_486 : i32
        %sign3A_488 = arith.extui %sign3A_487 : i1 to i32
        %sign3A_489 = arith.subi %sign3A_485, %sign3A_488 : i32
        %ne3A_490 = arith.cmpi ne, %sign3A_482, %sign3A_489 : i32
        %rem3A_491 = arith.remsi %select_n3A_470, %jit3A_474 : i32
        %ne3A_492 = arith.constant 0 : i32
        %ne3A_493 = arith.cmpi ne, %rem3A_491, %ne3A_492 : i32
        %and3A_494 = arith.andi %ne3A_490, %ne3A_493 : i1
        %sub3A_495 = arith.constant 1 : i32
        %sub3A_496 = arith.subi %div3A_475, %sub3A_495 : i32
        %select_n3A_497 = arith.select %and3A_494, %sub3A_496, %div3A_475 : i32
        %mul3A_498 = arith.constant 2 : i32
        %mul3A_499 = arith.muli %select_n3A_497, %mul3A_498 : i32
        %sub3A_500 = arith.subi %select_n3A_470, %mul3A_499 : i32
        %mul3A_501 = arith.constant 64 : i32
        %mul3A_502 = arith.muli %sub3A_500, %mul3A_501 : i32
        %multiple_of3A_503 = tpu.assume_multiple %mul3A_502, 64 : i32
        %mul3A_504 = arith.constant 64 : i32
        %mul3A_505 = arith.muli %select_n3A_470, %mul3A_504 : i32
        %multiple_of3A_506 = tpu.assume_multiple %mul3A_505, 64 : i32
        %eq3A_507 = arith.constant 0 : i32
        %eq3A_508 = arith.cmpi eq, %sub3A_473, %eq3A_507 : i32
        %convert_element_type3A_509 = arith.extui %eq3A_508 : i1 to i32
        %cond3A_510 = arith.constant 0 : i32
        %cond3A_511 = arith.cmpi ne, %convert_element_type3A_509, %cond3A_510 : i32
        scf.if %cond3A_511 {
          %dma_start3A_517 = arith.constant 0 : i32
          %dma_start3A_518 = tpu.memref_slice %arg14[%multiple_of3A_506, %dma_start3A_517] : memref<256x128xf32, #tpu.memory_space<vmem>> -> memref<64x128xf32, #tpu.memory_space<vmem>>
          %dma_start3A_519 = tpu.memref_slice %arg11[%select_n3A_497, %sub3A_473, %multiple_of3A_503] : memref<2x8x128xi32, #tpu.memory_space<vmem>> -> memref<1x1x64xi32, #tpu.memory_space<vmem>>
          %dma_start3A_520 = tpu.memref_squeeze %dma_start3A_519 : memref<1x1x64xi32, #tpu.memory_space<vmem>> -> memref<64xi32, #tpu.memory_space<vmem>>
          %dma_start3A_521 = arith.constant 0 : i32
          %dma_start3A_522 = arith.constant 0 : i32
          %dma_start3A_523 = tpu.memref_slice %arg4[%dma_start3A_521, %dma_start3A_522] : memref<100000x128xf32, #tpu.memory_space<hbm>> -> memref<100000x128xf32, #tpu.memory_space<hbm>>
          tpu.enqueue_indirect_dma source(%dma_start3A_523 : memref<100000x128xf32, #tpu.memory_space<hbm>>) target(%dma_start3A_518 : memref<64x128xf32, #tpu.memory_space<vmem>>) offsets(%dma_start3A_520 : memref<64xi32, #tpu.memory_space<vmem>>) semaphore(%arg21 : memref<!tpu.dma_semaphore, #tpu.memory_space<semaphore_mem>>)
        } else {
        }
        %ne3A_512 = arith.constant 0 : i32
        %ne3A_513 = arith.cmpi ne, %sub3A_473, %ne3A_512 : i32
        %convert_element_type3A_514 = arith.extui %ne3A_513 : i1 to i32
        %cond3A_515 = arith.constant 0 : i32
        %cond3A_516 = arith.cmpi ne, %convert_element_type3A_514, %cond3A_515 : i32
        scf.if %cond3A_516 {
          %jit3A_517 = arith.constant 4 : i32
          %eq3A_518 = arith.constant 0 : i32
          %eq3A_519 = arith.cmpi eq, %jit3A_517, %eq3A_518 : i32
          %jit3A_520 = arith.constant 1 : i32
          %select_n3A_521 = arith.select %eq3A_519, %jit3A_520, %jit3A_517 : i32
          %rem3A_522 = arith.remsi %add3A_446, %select_n3A_521 : i32
          %ne3A_523 = arith.constant 0 : i32
          %ne3A_524 = arith.cmpi ne, %rem3A_522, %ne3A_523 : i32
          %lt3A_525 = arith.constant 0 : i32
          %lt3A_526 = arith.cmpi slt, %rem3A_522, %lt3A_525 : i32
          %lt3A_527 = arith.constant 0 : i32
          %lt3A_528 = arith.cmpi slt, %select_n3A_521, %lt3A_527 : i32
          %ne3A_529 = arith.xori %lt3A_526, %lt3A_528 : i1
          %and3A_530 = arith.andi %ne3A_529, %ne3A_524 : i1
          %add3A_531 = arith.addi %rem3A_522, %select_n3A_521 : i32
          %select_n3A_532 = arith.select %and3A_530, %add3A_531, %rem3A_522 : i32
          %dma_start3A_533 = arith.constant 0 : i32
          %dma_start3A_534 = arith.constant 0 : i32
          %dma_start3A_535 = tpu.memref_slice %arg13[%select_n3A_532, %dma_start3A_533, %dma_start3A_534] : memref<4x64x128xf32, #tpu.memory_space<vmem>> -> memref<1x64x128xf32, #tpu.memory_space<vmem>>
          %dma_start3A_536 = tpu.memref_squeeze %dma_start3A_535 : memref<1x64x128xf32, #tpu.memory_space<vmem>> -> memref<64x128xf32, #tpu.memory_space<vmem>>
          %dma_start3A_537 = tpu.memref_slice %arg11[%select_n3A_497, %sub3A_473, %multiple_of3A_503] : memref<2x8x128xi32, #tpu.memory_space<vmem>> -> memref<1x1x64xi32, #tpu.memory_space<vmem>>
          %dma_start3A_538 = tpu.memref_squeeze %dma_start3A_537 : memref<1x1x64xi32, #tpu.memory_space<vmem>> -> memref<64xi32, #tpu.memory_space<vmem>>
          %dma_start3A_539 = arith.constant 0 : i32
          %dma_start3A_540 = arith.constant 0 : i32
          %dma_start3A_541 = tpu.memref_slice %arg4[%dma_start3A_539, %dma_start3A_540] : memref<100000x128xf32, #tpu.memory_space<hbm>> -> memref<100000x128xf32, #tpu.memory_space<hbm>>
          %dma_start3A_542 = tpu.memref_slice %arg22[%select_n3A_532] : memref<4x!tpu.dma_semaphore, #tpu.memory_space<semaphore_mem>> -> memref<1x!tpu.dma_semaphore, #tpu.memory_space<semaphore_mem>>
          %dma_start3A_543 = tpu.memref_squeeze %dma_start3A_542 : memref<1x!tpu.dma_semaphore, #tpu.memory_space<semaphore_mem>> -> memref<!tpu.dma_semaphore, #tpu.memory_space<semaphore_mem>>
          tpu.enqueue_indirect_dma source(%dma_start3A_541 : memref<100000x128xf32, #tpu.memory_space<hbm>>) target(%dma_start3A_536 : memref<64x128xf32, #tpu.memory_space<vmem>>) offsets(%dma_start3A_538 : memref<64xi32, #tpu.memory_space<vmem>>) semaphore(%dma_start3A_543 : memref<!tpu.dma_semaphore, #tpu.memory_space<semaphore_mem>>)
        } else {
        }
      } else {
      }
      %eq3A_439 = arith.constant 7 : i32
      %eq3A_440 = arith.cmpi eq, %sub3A_389, %eq3A_439 : i32
      %convert_element_type3A_441 = arith.extui %eq3A_440 : i1 to i32
      %cond3A_442 = arith.constant 0 : i32
      %cond3A_443 = arith.cmpi ne, %convert_element_type3A_441, %cond3A_442 : i32
      scf.if %cond3A_443 {
        %dma_wait3A_445 = arith.constant 0 : i32
        %dma_wait3A_446 = tpu.memref_slice %arg12[%multiple_of3A_425, %dma_wait3A_445] : memref<256x128xf32, #tpu.memory_space<vmem>> -> memref<64x128xf32, #tpu.memory_space<vmem>>
        %dma_wait3A_447 = tpu.memref_slice %arg10[%select_n3A, %multiple_of3A_425] : memref<4x256xi32, #tpu.memory_space<vmem>> -> memref<1x64xi32, #tpu.memory_space<vmem>>
        %dma_wait3A_448 = tpu.memref_squeeze %dma_wait3A_447 : memref<1x64xi32, #tpu.memory_space<vmem>> -> memref<64xi32, #tpu.memory_space<vmem>>
        %dma_wait3A_449 = arith.constant 0 : i32
        %dma_wait3A_450 = arith.constant 0 : i32
        %dma_wait3A_451 = tpu.memref_slice %arg4[%dma_wait3A_449, %dma_wait3A_450] : memref<100000x128xf32, #tpu.memory_space<hbm>> -> memref<100000x128xf32, #tpu.memory_space<hbm>>
        tpu.wait_indirect_dma semaphore(%arg20 : memref<!tpu.dma_semaphore, #tpu.memory_space<semaphore_mem>>) src(%dma_wait3A_451 : memref<100000x128xf32, #tpu.memory_space<hbm>>) dst(%dma_wait3A_446 : memref<64x128xf32, #tpu.memory_space<vmem>>)
        %jit3A_452 = arith.constant 2 : i32
        %eq3A_453 = arith.constant 0 : i32
        %eq3A_454 = arith.cmpi eq, %jit3A_452, %eq3A_453 : i32
        %jit3A_455 = arith.constant 1 : i32
        %select_n3A_456 = arith.select %eq3A_454, %jit3A_455, %jit3A_452 : i32
        %rem3A_457 = arith.remsi %select_n3A_386, %select_n3A_456 : i32
        %ne3A_458 = arith.constant 0 : i32
        %ne3A_459 = arith.cmpi ne, %rem3A_457, %ne3A_458 : i32
        %lt3A_460 = arith.constant 0 : i32
        %lt3A_461 = arith.cmpi slt, %rem3A_457, %lt3A_460 : i32
        %lt3A_462 = arith.constant 0 : i32
        %lt3A_463 = arith.cmpi slt, %select_n3A_456, %lt3A_462 : i32
        %ne3A_464 = arith.xori %lt3A_461, %lt3A_463 : i1
        %and3A_465 = arith.andi %ne3A_464, %ne3A_459 : i1
        %add3A_466 = arith.addi %rem3A_457, %select_n3A_456 : i32
        %select_n3A_467 = arith.select %and3A_465, %add3A_466, %rem3A_457 : i32
        %add3A_468 = arith.addi %multiple_of3A_22, %multiple_of3A_425 : i32
        %dma_wait3A_469 = arith.constant 0 : i32
        %dma_wait3A_470 = arith.constant 0 : i32
        %dma_wait3A_471 = tpu.memref_slice %arg15[%select_n3A_467, %dma_wait3A_469, %dma_wait3A_470] : memref<2x64x128xf32, #tpu.memory_space<vmem>> -> memref<1x64x128xf32, #tpu.memory_space<vmem>>
        %dma_wait3A_472 = tpu.memref_squeeze %dma_wait3A_471 : memref<1x64x128xf32, #tpu.memory_space<vmem>> -> memref<64x128xf32, #tpu.memory_space<vmem>>
        %dma_wait3A_473 = arith.constant 0 : i32
        %dma_wait3A_474 = tpu.memref_slice %arg5[%add3A_468, %dma_wait3A_473] : memref<4096x128xf32, #tpu.memory_space<hbm>> -> memref<64x128xf32, #tpu.memory_space<hbm>>
        %dma_wait3A_475 = tpu.memref_slice %arg23[%select_n3A_467] : memref<2x!tpu.dma_semaphore, #tpu.memory_space<semaphore_mem>> -> memref<1x!tpu.dma_semaphore, #tpu.memory_space<semaphore_mem>>
        %dma_wait3A_476 = tpu.memref_squeeze %dma_wait3A_475 : memref<1x!tpu.dma_semaphore, #tpu.memory_space<semaphore_mem>> -> memref<!tpu.dma_semaphore, #tpu.memory_space<semaphore_mem>>
        %dma_wait3A_477 = arith.constant 0 : i32
        %dma_wait3A_478 = arith.constant 0 : i32
        %dma_wait3A_479 = tpu.memref_slice %arg15[%select_n3A_467, %dma_wait3A_477, %dma_wait3A_478] : memref<2x64x128xf32, #tpu.memory_space<vmem>> -> memref<1x64x128xf32, #tpu.memory_space<vmem>>
        %dma_wait3A_480 = tpu.memref_squeeze %dma_wait3A_479 : memref<1x64x128xf32, #tpu.memory_space<vmem>> -> memref<64x128xf32, #tpu.memory_space<vmem>>
        %dma_wait3A_481 = arith.constant 0 : i32
        %dma_wait3A_482 = tpu.memref_slice %arg5[%add3A_468, %dma_wait3A_481] : memref<4096x128xf32, #tpu.memory_space<hbm>> -> memref<64x128xf32, #tpu.memory_space<hbm>>
        tpu.wait_dma2 semaphore(%dma_wait3A_476 : memref<!tpu.dma_semaphore, #tpu.memory_space<semaphore_mem>>) src(%dma_wait3A_482 : memref<64x128xf32, #tpu.memory_space<hbm>>) dst(%dma_wait3A_480 : memref<64x128xf32, #tpu.memory_space<vmem>>)
        %parallel_loop3A = arith.constant 0 : i32
        %parallel_loop3A_483 = arith.constant 64 : i32
        %parallel_loop3A_484 = arith.constant 1 : i32
        scf.for %parallel_loop3A_510 = %parallel_loop3A to %parallel_loop3A_483 step %parallel_loop3A_484  : i32 {
          %parallel_loop3A_511 = arith.addi %multiple_of3A_425, %parallel_loop3A_510 : i32
          %parallel_loop3A_512 = arith.constant 0.000000e+00 : f32
          %parallel_loop3A_513 = vector.broadcast %parallel_loop3A_512 : f32 to vector<16xf32>
          %parallel_loop3A_514 = arith.constant 0.000000e+00 : f32
          %parallel_loop3A_515 = vector.broadcast %parallel_loop3A_514 : f32 to vector<16xf32>
          %parallel_loop3A_516 = arith.index_cast %parallel_loop3A_511 : i32 to index
          %parallel_loop3A_517 = arith.constant 0 : index
          %parallel_loop3A_518 = tpu.vector_load %arg14[%parallel_loop3A_516, %parallel_loop3A_517] {strides = array<i32>} : memref<256x128xf32, #tpu.memory_space<vmem>>, vector<1x16xf32>,
          %parallel_loop3A_519 = vector.shape_cast %parallel_loop3A_518 : vector<1x16xf32> to vector<16xf32>
          %parallel_loop3A_520 = arith.constant 1.250000e-01 : f32
          %parallel_loop3A_521 = vector.broadcast %parallel_loop3A_520 : f32 to vector<16xf32>
          %parallel_loop3A_522 = arith.mulf %parallel_loop3A_519, %parallel_loop3A_521 : vector<16xf32>
          %parallel_loop3A_523 = arith.index_cast %parallel_loop3A_511 : i32 to index
          %parallel_loop3A_524 = arith.constant 0 : index
          %parallel_loop3A_525 = tpu.vector_load %arg14[%parallel_loop3A_523, %parallel_loop3A_524] {strides = array<i32>} : memref<256x128xf32, #tpu.memory_space<vmem>>, vector<1x16xf32>,
          %parallel_loop3A_526 = vector.shape_cast %parallel_loop3A_525 : vector<1x16xf32> to vector<16xf32>
          %parallel_loop3A_527 = vector.shape_cast %parallel_loop3A_522 : vector<16xf32> to vector<1x16xf32>
          tpu.vector_store %arg14[%parallel_loop3A_523, %parallel_loop3A_524], %parallel_loop3A_527 {strides = array<i32>} : memref<256x128xf32, #tpu.memory_space<vmem>>, vector<1x16xf32>,
          %parallel_loop3A_528 = arith.index_cast %parallel_loop3A_511 : i32 to index
          %parallel_loop3A_529 = arith.constant 0 : index
          %parallel_loop3A_530 = tpu.vector_load %arg12[%parallel_loop3A_528, %parallel_loop3A_529] {strides = array<i32>} : memref<256x128xf32, #tpu.memory_space<vmem>>, vector<1x16xf32>,
          %parallel_loop3A_531 = vector.shape_cast %parallel_loop3A_530 : vector<1x16xf32> to vector<16xf32>
          %parallel_loop3A_532 = arith.addf %parallel_loop3A_531, %parallel_loop3A_522 : vector<16xf32>
          %parallel_loop3A_533 = arith.index_cast %select_n3A_467 : i32 to index
          %parallel_loop3A_534 = arith.index_cast %parallel_loop3A_510 : i32 to index
          %parallel_loop3A_535 = arith.constant 0 : index
          %parallel_loop3A_536 = tpu.vector_load %arg15[%parallel_loop3A_533, %parallel_loop3A_534, %parallel_loop3A_535] {strides = array<i32>} : memref<2x64x128xf32, #tpu.memory_space<vmem>>, vector<1x1x16xf32>,
          %parallel_loop3A_537 = vector.shape_cast %parallel_loop3A_536 : vector<1x1x16xf32> to vector<16xf32>
          %parallel_loop3A_538 = arith.addf %parallel_loop3A_532, %parallel_loop3A_537 : vector<16xf32>
          %parallel_loop3A_539 = arith.index_cast %parallel_loop3A_511 : i32 to index
          %parallel_loop3A_540 = arith.constant 0 : index
          %parallel_loop3A_541 = tpu.vector_load %arg12[%parallel_loop3A_539, %parallel_loop3A_540] {strides = array<i32>} : memref<256x128xf32, #tpu.memory_space<vmem>>, vector<1x16xf32>,
          %parallel_loop3A_542 = vector.shape_cast %parallel_loop3A_541 : vector<1x16xf32> to vector<16xf32>
          %parallel_loop3A_543 = vector.shape_cast %parallel_loop3A_538 : vector<16xf32> to vector<1x16xf32>
          tpu.vector_store %arg12[%parallel_loop3A_539, %parallel_loop3A_540], %parallel_loop3A_543 {strides = array<i32>} : memref<256x128xf32, #tpu.memory_space<vmem>>, vector<1x16xf32>,
          %parallel_loop3A_544 = arith.addf %parallel_loop3A_513, %parallel_loop3A_538 : vector<16xf32>
          %parallel_loop3A_545 = arith.mulf %parallel_loop3A_538, %parallel_loop3A_538 : vector<16xf32>
          %parallel_loop3A_546 = arith.addf %parallel_loop3A_515, %parallel_loop3A_545 : vector<16xf32>
          %parallel_loop3A_547 = arith.index_cast %parallel_loop3A_511 : i32 to index
          %parallel_loop3A_548 = arith.constant 16 : index
          %parallel_loop3A_549 = tpu.vector_load %arg14[%parallel_loop3A_547, %parallel_loop3A_548] {strides = array<i32>} : memref<256x128xf32, #tpu.memory_space<vmem>>, vector<1x16xf32>,
          %parallel_loop3A_550 = vector.shape_cast %parallel_loop3A_549 : vector<1x16xf32> to vector<16xf32>
          %parallel_loop3A_551 = arith.constant 1.250000e-01 : f32
          %parallel_loop3A_552 = vector.broadcast %parallel_loop3A_551 : f32 to vector<16xf32>
          %parallel_loop3A_553 = arith.mulf %parallel_loop3A_550, %parallel_loop3A_552 : vector<16xf32>
          %parallel_loop3A_554 = arith.index_cast %parallel_loop3A_511 : i32 to index
          %parallel_loop3A_555 = arith.constant 16 : index
          %parallel_loop3A_556 = tpu.vector_load %arg14[%parallel_loop3A_554, %parallel_loop3A_555] {strides = array<i32>} : memref<256x128xf32, #tpu.memory_space<vmem>>, vector<1x16xf32>,
          %parallel_loop3A_557 = vector.shape_cast %parallel_loop3A_556 : vector<1x16xf32> to vector<16xf32>
          %parallel_loop3A_558 = vector.shape_cast %parallel_loop3A_553 : vector<16xf32> to vector<1x16xf32>
          tpu.vector_store %arg14[%parallel_loop3A_554, %parallel_loop3A_555], %parallel_loop3A_558 {strides = array<i32>} : memref<256x128xf32, #tpu.memory_space<vmem>>, vector<1x16xf32>,
          %parallel_loop3A_559 = arith.index_cast %parallel_loop3A_511 : i32 to index
          %parallel_loop3A_560 = arith.constant 16 : index
          %parallel_loop3A_561 = tpu.vector_load %arg12[%parallel_loop3A_559, %parallel_loop3A_560] {strides = array<i32>} : memref<256x128xf32, #tpu.memory_space<vmem>>, vector<1x16xf32>,
          %parallel_loop3A_562 = vector.shape_cast %parallel_loop3A_561 : vector<1x16xf32> to vector<16xf32>
          %parallel_loop3A_563 = arith.addf %parallel_loop3A_562, %parallel_loop3A_553 : vector<16xf32>
          %parallel_loop3A_564 = arith.index_cast %select_n3A_467 : i32 to index
          %parallel_loop3A_565 = arith.index_cast %parallel_loop3A_510 : i32 to index
          %parallel_loop3A_566 = arith.constant 16 : index
          %parallel_loop3A_567 = tpu.vector_load %arg15[%parallel_loop3A_564, %parallel_loop3A_565, %parallel_loop3A_566] {strides = array<i32>} : memref<2x64x128xf32, #tpu.memory_space<vmem>>, vector<1x1x16xf32>,
          %parallel_loop3A_568 = vector.shape_cast %parallel_loop3A_567 : vector<1x1x16xf32> to vector<16xf32>
          %parallel_loop3A_569 = arith.addf %parallel_loop3A_563, %parallel_loop3A_568 : vector<16xf32>
          %parallel_loop3A_570 = arith.index_cast %parallel_loop3A_511 : i32 to index
          %parallel_loop3A_571 = arith.constant 16 : index
          %parallel_loop3A_572 = tpu.vector_load %arg12[%parallel_loop3A_570, %parallel_loop3A_571] {strides = array<i32>} : memref<256x128xf32, #tpu.memory_space<vmem>>, vector<1x16xf32>,
          %parallel_loop3A_573 = vector.shape_cast %parallel_loop3A_572 : vector<1x16xf32> to vector<16xf32>
          %parallel_loop3A_574 = vector.shape_cast %parallel_loop3A_569 : vector<16xf32> to vector<1x16xf32>
          tpu.vector_store %arg12[%parallel_loop3A_570, %parallel_loop3A_571], %parallel_loop3A_574 {strides = array<i32>} : memref<256x128xf32, #tpu.memory_space<vmem>>, vector<1x16xf32>,
          %parallel_loop3A_575 = arith.addf %parallel_loop3A_544, %parallel_loop3A_569 : vector<16xf32>
          %parallel_loop3A_576 = arith.mulf %parallel_loop3A_569, %parallel_loop3A_569 : vector<16xf32>
          %parallel_loop3A_577 = arith.addf %parallel_loop3A_546, %parallel_loop3A_576 : vector<16xf32>
          %parallel_loop3A_578 = arith.index_cast %parallel_loop3A_511 : i32 to index
          %parallel_loop3A_579 = arith.constant 32 : index
          %parallel_loop3A_580 = tpu.vector_load %arg14[%parallel_loop3A_578, %parallel_loop3A_579] {strides = array<i32>} : memref<256x128xf32, #tpu.memory_space<vmem>>, vector<1x16xf32>,
          %parallel_loop3A_581 = vector.shape_cast %parallel_loop3A_580 : vector<1x16xf32> to vector<16xf32>
          %parallel_loop3A_582 = arith.constant 1.250000e-01 : f32
          %parallel_loop3A_583 = vector.broadcast %parallel_loop3A_582 : f32 to vector<16xf32>
          %parallel_loop3A_584 = arith.mulf %parallel_loop3A_581, %parallel_loop3A_583 : vector<16xf32>
          %parallel_loop3A_585 = arith.index_cast %parallel_loop3A_511 : i32 to index
          %parallel_loop3A_586 = arith.constant 32 : index
          %parallel_loop3A_587 = tpu.vector_load %arg14[%parallel_loop3A_585, %parallel_loop3A_586] {strides = array<i32>} : memref<256x128xf32, #tpu.memory_space<vmem>>, vector<1x16xf32>,
          %parallel_loop3A_588 = vector.shape_cast %parallel_loop3A_587 : vector<1x16xf32> to vector<16xf32>
          %parallel_loop3A_589 = vector.shape_cast %parallel_loop3A_584 : vector<16xf32> to vector<1x16xf32>
          tpu.vector_store %arg14[%parallel_loop3A_585, %parallel_loop3A_586], %parallel_loop3A_589 {strides = array<i32>} : memref<256x128xf32, #tpu.memory_space<vmem>>, vector<1x16xf32>,
          %parallel_loop3A_590 = arith.index_cast %parallel_loop3A_511 : i32 to index
          %parallel_loop3A_591 = arith.constant 32 : index
          %parallel_loop3A_592 = tpu.vector_load %arg12[%parallel_loop3A_590, %parallel_loop3A_591] {strides = array<i32>} : memref<256x128xf32, #tpu.memory_space<vmem>>, vector<1x16xf32>,
          %parallel_loop3A_593 = vector.shape_cast %parallel_loop3A_592 : vector<1x16xf32> to vector<16xf32>
          %parallel_loop3A_594 = arith.addf %parallel_loop3A_593, %parallel_loop3A_584 : vector<16xf32>
          %parallel_loop3A_595 = arith.index_cast %select_n3A_467 : i32 to index
          %parallel_loop3A_596 = arith.index_cast %parallel_loop3A_510 : i32 to index
          %parallel_loop3A_597 = arith.constant 32 : index
          %parallel_loop3A_598 = tpu.vector_load %arg15[%parallel_loop3A_595, %parallel_loop3A_596, %parallel_loop3A_597] {strides = array<i32>} : memref<2x64x128xf32, #tpu.memory_space<vmem>>, vector<1x1x16xf32>,
          %parallel_loop3A_599 = vector.shape_cast %parallel_loop3A_598 : vector<1x1x16xf32> to vector<16xf32>
          %parallel_loop3A_600 = arith.addf %parallel_loop3A_594, %parallel_loop3A_599 : vector<16xf32>
          %parallel_loop3A_601 = arith.index_cast %parallel_loop3A_511 : i32 to index
          %parallel_loop3A_602 = arith.constant 32 : index
          %parallel_loop3A_603 = tpu.vector_load %arg12[%parallel_loop3A_601, %parallel_loop3A_602] {strides = array<i32>} : memref<256x128xf32, #tpu.memory_space<vmem>>, vector<1x16xf32>,
          %parallel_loop3A_604 = vector.shape_cast %parallel_loop3A_603 : vector<1x16xf32> to vector<16xf32>
          %parallel_loop3A_605 = vector.shape_cast %parallel_loop3A_600 : vector<16xf32> to vector<1x16xf32>
          tpu.vector_store %arg12[%parallel_loop3A_601, %parallel_loop3A_602], %parallel_loop3A_605 {strides = array<i32>} : memref<256x128xf32, #tpu.memory_space<vmem>>, vector<1x16xf32>,
          %parallel_loop3A_606 = arith.addf %parallel_loop3A_575, %parallel_loop3A_600 : vector<16xf32>
          %parallel_loop3A_607 = arith.mulf %parallel_loop3A_600, %parallel_loop3A_600 : vector<16xf32>
          %parallel_loop3A_608 = arith.addf %parallel_loop3A_577, %parallel_loop3A_607 : vector<16xf32>
          %parallel_loop3A_609 = arith.index_cast %parallel_loop3A_511 : i32 to index
          %parallel_loop3A_610 = arith.constant 48 : index
          %parallel_loop3A_611 = tpu.vector_load %arg14[%parallel_loop3A_609, %parallel_loop3A_610] {strides = array<i32>} : memref<256x128xf32, #tpu.memory_space<vmem>>, vector<1x16xf32>,
          %parallel_loop3A_612 = vector.shape_cast %parallel_loop3A_611 : vector<1x16xf32> to vector<16xf32>
          %parallel_loop3A_613 = arith.constant 1.250000e-01 : f32
          %parallel_loop3A_614 = vector.broadcast %parallel_loop3A_613 : f32 to vector<16xf32>
          %parallel_loop3A_615 = arith.mulf %parallel_loop3A_612, %parallel_loop3A_614 : vector<16xf32>
          %parallel_loop3A_616 = arith.index_cast %parallel_loop3A_511 : i32 to index
          %parallel_loop3A_617 = arith.constant 48 : index
          %parallel_loop3A_618 = tpu.vector_load %arg14[%parallel_loop3A_616, %parallel_loop3A_617] {strides = array<i32>} : memref<256x128xf32, #tpu.memory_space<vmem>>, vector<1x16xf32>,
          %parallel_loop3A_619 = vector.shape_cast %parallel_loop3A_618 : vector<1x16xf32> to vector<16xf32>
          %parallel_loop3A_620 = vector.shape_cast %parallel_loop3A_615 : vector<16xf32> to vector<1x16xf32>
          tpu.vector_store %arg14[%parallel_loop3A_616, %parallel_loop3A_617], %parallel_loop3A_620 {strides = array<i32>} : memref<256x128xf32, #tpu.memory_space<vmem>>, vector<1x16xf32>,
          %parallel_loop3A_621 = arith.index_cast %parallel_loop3A_511 : i32 to index
          %parallel_loop3A_622 = arith.constant 48 : index
          %parallel_loop3A_623 = tpu.vector_load %arg12[%parallel_loop3A_621, %parallel_loop3A_622] {strides = array<i32>} : memref<256x128xf32, #tpu.memory_space<vmem>>, vector<1x16xf32>,
          %parallel_loop3A_624 = vector.shape_cast %parallel_loop3A_623 : vector<1x16xf32> to vector<16xf32>
          %parallel_loop3A_625 = arith.addf %parallel_loop3A_624, %parallel_loop3A_615 : vector<16xf32>
          %parallel_loop3A_626 = arith.index_cast %select_n3A_467 : i32 to index
          %parallel_loop3A_627 = arith.index_cast %parallel_loop3A_510 : i32 to index
          %parallel_loop3A_628 = arith.constant 48 : index
          %parallel_loop3A_629 = tpu.vector_load %arg15[%parallel_loop3A_626, %parallel_loop3A_627, %parallel_loop3A_628] {strides = array<i32>} : memref<2x64x128xf32, #tpu.memory_space<vmem>>, vector<1x1x16xf32>,
          %parallel_loop3A_630 = vector.shape_cast %parallel_loop3A_629 : vector<1x1x16xf32> to vector<16xf32>
          %parallel_loop3A_631 = arith.addf %parallel_loop3A_625, %parallel_loop3A_630 : vector<16xf32>
          %parallel_loop3A_632 = arith.index_cast %parallel_loop3A_511 : i32 to index
          %parallel_loop3A_633 = arith.constant 48 : index
          %parallel_loop3A_634 = tpu.vector_load %arg12[%parallel_loop3A_632, %parallel_loop3A_633] {strides = array<i32>} : memref<256x128xf32, #tpu.memory_space<vmem>>, vector<1x16xf32>,
          %parallel_loop3A_635 = vector.shape_cast %parallel_loop3A_634 : vector<1x16xf32> to vector<16xf32>
          %parallel_loop3A_636 = vector.shape_cast %parallel_loop3A_631 : vector<16xf32> to vector<1x16xf32>
          tpu.vector_store %arg12[%parallel_loop3A_632, %parallel_loop3A_633], %parallel_loop3A_636 {strides = array<i32>} : memref<256x128xf32, #tpu.memory_space<vmem>>, vector<1x16xf32>,
          %parallel_loop3A_637 = arith.addf %parallel_loop3A_606, %parallel_loop3A_631 : vector<16xf32>
          %parallel_loop3A_638 = arith.mulf %parallel_loop3A_631, %parallel_loop3A_631 : vector<16xf32>
          %parallel_loop3A_639 = arith.addf %parallel_loop3A_608, %parallel_loop3A_638 : vector<16xf32>
          %parallel_loop3A_640 = arith.index_cast %parallel_loop3A_511 : i32 to index
          %parallel_loop3A_641 = arith.constant 64 : index
          %parallel_loop3A_642 = tpu.vector_load %arg14[%parallel_loop3A_640, %parallel_loop3A_641] {strides = array<i32>} : memref<256x128xf32, #tpu.memory_space<vmem>>, vector<1x16xf32>,
          %parallel_loop3A_643 = vector.shape_cast %parallel_loop3A_642 : vector<1x16xf32> to vector<16xf32>
          %parallel_loop3A_644 = arith.constant 1.250000e-01 : f32
          %parallel_loop3A_645 = vector.broadcast %parallel_loop3A_644 : f32 to vector<16xf32>
          %parallel_loop3A_646 = arith.mulf %parallel_loop3A_643, %parallel_loop3A_645 : vector<16xf32>
          %parallel_loop3A_647 = arith.index_cast %parallel_loop3A_511 : i32 to index
          %parallel_loop3A_648 = arith.constant 64 : index
          %parallel_loop3A_649 = tpu.vector_load %arg14[%parallel_loop3A_647, %parallel_loop3A_648] {strides = array<i32>} : memref<256x128xf32, #tpu.memory_space<vmem>>, vector<1x16xf32>,
          %parallel_loop3A_650 = vector.shape_cast %parallel_loop3A_649 : vector<1x16xf32> to vector<16xf32>
          %parallel_loop3A_651 = vector.shape_cast %parallel_loop3A_646 : vector<16xf32> to vector<1x16xf32>
          tpu.vector_store %arg14[%parallel_loop3A_647, %parallel_loop3A_648], %parallel_loop3A_651 {strides = array<i32>} : memref<256x128xf32, #tpu.memory_space<vmem>>, vector<1x16xf32>,
          %parallel_loop3A_652 = arith.index_cast %parallel_loop3A_511 : i32 to index
          %parallel_loop3A_653 = arith.constant 64 : index
          %parallel_loop3A_654 = tpu.vector_load %arg12[%parallel_loop3A_652, %parallel_loop3A_653] {strides = array<i32>} : memref<256x128xf32, #tpu.memory_space<vmem>>, vector<1x16xf32>,
          %parallel_loop3A_655 = vector.shape_cast %parallel_loop3A_654 : vector<1x16xf32> to vector<16xf32>
          %parallel_loop3A_656 = arith.addf %parallel_loop3A_655, %parallel_loop3A_646 : vector<16xf32>
          %parallel_loop3A_657 = arith.index_cast %select_n3A_467 : i32 to index
          %parallel_loop3A_658 = arith.index_cast %parallel_loop3A_510 : i32 to index
          %parallel_loop3A_659 = arith.constant 64 : index
          %parallel_loop3A_660 = tpu.vector_load %arg15[%parallel_loop3A_657, %parallel_loop3A_658, %parallel_loop3A_659] {strides = array<i32>} : memref<2x64x128xf32, #tpu.memory_space<vmem>>, vector<1x1x16xf32>,
          %parallel_loop3A_661 = vector.shape_cast %parallel_loop3A_660 : vector<1x1x16xf32> to vector<16xf32>
          %parallel_loop3A_662 = arith.addf %parallel_loop3A_656, %parallel_loop3A_661 : vector<16xf32>
          %parallel_loop3A_663 = arith.index_cast %parallel_loop3A_511 : i32 to index
          %parallel_loop3A_664 = arith.constant 64 : index
          %parallel_loop3A_665 = tpu.vector_load %arg12[%parallel_loop3A_663, %parallel_loop3A_664] {strides = array<i32>} : memref<256x128xf32, #tpu.memory_space<vmem>>, vector<1x16xf32>,
          %parallel_loop3A_666 = vector.shape_cast %parallel_loop3A_665 : vector<1x16xf32> to vector<16xf32>
          %parallel_loop3A_667 = vector.shape_cast %parallel_loop3A_662 : vector<16xf32> to vector<1x16xf32>
          tpu.vector_store %arg12[%parallel_loop3A_663, %parallel_loop3A_664], %parallel_loop3A_667 {strides = array<i32>} : memref<256x128xf32, #tpu.memory_space<vmem>>, vector<1x16xf32>,
          %parallel_loop3A_668 = arith.addf %parallel_loop3A_637, %parallel_loop3A_662 : vector<16xf32>
          %parallel_loop3A_669 = arith.mulf %parallel_loop3A_662, %parallel_loop3A_662 : vector<16xf32>
          %parallel_loop3A_670 = arith.addf %parallel_loop3A_639, %parallel_loop3A_669 : vector<16xf32>
          %parallel_loop3A_671 = arith.index_cast %parallel_loop3A_511 : i32 to index
          %parallel_loop3A_672 = arith.constant 80 : index
          %parallel_loop3A_673 = tpu.vector_load %arg14[%parallel_loop3A_671, %parallel_loop3A_672] {strides = array<i32>} : memref<256x128xf32, #tpu.memory_space<vmem>>, vector<1x16xf32>,
          %parallel_loop3A_674 = vector.shape_cast %parallel_loop3A_673 : vector<1x16xf32> to vector<16xf32>
          %parallel_loop3A_675 = arith.constant 1.250000e-01 : f32
          %parallel_loop3A_676 = vector.broadcast %parallel_loop3A_675 : f32 to vector<16xf32>
          %parallel_loop3A_677 = arith.mulf %parallel_loop3A_674, %parallel_loop3A_676 : vector<16xf32>
          %parallel_loop3A_678 = arith.index_cast %parallel_loop3A_511 : i32 to index
          %parallel_loop3A_679 = arith.constant 80 : index
          %parallel_loop3A_680 = tpu.vector_load %arg14[%parallel_loop3A_678, %parallel_loop3A_679] {strides = array<i32>} : memref<256x128xf32, #tpu.memory_space<vmem>>, vector<1x16xf32>,
          %parallel_loop3A_681 = vector.shape_cast %parallel_loop3A_680 : vector<1x16xf32> to vector<16xf32>
          %parallel_loop3A_682 = vector.shape_cast %parallel_loop3A_677 : vector<16xf32> to vector<1x16xf32>
          tpu.vector_store %arg14[%parallel_loop3A_678, %parallel_loop3A_679], %parallel_loop3A_682 {strides = array<i32>} : memref<256x128xf32, #tpu.memory_space<vmem>>, vector<1x16xf32>,
          %parallel_loop3A_683 = arith.index_cast %parallel_loop3A_511 : i32 to index
          %parallel_loop3A_684 = arith.constant 80 : index
          %parallel_loop3A_685 = tpu.vector_load %arg12[%parallel_loop3A_683, %parallel_loop3A_684] {strides = array<i32>} : memref<256x128xf32, #tpu.memory_space<vmem>>, vector<1x16xf32>,
          %parallel_loop3A_686 = vector.shape_cast %parallel_loop3A_685 : vector<1x16xf32> to vector<16xf32>
          %parallel_loop3A_687 = arith.addf %parallel_loop3A_686, %parallel_loop3A_677 : vector<16xf32>
          %parallel_loop3A_688 = arith.index_cast %select_n3A_467 : i32 to index
          %parallel_loop3A_689 = arith.index_cast %parallel_loop3A_510 : i32 to index
          %parallel_loop3A_690 = arith.constant 80 : index
          %parallel_loop3A_691 = tpu.vector_load %arg15[%parallel_loop3A_688, %parallel_loop3A_689, %parallel_loop3A_690] {strides = array<i32>} : memref<2x64x128xf32, #tpu.memory_space<vmem>>, vector<1x1x16xf32>,
          %parallel_loop3A_692 = vector.shape_cast %parallel_loop3A_691 : vector<1x1x16xf32> to vector<16xf32>
          %parallel_loop3A_693 = arith.addf %parallel_loop3A_687, %parallel_loop3A_692 : vector<16xf32>
          %parallel_loop3A_694 = arith.index_cast %parallel_loop3A_511 : i32 to index
          %parallel_loop3A_695 = arith.constant 80 : index
          %parallel_loop3A_696 = tpu.vector_load %arg12[%parallel_loop3A_694, %parallel_loop3A_695] {strides = array<i32>} : memref<256x128xf32, #tpu.memory_space<vmem>>, vector<1x16xf32>,
          %parallel_loop3A_697 = vector.shape_cast %parallel_loop3A_696 : vector<1x16xf32> to vector<16xf32>
          %parallel_loop3A_698 = vector.shape_cast %parallel_loop3A_693 : vector<16xf32> to vector<1x16xf32>
          tpu.vector_store %arg12[%parallel_loop3A_694, %parallel_loop3A_695], %parallel_loop3A_698 {strides = array<i32>} : memref<256x128xf32, #tpu.memory_space<vmem>>, vector<1x16xf32>,
          %parallel_loop3A_699 = arith.addf %parallel_loop3A_668, %parallel_loop3A_693 : vector<16xf32>
          %parallel_loop3A_700 = arith.mulf %parallel_loop3A_693, %parallel_loop3A_693 : vector<16xf32>
          %parallel_loop3A_701 = arith.addf %parallel_loop3A_670, %parallel_loop3A_700 : vector<16xf32>
          %parallel_loop3A_702 = arith.index_cast %parallel_loop3A_511 : i32 to index
          %parallel_loop3A_703 = arith.constant 96 : index
          %parallel_loop3A_704 = tpu.vector_load %arg14[%parallel_loop3A_702, %parallel_loop3A_703] {strides = array<i32>} : memref<256x128xf32, #tpu.memory_space<vmem>>, vector<1x16xf32>,
          %parallel_loop3A_705 = vector.shape_cast %parallel_loop3A_704 : vector<1x16xf32> to vector<16xf32>
          %parallel_loop3A_706 = arith.constant 1.250000e-01 : f32
          %parallel_loop3A_707 = vector.broadcast %parallel_loop3A_706 : f32 to vector<16xf32>
          %parallel_loop3A_708 = arith.mulf %parallel_loop3A_705, %parallel_loop3A_707 : vector<16xf32>
          %parallel_loop3A_709 = arith.index_cast %parallel_loop3A_511 : i32 to index
          %parallel_loop3A_710 = arith.constant 96 : index
          %parallel_loop3A_711 = tpu.vector_load %arg14[%parallel_loop3A_709, %parallel_loop3A_710] {strides = array<i32>} : memref<256x128xf32, #tpu.memory_space<vmem>>, vector<1x16xf32>,
          %parallel_loop3A_712 = vector.shape_cast %parallel_loop3A_711 : vector<1x16xf32> to vector<16xf32>
          %parallel_loop3A_713 = vector.shape_cast %parallel_loop3A_708 : vector<16xf32> to vector<1x16xf32>
          tpu.vector_store %arg14[%parallel_loop3A_709, %parallel_loop3A_710], %parallel_loop3A_713 {strides = array<i32>} : memref<256x128xf32, #tpu.memory_space<vmem>>, vector<1x16xf32>,
          %parallel_loop3A_714 = arith.index_cast %parallel_loop3A_511 : i32 to index
          %parallel_loop3A_715 = arith.constant 96 : index
          %parallel_loop3A_716 = tpu.vector_load %arg12[%parallel_loop3A_714, %parallel_loop3A_715] {strides = array<i32>} : memref<256x128xf32, #tpu.memory_space<vmem>>, vector<1x16xf32>,
          %parallel_loop3A_717 = vector.shape_cast %parallel_loop3A_716 : vector<1x16xf32> to vector<16xf32>
          %parallel_loop3A_718 = arith.addf %parallel_loop3A_717, %parallel_loop3A_708 : vector<16xf32>
          %parallel_loop3A_719 = arith.index_cast %select_n3A_467 : i32 to index
          %parallel_loop3A_720 = arith.index_cast %parallel_loop3A_510 : i32 to index
          %parallel_loop3A_721 = arith.constant 96 : index
          %parallel_loop3A_722 = tpu.vector_load %arg15[%parallel_loop3A_719, %parallel_loop3A_720, %parallel_loop3A_721] {strides = array<i32>} : memref<2x64x128xf32, #tpu.memory_space<vmem>>, vector<1x1x16xf32>,
          %parallel_loop3A_723 = vector.shape_cast %parallel_loop3A_722 : vector<1x1x16xf32> to vector<16xf32>
          %parallel_loop3A_724 = arith.addf %parallel_loop3A_718, %parallel_loop3A_723 : vector<16xf32>
          %parallel_loop3A_725 = arith.index_cast %parallel_loop3A_511 : i32 to index
          %parallel_loop3A_726 = arith.constant 96 : index
          %parallel_loop3A_727 = tpu.vector_load %arg12[%parallel_loop3A_725, %parallel_loop3A_726] {strides = array<i32>} : memref<256x128xf32, #tpu.memory_space<vmem>>, vector<1x16xf32>,
          %parallel_loop3A_728 = vector.shape_cast %parallel_loop3A_727 : vector<1x16xf32> to vector<16xf32>
          %parallel_loop3A_729 = vector.shape_cast %parallel_loop3A_724 : vector<16xf32> to vector<1x16xf32>
          tpu.vector_store %arg12[%parallel_loop3A_725, %parallel_loop3A_726], %parallel_loop3A_729 {strides = array<i32>} : memref<256x128xf32, #tpu.memory_space<vmem>>, vector<1x16xf32>,
          %parallel_loop3A_730 = arith.addf %parallel_loop3A_699, %parallel_loop3A_724 : vector<16xf32>
          %parallel_loop3A_731 = arith.mulf %parallel_loop3A_724, %parallel_loop3A_724 : vector<16xf32>
          %parallel_loop3A_732 = arith.addf %parallel_loop3A_701, %parallel_loop3A_731 : vector<16xf32>
          %parallel_loop3A_733 = arith.index_cast %parallel_loop3A_511 : i32 to index
          %parallel_loop3A_734 = arith.constant 112 : index
          %parallel_loop3A_735 = tpu.vector_load %arg14[%parallel_loop3A_733, %parallel_loop3A_734] {strides = array<i32>} : memref<256x128xf32, #tpu.memory_space<vmem>>, vector<1x16xf32>,
          %parallel_loop3A_736 = vector.shape_cast %parallel_loop3A_735 : vector<1x16xf32> to vector<16xf32>
          %parallel_loop3A_737 = arith.constant 1.250000e-01 : f32
          %parallel_loop3A_738 = vector.broadcast %parallel_loop3A_737 : f32 to vector<16xf32>
          %parallel_loop3A_739 = arith.mulf %parallel_loop3A_736, %parallel_loop3A_738 : vector<16xf32>
          %parallel_loop3A_740 = arith.index_cast %parallel_loop3A_511 : i32 to index
          %parallel_loop3A_741 = arith.constant 112 : index
          %parallel_loop3A_742 = tpu.vector_load %arg14[%parallel_loop3A_740, %parallel_loop3A_741] {strides = array<i32>} : memref<256x128xf32, #tpu.memory_space<vmem>>, vector<1x16xf32>,
          %parallel_loop3A_743 = vector.shape_cast %parallel_loop3A_742 : vector<1x16xf32> to vector<16xf32>
          %parallel_loop3A_744 = vector.shape_cast %parallel_loop3A_739 : vector<16xf32> to vector<1x16xf32>
          tpu.vector_store %arg14[%parallel_loop3A_740, %parallel_loop3A_741], %parallel_loop3A_744 {strides = array<i32>} : memref<256x128xf32, #tpu.memory_space<vmem>>, vector<1x16xf32>,
          %parallel_loop3A_745 = arith.index_cast %parallel_loop3A_511 : i32 to index
          %parallel_loop3A_746 = arith.constant 112 : index
          %parallel_loop3A_747 = tpu.vector_load %arg12[%parallel_loop3A_745, %parallel_loop3A_746] {strides = array<i32>} : memref<256x128xf32, #tpu.memory_space<vmem>>, vector<1x16xf32>,
          %parallel_loop3A_748 = vector.shape_cast %parallel_loop3A_747 : vector<1x16xf32> to vector<16xf32>
          %parallel_loop3A_749 = arith.addf %parallel_loop3A_748, %parallel_loop3A_739 : vector<16xf32>
          %parallel_loop3A_750 = arith.index_cast %select_n3A_467 : i32 to index
          %parallel_loop3A_751 = arith.index_cast %parallel_loop3A_510 : i32 to index
          %parallel_loop3A_752 = arith.constant 112 : index
          %parallel_loop3A_753 = tpu.vector_load %arg15[%parallel_loop3A_750, %parallel_loop3A_751, %parallel_loop3A_752] {strides = array<i32>} : memref<2x64x128xf32, #tpu.memory_space<vmem>>, vector<1x1x16xf32>,
          %parallel_loop3A_754 = vector.shape_cast %parallel_loop3A_753 : vector<1x1x16xf32> to vector<16xf32>
          %parallel_loop3A_755 = arith.addf %parallel_loop3A_749, %parallel_loop3A_754 : vector<16xf32>
          %parallel_loop3A_756 = arith.index_cast %parallel_loop3A_511 : i32 to index
          %parallel_loop3A_757 = arith.constant 112 : index
          %parallel_loop3A_758 = tpu.vector_load %arg12[%parallel_loop3A_756, %parallel_loop3A_757] {strides = array<i32>} : memref<256x128xf32, #tpu.memory_space<vmem>>, vector<1x16xf32>,
          %parallel_loop3A_759 = vector.shape_cast %parallel_loop3A_758 : vector<1x16xf32> to vector<16xf32>
          %parallel_loop3A_760 = vector.shape_cast %parallel_loop3A_755 : vector<16xf32> to vector<1x16xf32>
          tpu.vector_store %arg12[%parallel_loop3A_756, %parallel_loop3A_757], %parallel_loop3A_760 {strides = array<i32>} : memref<256x128xf32, #tpu.memory_space<vmem>>, vector<1x16xf32>,
          %parallel_loop3A_761 = arith.addf %parallel_loop3A_730, %parallel_loop3A_755 : vector<16xf32>
          %parallel_loop3A_762 = arith.mulf %parallel_loop3A_755, %parallel_loop3A_755 : vector<16xf32>
          %parallel_loop3A_763 = arith.addf %parallel_loop3A_732, %parallel_loop3A_762 : vector<16xf32>
          %parallel_loop3A_764 = tpu.iota {dimensions = array<i32: 0>} : vector<16xi32>
          %parallel_loop3A_765 = arith.constant 8 : i32
          %parallel_loop3A_766 = vector.broadcast %parallel_loop3A_765 : i32 to vector<16xi32>
          %parallel_loop3A_767 = arith.xori %parallel_loop3A_764, %parallel_loop3A_766 : vector<16xi32>
          %parallel_loop3A_768 = vector.shape_cast %parallel_loop3A_767 : vector<16xi32> to vector<16x1xi32>
          %parallel_loop3A_769 = vector.shape_cast %parallel_loop3A_768 : vector<16x1xi32> to vector<16xi32>
          %parallel_loop3A_770 = tpu.dynamic_gather %parallel_loop3A_761[%parallel_loop3A_769] in [0] : vector<16xf32>, vector<16xi32> -> vector<16xf32>
          %parallel_loop3A_771 = arith.addf %parallel_loop3A_761, %parallel_loop3A_770 : vector<16xf32>
          %parallel_loop3A_772 = arith.constant 4 : i32
          %parallel_loop3A_773 = vector.broadcast %parallel_loop3A_772 : i32 to vector<16xi32>
          %parallel_loop3A_774 = arith.xori %parallel_loop3A_764, %parallel_loop3A_773 : vector<16xi32>
          %parallel_loop3A_775 = vector.shape_cast %parallel_loop3A_774 : vector<16xi32> to vector<16x1xi32>
          %parallel_loop3A_776 = vector.shape_cast %parallel_loop3A_775 : vector<16x1xi32> to vector<16xi32>
          %parallel_loop3A_777 = tpu.dynamic_gather %parallel_loop3A_771[%parallel_loop3A_776] in [0] : vector<16xf32>, vector<16xi32> -> vector<16xf32>
          %parallel_loop3A_778 = arith.addf %parallel_loop3A_771, %parallel_loop3A_777 : vector<16xf32>
          %parallel_loop3A_779 = arith.constant 2 : i32
          %parallel_loop3A_780 = vector.broadcast %parallel_loop3A_779 : i32 to vector<16xi32>
          %parallel_loop3A_781 = arith.xori %parallel_loop3A_764, %parallel_loop3A_780 : vector<16xi32>
          %parallel_loop3A_782 = vector.shape_cast %parallel_loop3A_781 : vector<16xi32> to vector<16x1xi32>
          %parallel_loop3A_783 = vector.shape_cast %parallel_loop3A_782 : vector<16x1xi32> to vector<16xi32>
          %parallel_loop3A_784 = tpu.dynamic_gather %parallel_loop3A_778[%parallel_loop3A_783] in [0] : vector<16xf32>, vector<16xi32> -> vector<16xf32>
          %parallel_loop3A_785 = arith.addf %parallel_loop3A_778, %parallel_loop3A_784 : vector<16xf32>
          %parallel_loop3A_786 = arith.constant 1 : i32
          %parallel_loop3A_787 = vector.broadcast %parallel_loop3A_786 : i32 to vector<16xi32>
          %parallel_loop3A_788 = arith.xori %parallel_loop3A_764, %parallel_loop3A_787 : vector<16xi32>
          %parallel_loop3A_789 = vector.shape_cast %parallel_loop3A_788 : vector<16xi32> to vector<16x1xi32>
          %parallel_loop3A_790 = vector.shape_cast %parallel_loop3A_789 : vector<16x1xi32> to vector<16xi32>
          %parallel_loop3A_791 = tpu.dynamic_gather %parallel_loop3A_785[%parallel_loop3A_790] in [0] : vector<16xf32>, vector<16xi32> -> vector<16xf32>
          %parallel_loop3A_792 = arith.addf %parallel_loop3A_785, %parallel_loop3A_791 : vector<16xf32>
          %parallel_loop3A_793 = arith.constant 7.812500e-03 : f32
          %parallel_loop3A_794 = vector.broadcast %parallel_loop3A_793 : f32 to vector<16xf32>
          %parallel_loop3A_795 = arith.mulf %parallel_loop3A_792, %parallel_loop3A_794 : vector<16xf32>
          %parallel_loop3A_796 = tpu.iota {dimensions = array<i32: 0>} : vector<16xi32>
          %parallel_loop3A_797 = arith.constant 8 : i32
          %parallel_loop3A_798 = vector.broadcast %parallel_loop3A_797 : i32 to vector<16xi32>
          %parallel_loop3A_799 = arith.xori %parallel_loop3A_796, %parallel_loop3A_798 : vector<16xi32>
          %parallel_loop3A_800 = vector.shape_cast %parallel_loop3A_799 : vector<16xi32> to vector<16x1xi32>
          %parallel_loop3A_801 = vector.shape_cast %parallel_loop3A_800 : vector<16x1xi32> to vector<16xi32>
          %parallel_loop3A_802 = tpu.dynamic_gather %parallel_loop3A_763[%parallel_loop3A_801] in [0] : vector<16xf32>, vector<16xi32> -> vector<16xf32>
          %parallel_loop3A_803 = arith.addf %parallel_loop3A_763, %parallel_loop3A_802 : vector<16xf32>
          %parallel_loop3A_804 = arith.constant 4 : i32
          %parallel_loop3A_805 = vector.broadcast %parallel_loop3A_804 : i32 to vector<16xi32>
          %parallel_loop3A_806 = arith.xori %parallel_loop3A_796, %parallel_loop3A_805 : vector<16xi32>
          %parallel_loop3A_807 = vector.shape_cast %parallel_loop3A_806 : vector<16xi32> to vector<16x1xi32>
          %parallel_loop3A_808 = vector.shape_cast %parallel_loop3A_807 : vector<16x1xi32> to vector<16xi32>
          %parallel_loop3A_809 = tpu.dynamic_gather %parallel_loop3A_803[%parallel_loop3A_808] in [0] : vector<16xf32>, vector<16xi32> -> vector<16xf32>
          %parallel_loop3A_810 = arith.addf %parallel_loop3A_803, %parallel_loop3A_809 : vector<16xf32>
          %parallel_loop3A_811 = arith.constant 2 : i32
          %parallel_loop3A_812 = vector.broadcast %parallel_loop3A_811 : i32 to vector<16xi32>
          %parallel_loop3A_813 = arith.xori %parallel_loop3A_796, %parallel_loop3A_812 : vector<16xi32>
          %parallel_loop3A_814 = vector.shape_cast %parallel_loop3A_813 : vector<16xi32> to vector<16x1xi32>
          %parallel_loop3A_815 = vector.shape_cast %parallel_loop3A_814 : vector<16x1xi32> to vector<16xi32>
          %parallel_loop3A_816 = tpu.dynamic_gather %parallel_loop3A_810[%parallel_loop3A_815] in [0] : vector<16xf32>, vector<16xi32> -> vector<16xf32>
          %parallel_loop3A_817 = arith.addf %parallel_loop3A_810, %parallel_loop3A_816 : vector<16xf32>
          %parallel_loop3A_818 = arith.constant 1 : i32
          %parallel_loop3A_819 = vector.broadcast %parallel_loop3A_818 : i32 to vector<16xi32>
          %parallel_loop3A_820 = arith.xori %parallel_loop3A_796, %parallel_loop3A_819 : vector<16xi32>
          %parallel_loop3A_821 = vector.shape_cast %parallel_loop3A_820 : vector<16xi32> to vector<16x1xi32>
          %parallel_loop3A_822 = vector.shape_cast %parallel_loop3A_821 : vector<16x1xi32> to vector<16xi32>
          %parallel_loop3A_823 = tpu.dynamic_gather %parallel_loop3A_817[%parallel_loop3A_822] in [0] : vector<16xf32>, vector<16xi32> -> vector<16xf32>
          %parallel_loop3A_824 = arith.addf %parallel_loop3A_817, %parallel_loop3A_823 : vector<16xf32>
          %parallel_loop3A_825 = arith.constant 7.812500e-03 : f32
          %parallel_loop3A_826 = vector.broadcast %parallel_loop3A_825 : f32 to vector<16xf32>
          %parallel_loop3A_827 = arith.mulf %parallel_loop3A_824, %parallel_loop3A_826 : vector<16xf32>
          %parallel_loop3A_828 = arith.mulf %parallel_loop3A_795, %parallel_loop3A_795 : vector<16xf32>
          %parallel_loop3A_829 = arith.subf %parallel_loop3A_827, %parallel_loop3A_828 : vector<16xf32>
          %parallel_loop3A_830 = arith.constant 9.99999996E-13 : f32
          %parallel_loop3A_831 = vector.broadcast %parallel_loop3A_830 : f32 to vector<16xf32>
          %parallel_loop3A_832 = arith.addf %parallel_loop3A_829, %parallel_loop3A_831 : vector<16xf32>
          %parallel_loop3A_833 = tpu.bitcast %parallel_loop3A_832 : vector<16xf32> -> vector<16xi32>
          %parallel_loop3A_834 = arith.constant 1 : i32
          %parallel_loop3A_835 = vector.broadcast %parallel_loop3A_834 : i32 to vector<16xi32>
          %parallel_loop3A_836 = arith.shrui %parallel_loop3A_833, %parallel_loop3A_835 : vector<16xi32>
          %parallel_loop3A_837 = arith.constant 1597463007 : i32
          %parallel_loop3A_838 = vector.broadcast %parallel_loop3A_837 : i32 to vector<16xi32>
          %parallel_loop3A_839 = arith.subi %parallel_loop3A_838, %parallel_loop3A_836 : vector<16xi32>
          %parallel_loop3A_840 = tpu.bitcast %parallel_loop3A_839 : vector<16xi32> -> vector<16xf32>
          %parallel_loop3A_841 = arith.constant 5.000000e-01 : f32
          %parallel_loop3A_842 = vector.broadcast %parallel_loop3A_841 : f32 to vector<16xf32>
          %parallel_loop3A_843 = arith.mulf %parallel_loop3A_842, %parallel_loop3A_832 : vector<16xf32>
          %parallel_loop3A_844 = arith.mulf %parallel_loop3A_843, %parallel_loop3A_840 : vector<16xf32>
          %parallel_loop3A_845 = arith.mulf %parallel_loop3A_844, %parallel_loop3A_840 : vector<16xf32>
          %parallel_loop3A_846 = arith.constant 1.500000e+00 : f32
          %parallel_loop3A_847 = vector.broadcast %parallel_loop3A_846 : f32 to vector<16xf32>
          %parallel_loop3A_848 = arith.subf %parallel_loop3A_847, %parallel_loop3A_845 : vector<16xf32>
          %parallel_loop3A_849 = arith.mulf %parallel_loop3A_840, %parallel_loop3A_848 : vector<16xf32>
          %parallel_loop3A_850 = arith.mulf %parallel_loop3A_843, %parallel_loop3A_849 : vector<16xf32>
          %parallel_loop3A_851 = arith.mulf %parallel_loop3A_850, %parallel_loop3A_849 : vector<16xf32>
          %parallel_loop3A_852 = arith.constant 1.500000e+00 : f32
          %parallel_loop3A_853 = vector.broadcast %parallel_loop3A_852 : f32 to vector<16xf32>
          %parallel_loop3A_854 = arith.subf %parallel_loop3A_853, %parallel_loop3A_851 : vector<16xf32>
          %parallel_loop3A_855 = arith.mulf %parallel_loop3A_849, %parallel_loop3A_854 : vector<16xf32>
          %parallel_loop3A_856 = arith.mulf %parallel_loop3A_843, %parallel_loop3A_855 : vector<16xf32>
          %parallel_loop3A_857 = arith.mulf %parallel_loop3A_856, %parallel_loop3A_855 : vector<16xf32>
          %parallel_loop3A_858 = arith.constant 1.500000e+00 : f32
          %parallel_loop3A_859 = vector.broadcast %parallel_loop3A_858 : f32 to vector<16xf32>
          %parallel_loop3A_860 = arith.subf %parallel_loop3A_859, %parallel_loop3A_857 : vector<16xf32>
          %parallel_loop3A_861 = arith.mulf %parallel_loop3A_855, %parallel_loop3A_860 : vector<16xf32>
          %parallel_loop3A_862 = arith.index_cast %parallel_loop3A_511 : i32 to index
          %parallel_loop3A_863 = arith.constant 0 : index
          %parallel_loop3A_864 = tpu.vector_load %arg12[%parallel_loop3A_862, %parallel_loop3A_863] {strides = array<i32>} : memref<256x128xf32, #tpu.memory_space<vmem>>, vector<1x16xf32>,
          %parallel_loop3A_865 = vector.shape_cast %parallel_loop3A_864 : vector<1x16xf32> to vector<16xf32>
          %parallel_loop3A_866 = arith.subf %parallel_loop3A_865, %parallel_loop3A_795 : vector<16xf32>
          %parallel_loop3A_867 = arith.mulf %parallel_loop3A_866, %parallel_loop3A_861 : vector<16xf32>
          %parallel_loop3A_868 = arith.mulf %parallel_loop3A_867, %get3A_177 : vector<16xf32>
          %parallel_loop3A_869 = arith.addf %parallel_loop3A_868, %get3A_201 : vector<16xf32>
          %parallel_loop3A_870 = arith.index_cast %parallel_loop3A_511 : i32 to index
          %parallel_loop3A_871 = arith.constant 0 : index
          %parallel_loop3A_872 = tpu.vector_load %arg12[%parallel_loop3A_870, %parallel_loop3A_871] {strides = array<i32>} : memref<256x128xf32, #tpu.memory_space<vmem>>, vector<1x16xf32>,
          %parallel_loop3A_873 = vector.shape_cast %parallel_loop3A_872 : vector<1x16xf32> to vector<16xf32>
          %parallel_loop3A_874 = vector.shape_cast %parallel_loop3A_869 : vector<16xf32> to vector<1x16xf32>
          tpu.vector_store %arg12[%parallel_loop3A_870, %parallel_loop3A_871], %parallel_loop3A_874 {strides = array<i32>} : memref<256x128xf32, #tpu.memory_space<vmem>>, vector<1x16xf32>,
          %parallel_loop3A_875 = arith.index_cast %parallel_loop3A_511 : i32 to index
          %parallel_loop3A_876 = arith.constant 16 : index
          %parallel_loop3A_877 = tpu.vector_load %arg12[%parallel_loop3A_875, %parallel_loop3A_876] {strides = array<i32>} : memref<256x128xf32, #tpu.memory_space<vmem>>, vector<1x16xf32>,
          %parallel_loop3A_878 = vector.shape_cast %parallel_loop3A_877 : vector<1x16xf32> to vector<16xf32>
          %parallel_loop3A_879 = arith.subf %parallel_loop3A_878, %parallel_loop3A_795 : vector<16xf32>
          %parallel_loop3A_880 = arith.mulf %parallel_loop3A_879, %parallel_loop3A_861 : vector<16xf32>
          %parallel_loop3A_881 = arith.mulf %parallel_loop3A_880, %get3A_180 : vector<16xf32>
          %parallel_loop3A_882 = arith.addf %parallel_loop3A_881, %get3A_204 : vector<16xf32>
          %parallel_loop3A_883 = arith.index_cast %parallel_loop3A_511 : i32 to index
          %parallel_loop3A_884 = arith.constant 16 : index
          %parallel_loop3A_885 = tpu.vector_load %arg12[%parallel_loop3A_883, %parallel_loop3A_884] {strides = array<i32>} : memref<256x128xf32, #tpu.memory_space<vmem>>, vector<1x16xf32>,
          %parallel_loop3A_886 = vector.shape_cast %parallel_loop3A_885 : vector<1x16xf32> to vector<16xf32>
          %parallel_loop3A_887 = vector.shape_cast %parallel_loop3A_882 : vector<16xf32> to vector<1x16xf32>
          tpu.vector_store %arg12[%parallel_loop3A_883, %parallel_loop3A_884], %parallel_loop3A_887 {strides = array<i32>} : memref<256x128xf32, #tpu.memory_space<vmem>>, vector<1x16xf32>,
          %parallel_loop3A_888 = arith.index_cast %parallel_loop3A_511 : i32 to index
          %parallel_loop3A_889 = arith.constant 32 : index
          %parallel_loop3A_890 = tpu.vector_load %arg12[%parallel_loop3A_888, %parallel_loop3A_889] {strides = array<i32>} : memref<256x128xf32, #tpu.memory_space<vmem>>, vector<1x16xf32>,
          %parallel_loop3A_891 = vector.shape_cast %parallel_loop3A_890 : vector<1x16xf32> to vector<16xf32>
          %parallel_loop3A_892 = arith.subf %parallel_loop3A_891, %parallel_loop3A_795 : vector<16xf32>
          %parallel_loop3A_893 = arith.mulf %parallel_loop3A_892, %parallel_loop3A_861 : vector<16xf32>
          %parallel_loop3A_894 = arith.mulf %parallel_loop3A_893, %get3A_183 : vector<16xf32>
          %parallel_loop3A_895 = arith.addf %parallel_loop3A_894, %get3A_207 : vector<16xf32>
          %parallel_loop3A_896 = arith.index_cast %parallel_loop3A_511 : i32 to index
          %parallel_loop3A_897 = arith.constant 32 : index
          %parallel_loop3A_898 = tpu.vector_load %arg12[%parallel_loop3A_896, %parallel_loop3A_897] {strides = array<i32>} : memref<256x128xf32, #tpu.memory_space<vmem>>, vector<1x16xf32>,
          %parallel_loop3A_899 = vector.shape_cast %parallel_loop3A_898 : vector<1x16xf32> to vector<16xf32>
          %parallel_loop3A_900 = vector.shape_cast %parallel_loop3A_895 : vector<16xf32> to vector<1x16xf32>
          tpu.vector_store %arg12[%parallel_loop3A_896, %parallel_loop3A_897], %parallel_loop3A_900 {strides = array<i32>} : memref<256x128xf32, #tpu.memory_space<vmem>>, vector<1x16xf32>,
          %parallel_loop3A_901 = arith.index_cast %parallel_loop3A_511 : i32 to index
          %parallel_loop3A_902 = arith.constant 48 : index
          %parallel_loop3A_903 = tpu.vector_load %arg12[%parallel_loop3A_901, %parallel_loop3A_902] {strides = array<i32>} : memref<256x128xf32, #tpu.memory_space<vmem>>, vector<1x16xf32>,
          %parallel_loop3A_904 = vector.shape_cast %parallel_loop3A_903 : vector<1x16xf32> to vector<16xf32>
          %parallel_loop3A_905 = arith.subf %parallel_loop3A_904, %parallel_loop3A_795 : vector<16xf32>
          %parallel_loop3A_906 = arith.mulf %parallel_loop3A_905, %parallel_loop3A_861 : vector<16xf32>
          %parallel_loop3A_907 = arith.mulf %parallel_loop3A_906, %get3A_186 : vector<16xf32>
          %parallel_loop3A_908 = arith.addf %parallel_loop3A_907, %get3A_210 : vector<16xf32>
          %parallel_loop3A_909 = arith.index_cast %parallel_loop3A_511 : i32 to index
          %parallel_loop3A_910 = arith.constant 48 : index
          %parallel_loop3A_911 = tpu.vector_load %arg12[%parallel_loop3A_909, %parallel_loop3A_910] {strides = array<i32>} : memref<256x128xf32, #tpu.memory_space<vmem>>, vector<1x16xf32>,
          %parallel_loop3A_912 = vector.shape_cast %parallel_loop3A_911 : vector<1x16xf32> to vector<16xf32>
          %parallel_loop3A_913 = vector.shape_cast %parallel_loop3A_908 : vector<16xf32> to vector<1x16xf32>
          tpu.vector_store %arg12[%parallel_loop3A_909, %parallel_loop3A_910], %parallel_loop3A_913 {strides = array<i32>} : memref<256x128xf32, #tpu.memory_space<vmem>>, vector<1x16xf32>,
          %parallel_loop3A_914 = arith.index_cast %parallel_loop3A_511 : i32 to index
          %parallel_loop3A_915 = arith.constant 64 : index
          %parallel_loop3A_916 = tpu.vector_load %arg12[%parallel_loop3A_914, %parallel_loop3A_915] {strides = array<i32>} : memref<256x128xf32, #tpu.memory_space<vmem>>, vector<1x16xf32>,
          %parallel_loop3A_917 = vector.shape_cast %parallel_loop3A_916 : vector<1x16xf32> to vector<16xf32>
          %parallel_loop3A_918 = arith.subf %parallel_loop3A_917, %parallel_loop3A_795 : vector<16xf32>
          %parallel_loop3A_919 = arith.mulf %parallel_loop3A_918, %parallel_loop3A_861 : vector<16xf32>
          %parallel_loop3A_920 = arith.mulf %parallel_loop3A_919, %get3A_189 : vector<16xf32>
          %parallel_loop3A_921 = arith.addf %parallel_loop3A_920, %get3A_213 : vector<16xf32>
          %parallel_loop3A_922 = arith.index_cast %parallel_loop3A_511 : i32 to index
          %parallel_loop3A_923 = arith.constant 64 : index
          %parallel_loop3A_924 = tpu.vector_load %arg12[%parallel_loop3A_922, %parallel_loop3A_923] {strides = array<i32>} : memref<256x128xf32, #tpu.memory_space<vmem>>, vector<1x16xf32>,
          %parallel_loop3A_925 = vector.shape_cast %parallel_loop3A_924 : vector<1x16xf32> to vector<16xf32>
          %parallel_loop3A_926 = vector.shape_cast %parallel_loop3A_921 : vector<16xf32> to vector<1x16xf32>
          tpu.vector_store %arg12[%parallel_loop3A_922, %parallel_loop3A_923], %parallel_loop3A_926 {strides = array<i32>} : memref<256x128xf32, #tpu.memory_space<vmem>>, vector<1x16xf32>,
          %parallel_loop3A_927 = arith.index_cast %parallel_loop3A_511 : i32 to index
          %parallel_loop3A_928 = arith.constant 80 : index
          %parallel_loop3A_929 = tpu.vector_load %arg12[%parallel_loop3A_927, %parallel_loop3A_928] {strides = array<i32>} : memref<256x128xf32, #tpu.memory_space<vmem>>, vector<1x16xf32>,
          %parallel_loop3A_930 = vector.shape_cast %parallel_loop3A_929 : vector<1x16xf32> to vector<16xf32>
          %parallel_loop3A_931 = arith.subf %parallel_loop3A_930, %parallel_loop3A_795 : vector<16xf32>
          %parallel_loop3A_932 = arith.mulf %parallel_loop3A_931, %parallel_loop3A_861 : vector<16xf32>
          %parallel_loop3A_933 = arith.mulf %parallel_loop3A_932, %get3A_192 : vector<16xf32>
          %parallel_loop3A_934 = arith.addf %parallel_loop3A_933, %get3A_216 : vector<16xf32>
          %parallel_loop3A_935 = arith.index_cast %parallel_loop3A_511 : i32 to index
          %parallel_loop3A_936 = arith.constant 80 : index
          %parallel_loop3A_937 = tpu.vector_load %arg12[%parallel_loop3A_935, %parallel_loop3A_936] {strides = array<i32>} : memref<256x128xf32, #tpu.memory_space<vmem>>, vector<1x16xf32>,
          %parallel_loop3A_938 = vector.shape_cast %parallel_loop3A_937 : vector<1x16xf32> to vector<16xf32>
          %parallel_loop3A_939 = vector.shape_cast %parallel_loop3A_934 : vector<16xf32> to vector<1x16xf32>
          tpu.vector_store %arg12[%parallel_loop3A_935, %parallel_loop3A_936], %parallel_loop3A_939 {strides = array<i32>} : memref<256x128xf32, #tpu.memory_space<vmem>>, vector<1x16xf32>,
          %parallel_loop3A_940 = arith.index_cast %parallel_loop3A_511 : i32 to index
          %parallel_loop3A_941 = arith.constant 96 : index
          %parallel_loop3A_942 = tpu.vector_load %arg12[%parallel_loop3A_940, %parallel_loop3A_941] {strides = array<i32>} : memref<256x128xf32, #tpu.memory_space<vmem>>, vector<1x16xf32>,
          %parallel_loop3A_943 = vector.shape_cast %parallel_loop3A_942 : vector<1x16xf32> to vector<16xf32>
          %parallel_loop3A_944 = arith.subf %parallel_loop3A_943, %parallel_loop3A_795 : vector<16xf32>
          %parallel_loop3A_945 = arith.mulf %parallel_loop3A_944, %parallel_loop3A_861 : vector<16xf32>
          %parallel_loop3A_946 = arith.mulf %parallel_loop3A_945, %get3A_195 : vector<16xf32>
          %parallel_loop3A_947 = arith.addf %parallel_loop3A_946, %get3A_219 : vector<16xf32>
          %parallel_loop3A_948 = arith.index_cast %parallel_loop3A_511 : i32 to index
          %parallel_loop3A_949 = arith.constant 96 : index
          %parallel_loop3A_950 = tpu.vector_load %arg12[%parallel_loop3A_948, %parallel_loop3A_949] {strides = array<i32>} : memref<256x128xf32, #tpu.memory_space<vmem>>, vector<1x16xf32>,
          %parallel_loop3A_951 = vector.shape_cast %parallel_loop3A_950 : vector<1x16xf32> to vector<16xf32>
          %parallel_loop3A_952 = vector.shape_cast %parallel_loop3A_947 : vector<16xf32> to vector<1x16xf32>
          tpu.vector_store %arg12[%parallel_loop3A_948, %parallel_loop3A_949], %parallel_loop3A_952 {strides = array<i32>} : memref<256x128xf32, #tpu.memory_space<vmem>>, vector<1x16xf32>,
          %parallel_loop3A_953 = arith.index_cast %parallel_loop3A_511 : i32 to index
          %parallel_loop3A_954 = arith.constant 112 : index
          %parallel_loop3A_955 = tpu.vector_load %arg12[%parallel_loop3A_953, %parallel_loop3A_954] {strides = array<i32>} : memref<256x128xf32, #tpu.memory_space<vmem>>, vector<1x16xf32>,
          %parallel_loop3A_956 = vector.shape_cast %parallel_loop3A_955 : vector<1x16xf32> to vector<16xf32>
          %parallel_loop3A_957 = arith.subf %parallel_loop3A_956, %parallel_loop3A_795 : vector<16xf32>
          %parallel_loop3A_958 = arith.mulf %parallel_loop3A_957, %parallel_loop3A_861 : vector<16xf32>
          %parallel_loop3A_959 = arith.mulf %parallel_loop3A_958, %get3A_198 : vector<16xf32>
          %parallel_loop3A_960 = arith.addf %parallel_loop3A_959, %get3A_222 : vector<16xf32>
          %parallel_loop3A_961 = arith.index_cast %parallel_loop3A_511 : i32 to index
          %parallel_loop3A_962 = arith.constant 112 : index
          %parallel_loop3A_963 = tpu.vector_load %arg12[%parallel_loop3A_961, %parallel_loop3A_962] {strides = array<i32>} : memref<256x128xf32, #tpu.memory_space<vmem>>, vector<1x16xf32>,
          %parallel_loop3A_964 = vector.shape_cast %parallel_loop3A_963 : vector<1x16xf32> to vector<16xf32>
          %parallel_loop3A_965 = vector.shape_cast %parallel_loop3A_960 : vector<16xf32> to vector<1x16xf32>
          tpu.vector_store %arg12[%parallel_loop3A_961, %parallel_loop3A_962], %parallel_loop3A_965 {strides = array<i32>} : memref<256x128xf32, #tpu.memory_space<vmem>>, vector<1x16xf32>,
        } {sc.loop_unroll_factor = 2 : i64, sc.parallel_access}
        %add3A_485 = arith.addi %multiple_of3A, %multiple_of3A_425 : i32
        %dma_start3A_486 = arith.constant 0 : i32
        %dma_start3A_487 = tpu.memref_slice %arg12[%multiple_of3A_425, %dma_start3A_486] : memref<256x128xf32, #tpu.memory_space<vmem>> -> memref<64x128xf32, #tpu.memory_space<vmem>>
        %dma_start3A_488 = arith.constant 0 : i32
        %dma_start3A_489 = tpu.memref_slice %arg8[%add3A_485, %dma_start3A_488] : memref<8192x128xf32, #tpu.memory_space<hbm>> -> memref<64x128xf32, #tpu.memory_space<hbm>>
        %dma_start3A_490 = arith.constant 0 : i32
        %dma_start3A_491 = tpu.memref_slice %arg8[%add3A_485, %dma_start3A_490] : memref<8192x128xf32, #tpu.memory_space<hbm>> -> memref<64x128xf32, #tpu.memory_space<hbm>>
        %dma_start3A_492 = arith.constant 0 : i32
        %dma_start3A_493 = tpu.memref_slice %arg12[%multiple_of3A_425, %dma_start3A_492] : memref<256x128xf32, #tpu.memory_space<vmem>> -> memref<64x128xf32, #tpu.memory_space<vmem>>
        tpu.enqueue_dma source(%dma_start3A_493 : memref<64x128xf32, #tpu.memory_space<vmem>>) target(%dma_start3A_491 : memref<64x128xf32, #tpu.memory_space<hbm>>) target_semaphore(%arg24 : memref<!tpu.dma_semaphore, #tpu.memory_space<semaphore_mem>>)
        %add3A_494 = arith.addi %multiple_of3A, %multiple_of3A_425 : i32
        %dma_start3A_495 = arith.constant 0 : i32
        %dma_start3A_496 = tpu.memref_slice %arg14[%multiple_of3A_425, %dma_start3A_495] : memref<256x128xf32, #tpu.memory_space<vmem>> -> memref<64x128xf32, #tpu.memory_space<vmem>>
        %dma_start3A_497 = arith.constant 0 : i32
        %dma_start3A_498 = tpu.memref_slice %arg9[%add3A_494, %dma_start3A_497] : memref<8192x128xf32, #tpu.memory_space<hbm>> -> memref<64x128xf32, #tpu.memory_space<hbm>>
        %dma_start3A_499 = arith.constant 0 : i32
        %dma_start3A_500 = tpu.memref_slice %arg9[%add3A_494, %dma_start3A_499] : memref<8192x128xf32, #tpu.memory_space<hbm>> -> memref<64x128xf32, #tpu.memory_space<hbm>>
        %dma_start3A_501 = arith.constant 0 : i32
        %dma_start3A_502 = tpu.memref_slice %arg14[%multiple_of3A_425, %dma_start3A_501] : memref<256x128xf32, #tpu.memory_space<vmem>> -> memref<64x128xf32, #tpu.memory_space<vmem>>
        tpu.enqueue_dma source(%dma_start3A_502 : memref<64x128xf32, #tpu.memory_space<vmem>>) target(%dma_start3A_500 : memref<64x128xf32, #tpu.memory_space<hbm>>) target_semaphore(%arg24 : memref<!tpu.dma_semaphore, #tpu.memory_space<semaphore_mem>>)
        %add3A_503 = arith.constant 2 : i32
        %add3A_504 = arith.addi %select_n3A_386, %add3A_503 : i32
        %lt3A_505 = arith.constant 4 : i32
        %lt3A_506 = arith.cmpi slt, %add3A_504, %lt3A_505 : i32
        %convert_element_type3A_507 = arith.extui %lt3A_506 : i1 to i32
        %cond3A_508 = arith.constant 0 : i32
        %cond3A_509 = arith.cmpi ne, %convert_element_type3A_507, %cond3A_508 : i32
        scf.if %cond3A_509 {
          %add3A_510 = arith.constant 2 : i32
          %add3A_511 = arith.addi %select_n3A_386, %add3A_510 : i32
          %mul3A_512 = arith.constant 64 : i32
          %mul3A_513 = arith.muli %add3A_511, %mul3A_512 : i32
          %multiple_of3A_514 = tpu.assume_multiple %mul3A_513, 64 : i32
          %add3A_515 = arith.addi %multiple_of3A_22, %multiple_of3A_514 : i32
          %dma_start3A_516 = arith.constant 0 : i32
          %dma_start3A_517 = arith.constant 0 : i32
          %dma_start3A_518 = tpu.memref_slice %arg15[%select_n3A_467, %dma_start3A_516, %dma_start3A_517] : memref<2x64x128xf32, #tpu.memory_space<vmem>> -> memref<1x64x128xf32, #tpu.memory_space<vmem>>
          %dma_start3A_519 = tpu.memref_squeeze %dma_start3A_518 : memref<1x64x128xf32, #tpu.memory_space<vmem>> -> memref<64x128xf32, #tpu.memory_space<vmem>>
          %dma_start3A_520 = arith.constant 0 : i32
          %dma_start3A_521 = tpu.memref_slice %arg5[%add3A_515, %dma_start3A_520] : memref<4096x128xf32, #tpu.memory_space<hbm>> -> memref<64x128xf32, #tpu.memory_space<hbm>>
          %dma_start3A_522 = tpu.memref_slice %arg23[%select_n3A_467] : memref<2x!tpu.dma_semaphore, #tpu.memory_space<semaphore_mem>> -> memref<1x!tpu.dma_semaphore, #tpu.memory_space<semaphore_mem>>
          %dma_start3A_523 = tpu.memref_squeeze %dma_start3A_522 : memref<1x!tpu.dma_semaphore, #tpu.memory_space<semaphore_mem>> -> memref<!tpu.dma_semaphore, #tpu.memory_space<semaphore_mem>>
          %dma_start3A_524 = arith.constant 0 : i32
          %dma_start3A_525 = arith.constant 0 : i32
          %dma_start3A_526 = tpu.memref_slice %arg15[%select_n3A_467, %dma_start3A_524, %dma_start3A_525] : memref<2x64x128xf32, #tpu.memory_space<vmem>> -> memref<1x64x128xf32, #tpu.memory_space<vmem>>
          %dma_start3A_527 = tpu.memref_squeeze %dma_start3A_526 : memref<1x64x128xf32, #tpu.memory_space<vmem>> -> memref<64x128xf32, #tpu.memory_space<vmem>>
          %dma_start3A_528 = arith.constant 0 : i32
          %dma_start3A_529 = tpu.memref_slice %arg5[%add3A_515, %dma_start3A_528] : memref<4096x128xf32, #tpu.memory_space<hbm>> -> memref<64x128xf32, #tpu.memory_space<hbm>>
          tpu.enqueue_dma source(%dma_start3A_529 : memref<64x128xf32, #tpu.memory_space<hbm>>) target(%dma_start3A_527 : memref<64x128xf32, #tpu.memory_space<vmem>>) target_semaphore(%dma_start3A_523 : memref<!tpu.dma_semaphore, #tpu.memory_space<semaphore_mem>>)
        } else {
        }
      } else {
      }
      %scan3A_444 = arith.constant 0 : i32
      scf.yield %scan3A_444 : i32
    }
    %scan3A_264 = arith.constant 32 : i32
    %add3A_265 = arith.constant 0 : i32
    %add3A_266 = arith.addi %multiple_of3A, %add3A_265 : i32
    %dma_wait3A_267 = arith.constant 0 : i32
    %dma_wait3A_268 = arith.constant 0 : i32
    %dma_wait3A_269 = tpu.memref_slice %arg12[%dma_wait3A_267, %dma_wait3A_268] : memref<256x128xf32, #tpu.memory_space<vmem>> -> memref<64x128xf32, #tpu.memory_space<vmem>>
    %dma_wait3A_270 = arith.constant 0 : i32
    %dma_wait3A_271 = tpu.memref_slice %arg8[%add3A_266, %dma_wait3A_270] : memref<8192x128xf32, #tpu.memory_space<hbm>> -> memref<64x128xf32, #tpu.memory_space<hbm>>
    %dma_wait3A_272 = arith.constant 0 : i32
    %dma_wait3A_273 = tpu.memref_slice %arg8[%add3A_266, %dma_wait3A_272] : memref<8192x128xf32, #tpu.memory_space<hbm>> -> memref<64x128xf32, #tpu.memory_space<hbm>>
    %dma_wait3A_274 = arith.constant 0 : i32
    %dma_wait3A_275 = arith.constant 0 : i32
    %dma_wait3A_276 = tpu.memref_slice %arg12[%dma_wait3A_274, %dma_wait3A_275] : memref<256x128xf32, #tpu.memory_space<vmem>> -> memref<64x128xf32, #tpu.memory_space<vmem>>
    tpu.wait_dma2 semaphore(%arg24 : memref<!tpu.dma_semaphore, #tpu.memory_space<semaphore_mem>>) src(%dma_wait3A_276 : memref<64x128xf32, #tpu.memory_space<vmem>>) dst(%dma_wait3A_273 : memref<64x128xf32, #tpu.memory_space<hbm>>)
    %add3A_277 = arith.constant 0 : i32
    %add3A_278 = arith.addi %multiple_of3A, %add3A_277 : i32
    %dma_wait3A_279 = arith.constant 0 : i32
    %dma_wait3A_280 = arith.constant 0 : i32
    %dma_wait3A_281 = tpu.memref_slice %arg14[%dma_wait3A_279, %dma_wait3A_280] : memref<256x128xf32, #tpu.memory_space<vmem>> -> memref<64x128xf32, #tpu.memory_space<vmem>>
    %dma_wait3A_282 = arith.constant 0 : i32
    %dma_wait3A_283 = tpu.memref_slice %arg9[%add3A_278, %dma_wait3A_282] : memref<8192x128xf32, #tpu.memory_space<hbm>> -> memref<64x128xf32, #tpu.memory_space<hbm>>
    %dma_wait3A_284 = arith.constant 0 : i32
    %dma_wait3A_285 = tpu.memref_slice %arg9[%add3A_278, %dma_wait3A_284] : memref<8192x128xf32, #tpu.memory_space<hbm>> -> memref<64x128xf32, #tpu.memory_space<hbm>>
    %dma_wait3A_286 = arith.constant 0 : i32
    %dma_wait3A_287 = arith.constant 0 : i32
    %dma_wait3A_288 = tpu.memref_slice %arg14[%dma_wait3A_286, %dma_wait3A_287] : memref<256x128xf32, #tpu.memory_space<vmem>> -> memref<64x128xf32, #tpu.memory_space<vmem>>
    tpu.wait_dma2 semaphore(%arg24 : memref<!tpu.dma_semaphore, #tpu.memory_space<semaphore_mem>>) src(%dma_wait3A_288 : memref<64x128xf32, #tpu.memory_space<vmem>>) dst(%dma_wait3A_285 : memref<64x128xf32, #tpu.memory_space<hbm>>)
    %add3A_289 = arith.constant 64 : i32
    %add3A_290 = arith.addi %multiple_of3A, %add3A_289 : i32
    %dma_wait3A_291 = arith.constant 64 : i32
    %dma_wait3A_292 = arith.constant 0 : i32
    %dma_wait3A_293 = tpu.memref_slice %arg12[%dma_wait3A_291, %dma_wait3A_292] : memref<256x128xf32, #tpu.memory_space<vmem>> -> memref<64x128xf32, #tpu.memory_space<vmem>>
    %dma_wait3A_294 = arith.constant 0 : i32
    %dma_wait3A_295 = tpu.memref_slice %arg8[%add3A_290, %dma_wait3A_294] : memref<8192x128xf32, #tpu.memory_space<hbm>> -> memref<64x128xf32, #tpu.memory_space<hbm>>
    %dma_wait3A_296 = arith.constant 0 : i32
    %dma_wait3A_297 = tpu.memref_slice %arg8[%add3A_290, %dma_wait3A_296] : memref<8192x128xf32, #tpu.memory_space<hbm>> -> memref<64x128xf32, #tpu.memory_space<hbm>>
    %dma_wait3A_298 = arith.constant 64 : i32
    %dma_wait3A_299 = arith.constant 0 : i32
    %dma_wait3A_300 = tpu.memref_slice %arg12[%dma_wait3A_298, %dma_wait3A_299] : memref<256x128xf32, #tpu.memory_space<vmem>> -> memref<64x128xf32, #tpu.memory_space<vmem>>
    tpu.wait_dma2 semaphore(%arg24 : memref<!tpu.dma_semaphore, #tpu.memory_space<semaphore_mem>>) src(%dma_wait3A_300 : memref<64x128xf32, #tpu.memory_space<vmem>>) dst(%dma_wait3A_297 : memref<64x128xf32, #tpu.memory_space<hbm>>)
    %add3A_301 = arith.constant 64 : i32
    %add3A_302 = arith.addi %multiple_of3A, %add3A_301 : i32
    %dma_wait3A_303 = arith.constant 64 : i32
    %dma_wait3A_304 = arith.constant 0 : i32
    %dma_wait3A_305 = tpu.memref_slice %arg14[%dma_wait3A_303, %dma_wait3A_304] : memref<256x128xf32, #tpu.memory_space<vmem>> -> memref<64x128xf32, #tpu.memory_space<vmem>>
    %dma_wait3A_306 = arith.constant 0 : i32
    %dma_wait3A_307 = tpu.memref_slice %arg9[%add3A_302, %dma_wait3A_306] : memref<8192x128xf32, #tpu.memory_space<hbm>> -> memref<64x128xf32, #tpu.memory_space<hbm>>
    %dma_wait3A_308 = arith.constant 0 : i32
    %dma_wait3A_309 = tpu.memref_slice %arg9[%add3A_302, %dma_wait3A_308] : memref<8192x128xf32, #tpu.memory_space<hbm>> -> memref<64x128xf32, #tpu.memory_space<hbm>>
    %dma_wait3A_310 = arith.constant 64 : i32
    %dma_wait3A_311 = arith.constant 0 : i32
    %dma_wait3A_312 = tpu.memref_slice %arg14[%dma_wait3A_310, %dma_wait3A_311] : memref<256x128xf32, #tpu.memory_space<vmem>> -> memref<64x128xf32, #tpu.memory_space<vmem>>
    tpu.wait_dma2 semaphore(%arg24 : memref<!tpu.dma_semaphore, #tpu.memory_space<semaphore_mem>>) src(%dma_wait3A_312 : memref<64x128xf32, #tpu.memory_space<vmem>>) dst(%dma_wait3A_309 : memref<64x128xf32, #tpu.memory_space<hbm>>)
    %add3A_313 = arith.constant 128 : i32
    %add3A_314 = arith.addi %multiple_of3A, %add3A_313 : i32
    %dma_wait3A_315 = arith.constant 128 : i32
    %dma_wait3A_316 = arith.constant 0 : i32
    %dma_wait3A_317 = tpu.memref_slice %arg12[%dma_wait3A_315, %dma_wait3A_316] : memref<256x128xf32, #tpu.memory_space<vmem>> -> memref<64x128xf32, #tpu.memory_space<vmem>>
    %dma_wait3A_318 = arith.constant 0 : i32
    %dma_wait3A_319 = tpu.memref_slice %arg8[%add3A_314, %dma_wait3A_318] : memref<8192x128xf32, #tpu.memory_space<hbm>> -> memref<64x128xf32, #tpu.memory_space<hbm>>
    %dma_wait3A_320 = arith.constant 0 : i32
    %dma_wait3A_321 = tpu.memref_slice %arg8[%add3A_314, %dma_wait3A_320] : memref<8192x128xf32, #tpu.memory_space<hbm>> -> memref<64x128xf32, #tpu.memory_space<hbm>>
    %dma_wait3A_322 = arith.constant 128 : i32
    %dma_wait3A_323 = arith.constant 0 : i32
    %dma_wait3A_324 = tpu.memref_slice %arg12[%dma_wait3A_322, %dma_wait3A_323] : memref<256x128xf32, #tpu.memory_space<vmem>> -> memref<64x128xf32, #tpu.memory_space<vmem>>
    tpu.wait_dma2 semaphore(%arg24 : memref<!tpu.dma_semaphore, #tpu.memory_space<semaphore_mem>>) src(%dma_wait3A_324 : memref<64x128xf32, #tpu.memory_space<vmem>>) dst(%dma_wait3A_321 : memref<64x128xf32, #tpu.memory_space<hbm>>)
    %add3A_325 = arith.constant 128 : i32
    %add3A_326 = arith.addi %multiple_of3A, %add3A_325 : i32
    %dma_wait3A_327 = arith.constant 128 : i32
    %dma_wait3A_328 = arith.constant 0 : i32
    %dma_wait3A_329 = tpu.memref_slice %arg14[%dma_wait3A_327, %dma_wait3A_328] : memref<256x128xf32, #tpu.memory_space<vmem>> -> memref<64x128xf32, #tpu.memory_space<vmem>>
    %dma_wait3A_330 = arith.constant 0 : i32
    %dma_wait3A_331 = tpu.memref_slice %arg9[%add3A_326, %dma_wait3A_330] : memref<8192x128xf32, #tpu.memory_space<hbm>> -> memref<64x128xf32, #tpu.memory_space<hbm>>
    %dma_wait3A_332 = arith.constant 0 : i32
    %dma_wait3A_333 = tpu.memref_slice %arg9[%add3A_326, %dma_wait3A_332] : memref<8192x128xf32, #tpu.memory_space<hbm>> -> memref<64x128xf32, #tpu.memory_space<hbm>>
    %dma_wait3A_334 = arith.constant 128 : i32
    %dma_wait3A_335 = arith.constant 0 : i32
    %dma_wait3A_336 = tpu.memref_slice %arg14[%dma_wait3A_334, %dma_wait3A_335] : memref<256x128xf32, #tpu.memory_space<vmem>> -> memref<64x128xf32, #tpu.memory_space<vmem>>
    tpu.wait_dma2 semaphore(%arg24 : memref<!tpu.dma_semaphore, #tpu.memory_space<semaphore_mem>>) src(%dma_wait3A_336 : memref<64x128xf32, #tpu.memory_space<vmem>>) dst(%dma_wait3A_333 : memref<64x128xf32, #tpu.memory_space<hbm>>)
    %add3A_337 = arith.constant 192 : i32
    %add3A_338 = arith.addi %multiple_of3A, %add3A_337 : i32
    %dma_wait3A_339 = arith.constant 192 : i32
    %dma_wait3A_340 = arith.constant 0 : i32
    %dma_wait3A_341 = tpu.memref_slice %arg12[%dma_wait3A_339, %dma_wait3A_340] : memref<256x128xf32, #tpu.memory_space<vmem>> -> memref<64x128xf32, #tpu.memory_space<vmem>>
    %dma_wait3A_342 = arith.constant 0 : i32
    %dma_wait3A_343 = tpu.memref_slice %arg8[%add3A_338, %dma_wait3A_342] : memref<8192x128xf32, #tpu.memory_space<hbm>> -> memref<64x128xf32, #tpu.memory_space<hbm>>
    %dma_wait3A_344 = arith.constant 0 : i32
    %dma_wait3A_345 = tpu.memref_slice %arg8[%add3A_338, %dma_wait3A_344] : memref<8192x128xf32, #tpu.memory_space<hbm>> -> memref<64x128xf32, #tpu.memory_space<hbm>>
    %dma_wait3A_346 = arith.constant 192 : i32
    %dma_wait3A_347 = arith.constant 0 : i32
    %dma_wait3A_348 = tpu.memref_slice %arg12[%dma_wait3A_346, %dma_wait3A_347] : memref<256x128xf32, #tpu.memory_space<vmem>> -> memref<64x128xf32, #tpu.memory_space<vmem>>
    tpu.wait_dma2 semaphore(%arg24 : memref<!tpu.dma_semaphore, #tpu.memory_space<semaphore_mem>>) src(%dma_wait3A_348 : memref<64x128xf32, #tpu.memory_space<vmem>>) dst(%dma_wait3A_345 : memref<64x128xf32, #tpu.memory_space<hbm>>)
    %add3A_349 = arith.constant 192 : i32
    %add3A_350 = arith.addi %multiple_of3A, %add3A_349 : i32
    %dma_wait3A_351 = arith.constant 192 : i32
    %dma_wait3A_352 = arith.constant 0 : i32
    %dma_wait3A_353 = tpu.memref_slice %arg14[%dma_wait3A_351, %dma_wait3A_352] : memref<256x128xf32, #tpu.memory_space<vmem>> -> memref<64x128xf32, #tpu.memory_space<vmem>>
    %dma_wait3A_354 = arith.constant 0 : i32
    %dma_wait3A_355 = tpu.memref_slice %arg9[%add3A_350, %dma_wait3A_354] : memref<8192x128xf32, #tpu.memory_space<hbm>> -> memref<64x128xf32, #tpu.memory_space<hbm>>
    %dma_wait3A_356 = arith.constant 0 : i32
    %dma_wait3A_357 = tpu.memref_slice %arg9[%add3A_350, %dma_wait3A_356] : memref<8192x128xf32, #tpu.memory_space<hbm>> -> memref<64x128xf32, #tpu.memory_space<hbm>>
    %dma_wait3A_358 = arith.constant 192 : i32
    %dma_wait3A_359 = arith.constant 0 : i32
    %dma_wait3A_360 = tpu.memref_slice %arg14[%dma_wait3A_358, %dma_wait3A_359] : memref<256x128xf32, #tpu.memory_space<vmem>> -> memref<64x128xf32, #tpu.memory_space<vmem>>
    tpu.wait_dma2 semaphore(%arg24 : memref<!tpu.dma_semaphore, #tpu.memory_space<semaphore_mem>>) src(%dma_wait3A_360 : memref<64x128xf32, #tpu.memory_space<vmem>>) dst(%dma_wait3A_357 : memref<64x128xf32, #tpu.memory_space<hbm>>)
    return
  }
}

</mosaic_0001>

<sc_bundles>
// kernel: kernel.3.cloned.1.call-start
scs
__scs_entry_jumppad:
0x0: {  	(pc) =	sbr.rel $0x88, $3  }
0x1: {  	(tag) =	ssettag $0x0;
	lr =	simm.s32 $0x1  }
0x2: {  	[smem:$0x3F9B] =	sst lr;
	_ =	strace $0xD0000000  }
0x3: {  	_ = 	snop  }
0x4: {  	_ = 	snop  }
0x5: {  	_ = 	snop  }
0x6: {  	_ = 	snop  }
0x7: {  	_ = 	snop  }
__scs_overlays_trampoline_lowered:
0x8: {  	[smem:$0x3FAA] =	sst s0  }
0x9: {  	[smem:$0x3FAB] =	sst s1  }
0xa: {  	[smem:$0x3FAC] =	sst s2  }
0xb: {  	[smem:$0x3FAD] =	sst s3  }
0xc: {  	[smem:$0x3FAE] =	sst s4  }
0xd: {  	[smem:$0x3FAF] =	sst s5  }
0xe: {  	[smem:$0x3FB0] =	sst s6  }
0xf: {  	[smem:$0x3FB1] =	sst s7  }
0x10: {  	[smem:$0x3FB2] =	sst s8  }
0x11: {  	[smem:$0x3FB3] =	sst s9;
	s0 =	simm.s32 @!p0 $0x0  }
0x12: {  	s1 =	sld [smem:$0x3F99];
	s0 =	simm.s32 @p0 $0x1  }
0x13: {  	[smem:$0x3FB4] =	sst s0;
	s0 =	simm.s32 @!p1 $0x0  }
0x14: {  	s2 =	sld [smem:$0x3F98];
	s0 =	simm.s32 @p1 $0x1  }
0x15: {  	[smem:$0x3FB5] =	sst s0;
	s0 =	simm.s32 @!p2 $0x0  }
0x16: {  	s3 =	sld [smem:$0x3FDB];
	s0 =	simm.s32 @p2 $0x1  }
0x17: {  	s4 =	simm.s32 $0x1BF5;
	[smem:$0x3FB7] =	sst s0  }
0x18: {  	s0 =	sld [smem:$0x3F9A];
	_ =	swait.ge [sflag:s4], $0x0  }
0x19: {  	s7 =	sld [smem:$0x3F9B]  }
0x1a: {  	s8 =	sadd.s32 $0xFFFFE003, lr  }
0x1b: {  	s9 =	sadd.s32 $0xFFFFFEF7, lr;
	s5 =	simm.s32 $0xFFFFFFFF;
	p2 =	slt.u32 s8, $0xFFFFF086  }
0x1c: {  	p1 =	slt.u32 s9, $0xF7A;
	s5 =	simm.s32 @!p2 $0x0  }
0x1d: {  	s5 =	simm.s32 @p1 $0x1;
	p0 =	seq.s32 s7, s2  }
0x1e: {  	s7 =	smul.u32 @!p0 $0xF7A, s2;
	p2 =	seq.s32 @!p0 s5, $0x0  }
0x1f: {  	s9 =	smul.u32 $0xF7A, s1;
	s8 =	simm.s32 @!p0 $0x1BF5;
	p2 =	por !p2, p0  }
0x20: {  	[sflag:s8] =	ssyncset.s32 @!p0 $0xFFFFF086;
	s6 =	sadd.s32 @!p0 s3, s7;
	s7 =	simm.s32 @!p0 $0x108  }
0x21: {  	s3 =	sadd.s32 s3, s9;
	s6 =	sadd.s32 @!p0 $0x88, s6;
	s7 =	simm.s32 @p2 $0x1082  }
0x22: {  	[simem:s7], [sflag:s8] =	dma.local @!p0 [hbm:s6], $0xF7A  }
0x23: {  	s9 =	sor.u32 $0xD0000000, s2;
	s6 =	simm.s32 $0x108;
	_ =	swait.ge @!p0 [sflag:s8], $0x0  }
0x24: {  	s3 =	sadd.s32 $0x88, s3;
	s6 =	simm.s32 @!p1 $0x1082;
	[sflag:s4] =	ssyncset.s32 $0xFFFFF086  }
0x25: {  	[simem:s6], [sflag:s4] =	dma.local [hbm:s3], $0xF7A  }
0x26: {  	[smem:$0x3F9B] =	sst s1;
	(tag) =	ssettag s2;
	_ =	strace s9  }
0x27: {  	s1 =	sld [smem:$0x3FAB]  }
0x28: {  	s2 =	sld [smem:$0x3FAC]  }
0x29: {  	s4 =	sld [smem:$0x3FAE]  }
0x2a: {  	p0 =	seq.s32 s5, $0x0;
	s5 =	sld [smem:$0x3FAF]  }
0x2b: {  	s6 =	sld [smem:$0x3FB0]  }
0x2c: {  	s7 =	sld [smem:$0x3FB1]  }
0x2d: {  	s3 =	simm.s32 $0x108;
	s8 =	sld [smem:$0x3FB2]  }
0x2e: {  	s3 =	simm.s32 @!p0 $0x1082;
	s9 =	sld [smem:$0x3FB3]  }
0x2f: {  	lr =	sadd.s32 s0, s3;
	s0 =	sld [smem:$0x3FAA]  }
0x30: {  	s3 =	sld [smem:$0x3FAD]  }
0x31: {  	[smem:$0x3FB6] =	sst s10  }
0x32: {  	s10 =	sld [smem:$0x3FB4];
	_ =	sdelay $0x3  }
0x33: {  	p0 =	seq.s32 s10, $0x1;
	s10 =	sld [smem:$0x3FB6];
	_ =	sdelay $0x3  }
0x34: {  	[smem:$0x3FB6] =	sst s10  }
0x35: {  	s10 =	sld [smem:$0x3FB5];
	_ =	sdelay $0x3  }
0x36: {  	p1 =	seq.s32 s10, $0x1;
	s10 =	sld [smem:$0x3FB6];
	_ =	sdelay $0x3  }
0x37: {  	[smem:$0x3FB6] =	sst s10  }
0x38: {  	s10 =	sld [smem:$0x3FB7]  }
0x39: {  	_ = 	snop;
	(pc) =	sbr.ind lr, $3  }
0x3a: {  	_ = 	snop  }
0x3b: {  	_ = 	snop  }
0x3c: {  	p2 =	seq.s32 s10, $0x1;
	s10 =	sld [smem:$0x3FB6]  }
0x3d: {  	_ =	shalt  }
0x3e: {  	_ =	shalt  }
0x3f: {  	_ =	shalt  }
0x40: {  	_ =	shalt  }
0x41: {  	_ =	shalt  }
0x42: {  	_ =	shalt  }
0x43: {  	_ =	shalt  }
0x44: {  	_ =	shalt  }
0x45: {  	_ =	shalt  }
0x46: {  	_ =	shalt  }
0x47: {  	_ =	shalt  }
0x48: {  	_ =	shalt  }
0x49: {  	_ =	shalt  }
0x4a: {  	_ =	shalt  }
0x4b: {  	_ =	shalt  }
0x4c: {  	_ =	shalt  }
0x4d: {  	_ =	shalt  }
0x4e: {  	_ =	shalt  }
0x4f: {  	_ =	shalt  }
0x50: {  	_ =	shalt  }
0x51: {  	_ =	shalt  }
0x52: {  	_ =	shalt  }
0x53: {  	_ =	shalt  }
0x54: {  	_ =	shalt  }
0x55: {  	_ =	shalt  }
0x56: {  	_ =	shalt  }
0x57: {  	_ =	shalt  }
0x58: {  	_ =	shalt  }
0x59: {  	_ =	shalt  }
0x5a: {  	_ =	shalt  }
0x5b: {  	_ =	shalt  }
0x5c: {  	_ =	shalt  }
0x5d: {  	_ =	shalt  }
0x5e: {  	_ =	shalt  }
0x5f: {  	_ =	shalt  }
0x60: {  	_ =	shalt  }
0x61: {  	_ =	shalt  }
0x62: {  	_ =	shalt  }
0x63: {  	_ =	shalt  }
0x64: {  	_ =	shalt  }
0x65: {  	_ =	shalt  }
0x66: {  	_ =	shalt  }
0x67: {  	_ =	shalt  }
0x68: {  	_ =	shalt  }
0x69: {  	_ =	shalt  }
0x6a: {  	_ =	shalt  }
0x6b: {  	_ =	shalt  }
0x6c: {  	_ =	shalt  }
0x6d: {  	_ =	shalt  }
0x6e: {  	_ =	shalt  }
0x6f: {  	_ =	shalt  }
0x70: {  	_ =	shalt  }
0x71: {  	_ =	shalt  }
0x72: {  	_ =	shalt  }
0x73: {  	_ =	shalt  }
0x74: {  	_ =	shalt  }
0x75: {  	_ =	shalt  }
0x76: {  	_ =	shalt  }
0x77: {  	_ =	shalt  }
0x78: {  	_ =	shalt  }
0x79: {  	_ =	shalt  }
0x7a: {  	_ =	shalt  }
0x7b: {  	_ =	shalt  }
0x7c: {  	_ =	shalt  }
0x7d: {  	_ =	shalt  }
0x7e: {  	_ =	shalt  }
0x7f: {  	_ =	shalt  }
0x80: {  	_ =	shalt  }
0x81: {  	_ =	shalt  }
0x82: {  	_ =	shalt  }
0x83: {  	_ =	shalt  }
0x84: {  	_ =	shalt  }
0x85: {  	_ =	shalt  }
0x86: {  	_ =	shalt  }
0x87: {  	_ =	shalt  }
.Lfunc_end0:
.L_simem_size_0:
called_computation_lowered:
.L_overlay_start_0:
0x88: {  	s2 =	sld [smem:$0x3FD9]  }
0x89: {  	s3 =	sld [smem:$0x3FFE];
	_ =	sdelay $0x1  }
0x8a: {  	s1 =	srdreg.scid  }
0x8b: {  	s0 =	sand.u32 $0x1, s1  }
0x8c: {  	s15 =	sshll.u32 s0, $0xA;
	s2 =	sadd.s32 s3, s2  }
0x8d: {  	s2 =	sadd.s32 s2, s15  }
0x8e: {  	[smem:$0x3FC2] =	sst s2  }
0x8f: {  	_ = 	snop  }
0x90: {  	s2 =	sld [smem:$0x3FC9]  }
0x91: {  	s16 =	sld [smem:$0x3FC8]  }
0x92: {  	s4 =	sld [smem:$0x3FC7]  }
0x93: {  	s5 =	sld [smem:$0x3FD0]  }
0x94: {  	s6 =	sld [smem:$0x3FC6]  }
0x95: {  	s7 =	sld [smem:$0x3FC5]  }
0x96: {  	s9 =	simm.s32 $0xA;
	s10 =	simm.s32 $0x10;
	s8 =	sld [smem:$0x3FC4]  }
0x97: {  	[smem:s10], [sflag:s9] =	dma.local [hbm:s5], $0x1  }
0x98: {  	_ =	swait.eq [sflag:s9], $0x1  }
0x99: {  	[sflag:s9] =	ssyncset.done $0x0  }
0x9a: {  	s17 =	sld [smem:$0x10];
	[sflag:s9] =	ssyncadd.s32 $0xFFFFFFFF  }
0x9b: {  	s18 =	sld [smem:$0x11];
	(tm) =	ssettm $0x1  }
0x9c: {  	s19 =	sld [smem:$0x3FFB];
	_ =	sdelay $0x3  }
0x9d: {  	_ =	strace s19  }
0x9e: {  	s10 =	sld [smem:$0x3FFC];
	_ =	sdelay $0x3  }
0x9f: {  	_ =	strace s10  }
0xa0: {  	s10 =	sld [smem:$0x3FFD];
	_ =	sdelay $0x3  }
0xa1: {  	_ =	strace s10  }
0xa2: {  	_ =	strace $0x8FFFFFFF  }
0xa3: {  	s20 =	sld [smem:$0x3FDB];
	_ =	sdelay $0x1  }
0xa4: {  	s11 =	simm.s32 $_scs_section_size  }
0xa5: {  	s12 =	simm.s32 $_size__tile_overlayer_lowered;
	s13 =	simm.s32 $_tile_overlayer_lowered  }
0xa6: {  	s23 =	simm.s32 $0x1BFF;
	s22 =	sshll.u32 s13, $0x1;
	s10 =	sadd.s32 s11, s20  }
0xa7: {  	s14 =	simm.s32 $0x0;
	s21 =	sshll.u32 s12, $0x1;
	s12 =	sadd.s32 s22, s10  }
0xa8: {  	[timem:s14], [sflag:s23] =	dma.local [hbm:s12], s21  }
0xa9: {  	_ =	swait.ge [sflag:s23], s21  }
0xaa: {  	s11 =	ssub.s32 $0x0, s21;
	[sflag:s23] =	ssyncset.done $0x0  }
0xab: {  	[sflag:s23] =	ssyncadd.s32 s11;
	_ =	sdelay $0x1  }
0xac: {  	s24 =	simm.s32 $0x1B8B  }
0xad: {  	_ =	swait.ge [sflag:s24], $0x1  }
0xae: {  	[sflag:s24] =	ssyncset.done $0x0  }
0xaf: {  	s25 =	simm.s32 $0x1B8E;
	[sflag:s24] =	ssyncadd.s32 $0xFFFFFFFF  }
0xb0: {  	s26 =	simm.s32 $execute0_lowered;
	[smem:$0x3FD2] =	sst s25  }
0xb1: {  	s11 =	sshll.u32 s26, $0x1;
	_ =	strace $0x80000046;
	[dreg:$0x1] =	wrdreg $0xFFFFFFFF  }
0xb2: {  	s28 =	simm.s32 $_size_execute0_lowered;
	s10 =	sadd.s32 s10, s11;
	[dreg:$0x0] =	wrdreg $0x0  }
0xb3: {  	s11 =	sshll.u32 s28, $0x1;
	[dreg:$0x2] =	wrdreg s10  }
0xb4: {  	[dreg:$0x3] =	wrdreg s11  }
0xb5: {  	[dreg:$0x4] =	wrdreg $0xC0  }
0xb6: {  	_ =	task [dreg:s14], $0x5FFFF  }
0xb7: {  	[dreg:$0x1] =	wrdreg $0xFFFFFFFF  }
0xb8: {  	[dreg:$0x0] =	wrdreg $0x60  }
0xb9: {  	[dreg:$0x2] =	wrdreg s2  }
0xba: {  	[dreg:$0x3] =	wrdreg s16  }
0xbb: {  	[dreg:$0x4] =	wrdreg s4  }
0xbc: {  	[dreg:$0x5] =	wrdreg s6  }
0xbd: {  	[dreg:$0x6] =	wrdreg s7  }
0xbe: {  	[dreg:$0x7] =	wrdreg s8  }
0xbf: {  	[dreg:$0x8] =	wrdreg s17  }
0xc0: {  	[dreg:$0x9] =	wrdreg s18  }
0xc1: {  	[dreg:$0xa] =	wrdreg $0x9  }
0xc2: {  	_ =	task.clear_ibuf [dreg:s14], $0xBFFFF;
	_ =	strace $0x90000046  }
0xc3: {  	s29 =	simm.s32 $0x9;
	_ =	strace $0x80000048  }
0xc4: {  	_ =	swait.ge [sflag:s29], $0x1  }
0xc5: {  	[sflag:s29] =	ssyncadd.s32 $0xFFFFFFFF  }
0xc6: {  	_ =	strace $0x90000048  }
0xc7: {  	_ =	sfence  }
0xc8: {  	s30 =	sld [smem:$0x0];
	_ =	sdelay $0x2  }
0xc9: {  	s31 =	sshll.u32 s1, $0xD;
	s1 =	sshrl.u32 s1, $0x2  }
0xca: {  	s3 =	sand.u32 $0x4000, s31;
	s1 =	sadd.s32 s1, s30  }
0xcb: {  	s0 =	sor.u32 s3, s0;
	s1 =	sshll.u32 s1, $0x11  }
0xcc: {  	s0 =	sor.u32 s1, s0  }
0xcd: {  	s0 =	sadd.s32 $0x8F2B, s0  }
0xce: {  	[sflag:s0] =	ssyncadd.remote.s32 $0x1  }
0xcf: {  	_ =	sfence.sel $0xFFFF  }
0xd0: {  	[dreg:$0x0] =	wrdreg $0xFFFFFFFF;
	(pc) =	sbr.abs _section_cstart, $3  }
0xd1: {  	[dreg:$0x1] =	wrdreg $0xFFFFFFFF  }
0xd2: {  	_ =	task.clear_ibuf [dreg:s14], $0x2FFFF;
	_ =	strace $0x9FFFFFFF  }
0xd3: {  	(tm) =	ssettm $0x7FFFFFFF  }
tec
execute0_lowered:
.L_overlay_start_1:
0x0: {  	(tag) =	ssettag $0x1  }
0x1: {  	s0 =	rddreg [dreg:$0x0]  }
0x2: {  	s3 =	rddreg [dreg:$0x1]  }
0x3: {  	s1 =	rddreg [dreg:$0x2]  }
0x4: {  	s2 =	rddreg [dreg:$0x3]  }
0x5: {  	s5 =	rddreg [dreg:$0x6]  }
0x6: {  	s7 =	rddreg [dreg:$0x7];
	s4 =	srdreg.scid;
	s8 =	simm.s32 $0x0  }
0x7: {  	s10 =	stileid.u32;
	s28 =	simm.s32 $0x1;
	s29 =	simm.s32 $0x40  }
0x8: {  	v0 =	vimm.s32 $0xFEDCBA98;
	v1 =	vimm.s32 $0x76543210;
	s31 =	simm.s32 $0x4;
	s4 =	sand.u32 $0x1, s4;
	[smem:$0x7FF] =	sst s8  }
0x9: {  	v2 =	vimm.s32 $0xBA98FEDC;
	v3 =	vimm.s32 $0x32107654;
	s6 =	sshll.u32 s10, $0x9;
	s18 =	sshrl.u32 s10, $0x2;
	s9 =	sshll.u32 s4, $0x8  }
0xa: {  	v4 =	vimm.s32 $0xDCFE98BA;
	_ =	strace $0x80000047;
	s4 =	ssub.s32 $0x2, s4;
	s11 =	sshll.u32 s18, $0xB  }
0xb: {  	v5 =	vimm.s32 $0x54761032;
	v6 =	vimm.s32 $0xEFCDAB89;
	v7 =	vimm.s32 $0x67452301;
	s13 =	sshll.u32 s18, $0x7;
	s9 =	sor.u32 s9, s6;
	s14 =	sshrl.u32 s4, $0x1  }
0xc: {  	v0 =	vunpack.c.l.s4.s8 v0;
	v1 =	vunpack.c.l.s4.s8 v1;
	v2 =	vunpack.c.l.s4.s8 v2;
	s3 =	sadd.s32 s3, s11;
	s21 =	sor.u32 $0x200, s13;
	s22 =	sor.u32 $0x240, s13  }
0xd: {  	v3 =	vunpack.c.l.s4.s8 v3;
	v4 =	vunpack.c.l.s4.s8 v4;
	v5 =	vunpack.c.l.s4.s8 v5;
	s26 =	sor.u32 $0x40, s13;
	s6 =	simm.s32 $0xB;
	[dreg:$0xb] =	wrdreg s21  }
0xe: {  	v6 =	vunpack.c.l.s4.s8 v6;
	v7 =	vunpack.c.l.s4.s8 v7;
	v0 =	vunpack.c.0.s8.s32 v0;
	s10 =	sand.u32 $0x700, s9;
	[dreg:$0xc] =	wrdreg s22;
	s23 =	ssub.s32 s4, s14  }
0xf: {  	v2 =	vunpack.c.0.s8.s32 v2;
	v3 =	vunpack.c.0.s8.s32 v3;
	v4 =	vunpack.c.0.s8.s32 v4;
	[dreg:$0xf] =	wrdreg s26;
	s19 =	sshll.u32 s10, $0x4;
	s15 =	sadd.s32 s10, s3  }
.Ltmp0:
0x10: {  	v5 =	vunpack.c.0.s8.s32 v5;
	v6 =	vunpack.c.0.s8.s32 v6;
	v7 =	vunpack.c.0.s8.s32 v7;
	s30 =	smax.u32 s23, $0x1;
	[dreg:$0x9] =	wrdreg s15;
	(pc) =	sbr.rel .LBB2_1-.Ltmp0, $4  }
0x11: {  	v1 =	vunpack.c.0.s8.s32 v1;
	s25 =	sshrl.u32 s10, $0x1;
	v2 =	vcombine.low v3, v2;
	s24 =	sadd.s32 $0x80, s15;
	[dreg:$0x10] =	wrdreg s30  }
0x12: {  	v3 =	vcombine.low v5, v4;
	v4 =	vcombine.low v7, v6;
	v0 =	vand.u32 $0xF, v0;
	s12 =	sadd.s32 s2, s19;
	s0 =	sadd.s32 s0, s25;
	[dreg:$0xd] =	wrdreg s24  }
0x13: {  	s3 =	simm.s32 $0x0;
	v16 =	vcombine.low v0, v1;
	s20 =	sadd.s32 $0x400, s12;
	[dreg:$0xe] =	wrdreg s0  }
0x14: {  	v1 =	vand.u32 $0xF, v2;
	v2 =	vand.u32 $0xF, v3;
	v3 =	vand.u32 $0xF, v4;
	s0 =	simm.s32 $0x3;
	[dreg:$0xa] =	wrdreg s20;
	s20 =	simm.s32 $0x2  }
.LBB2_12:
0x15: {  	_ =	swait.ge [sflag:s6], $0x2000  }
0x16: {  	[sflag:s6] =	ssyncset.done $0x0  }
0x17: {  	[sflag:s6] =	ssyncadd.s32 $0xFFFFE000  }
0x18: {  	_ =	swait.ge [sflag:s6], $0x2000  }
0x19: {  	[sflag:s6] =	ssyncset.done $0x0  }
0x1a: {  	[sflag:s6] =	ssyncadd.s32 $0xFFFFE000  }
0x1b: {  	_ =	swait.ge [sflag:s6], $0x2000  }
0x1c: {  	[sflag:s6] =	ssyncset.done $0x0  }
0x1d: {  	[sflag:s6] =	ssyncadd.s32 $0xFFFFE000  }
0x1e: {  	_ =	swait.ge [sflag:s6], $0x2000  }
0x1f: {  	[sflag:s6] =	ssyncset.done $0x0  }
0x20: {  	[sflag:s6] =	ssyncadd.s32 $0xFFFFE000  }
0x21: {  	_ =	swait.ge [sflag:s6], $0x2000  }
0x22: {  	[sflag:s6] =	ssyncset.done $0x0  }
0x23: {  	[sflag:s6] =	ssyncadd.s32 $0xFFFFE000  }
0x24: {  	_ =	swait.ge [sflag:s6], $0x2000  }
0x25: {  	[sflag:s6] =	ssyncset.done $0x0  }
0x26: {  	[sflag:s6] =	ssyncadd.s32 $0xFFFFE000  }
0x27: {  	_ =	swait.ge [sflag:s6], $0x2000  }
0x28: {  	[sflag:s6] =	ssyncset.done $0x0  }
0x29: {  	[sflag:s6] =	ssyncadd.s32 $0xFFFFE000  }
0x2a: {  	_ =	swait.ge [sflag:s6], $0x2000  }
0x2b: {  	s3 =	sadd.s32 $0x1, s3;
	s4 =	rddreg [dreg:$0x10]  }
0x2c: {  	p0 =	sne.s32 s3, s4  }
.Ltmp1:
0x2d: {  	_ = 	snop;
	(pc) =	sbr.rel @!p0 .LBB2_13-.Ltmp1, $3  }
0x2e: {  	_ =	sdelay $0x1  }
0x2f: {  	[sflag:s6] =	ssyncset.done $0x0  }
0x30: {  	[sflag:s6] =	ssyncadd.s32 $0xFFFFE000  }
.LBB2_1:
0x31: {  	s4 =	rddreg [dreg:$0x9];
	s11 =	simm.s32 $0x400  }
0x32: {  	[tilespmem:s11], [sflag:$0x1] =	stream.linear.gather [hbm4b:s4+s8], $0x400, $0x38;
	[tilespmem:$0x1CD00] =	vst v63  }
0x33: {  	s17 =	rddreg [dreg:$0xd];
	s14 =	simm.s32 $0x800  }
0x34: {  	[tilespmem:s14], [sflag:$0x1] =	stream.linear.gather [hbm4b:s17+s8], $0x400, $0x38;
	[tilespmem:$0x1CD00] =	vst v63  }
0x35: {  	s18 =	rddreg [dreg:$0xe]  }
0x36: {  	[tilespmem:s8], [sflag:$0x2] =	stream.linear.gather [hbm4b:s18+s8], $0x400, $0x38;
	[tilespmem:$0x1CD00] =	vst v63  }
0x37: {  	s19 =	rddreg [dreg:$0x4];
	s21 =	simm.s32 $0x1CC00  }
0x38: {  	[tilespmem:s21], [sflag:$0x2] =	stream.linear.gather [hbm4b:s19+s8], $0x80, $0x38;
	[tilespmem:$0x1CD00] =	vst v63  }
0x39: {  	s22 =	rddreg [dreg:$0x5];
	s23 =	simm.s32 $0x1CC80  }
0x3a: {  	[tilespmem:s23], [sflag:$0x2] =	stream.linear.gather [hbm4b:s22+s8], $0x80, $0x38;
	[tilespmem:$0x1CD00] =	vst v63  }
0x3b: {  	s24 =	simm.s32 $0x18C00  }
0x3c: {  	[tilespmem:s24], [sflag:$0x9] =	stream.linear.gather [hbm4b:s12+s8], $0x2000, $0x38;
	[tilespmem:$0x1CD00] =	vst v63  }
0x3d: {  	s25 =	rddreg [dreg:$0xa];
	s26 =	simm.s32 $0x1AC00  }
0x3e: {  	[tilespmem:s26], [sflag:$0xA] =	stream.linear.gather [hbm4b:s25+s8], $0x2000, $0x38;
	[tilespmem:$0x1CD00] =	vst v63  }
0x3f: {  	_ =	swait.ge [sflag:s28], $0x400  }
0x40: {  	[sflag:s28] =	ssyncset.done $0x0  }
0x41: {  	[sflag:s28] =	ssyncadd.s32 $0xFFFFFC00  }
0x42: {  	_ =	swait.ge [sflag:s28], $0x400  }
0x43: {  	[sflag:s28] =	ssyncset.done $0x0  }
0x44: {  	s30 =	simm.s32 $0x10C00;
	[sflag:s28] =	ssyncadd.s32 $0xFFFFFC00  }
0x45: {  	[tilespmem:s30], [sflag:$0x4] =	stream.indirect.gather [hbm4b:s1+s29], $0x80, s11, s29, $0xb8;
	[tilespmem:$0x1CD00] =	vst v63  }
0x46: {  	s15 =	simm.s32 $0xAC00;
	s14 =	simm.s32 $0x480  }
0x47: {  	[tilespmem:s15], [sflag:$0x6] =	stream.indirect.gather [hbm4b:s1+s29], $0x80, s14, s29, $0xb8;
	[tilespmem:$0x1CD00] =	vst v63  }
0x48: {  	s16 =	simm.s32 $0x500;
	s17 =	simm.s32 $0xCC00  }
0x49: {  	[tilespmem:s17], [sflag:$0x7] =	stream.indirect.gather [hbm4b:s1+s29], $0x80, s16, s29, $0xb8;
	[tilespmem:$0x1CD00] =	vst v63  }
0x4a: {  	s18 =	simm.s32 $0x580;
	s19 =	simm.s32 $0xEC00  }
0x4b: {  	[tilespmem:s19], [sflag:$0x8] =	stream.indirect.gather [hbm4b:s1+s29], $0x80, s18, s29, $0xb8;
	[tilespmem:$0x1CD00] =	vst v63  }
0x4c: {  	_ =	swait.ge [sflag:s20], $0x400  }
0x4d: {  	[sflag:s20] =	ssyncset.done $0x0  }
0x4e: {  	[sflag:s20] =	ssyncadd.s32 $0xFFFFFC00  }
0x4f: {  	_ =	swait.ge [sflag:s20], $0x80  }
0x50: {  	[sflag:s20] =	ssyncset.done $0x0  }
0x51: {  	[sflag:s20] =	ssyncadd.s32 $0xFFFFFF80  }
0x52: {  	_ =	swait.ge [sflag:s20], $0x80  }
0x53: {  	[sflag:s20] =	ssyncset.done $0x0  }
0x54: {  	[sflag:s20] =	ssyncadd.s32 $0xFFFFFF80  }
0x55: {  	v4 =	vld [tilespmem:$0x1CC00]  }
0x56: {  	v19 =	vld [tilespmem:$0x1CC10]  }
0x57: {  	v13 =	vld [tilespmem:$0x1CC20]  }
0x58: {  	v14 =	vld [tilespmem:$0x1CC30]  }
0x59: {  	v15 =	vld [tilespmem:$0x1CC40]  }
0x5a: {  	v17 =	vld [tilespmem:$0x1CC50]  }
0x5b: {  	v18 =	vld [tilespmem:$0x1CC60]  }
0x5c: {  	v12 =	vld [tilespmem:$0x1CC70]  }
0x5d: {  	v5 =	vld [tilespmem:$0x1CC80]  }
0x5e: {  	v0 =	vld [tilespmem:$0x1CC90]  }
0x5f: {  	v6 =	vld [tilespmem:$0x1CCA0]  }
0x60: {  	v7 =	vld [tilespmem:$0x1CCB0]  }
0x61: {  	v8 =	vld [tilespmem:$0x1CCC0]  }
0x62: {  	v9 =	vld [tilespmem:$0x1CCD0]  }
0x63: {  	s21 =	simm.s32 $0xC00;
	v10 =	vld [tilespmem:$0x1CCE0]  }
0x64: {  	v11 =	vld [tilespmem:$0x1CCF0];
	[tilespmem:s21], [sflag:$0x3] =	stream.indirect.gather [hbm4b:s1+s29], $0x80, s13, s29, $0xb8  }
0x65: {  	s23 =	simm.s32 $0x2C00;
	s22 =	rddreg [dreg:$0xf]  }
0x66: {  	[tilespmem:s23], [sflag:$0x3] =	stream.indirect.gather [hbm4b:s1+s29], $0x80, s22, s29, $0xb8;
	[tilespmem:$0x1CD00] =	vst v63  }
0x67: {  	s25 =	simm.s32 $0x4C00;
	s24 =	rddreg [dreg:$0xb]  }
0x68: {  	[tilespmem:s25], [sflag:$0x3] =	stream.indirect.gather [hbm4b:s1+s29], $0x80, s24, s29, $0xb8;
	[tilespmem:$0x1CD00] =	vst v63  }
0x69: {  	[tilespmem:$0x1FF30] =	vst v8  }
0x6a: {  	[tilespmem:$0x1FF40] =	vst v9  }
0x6b: {  	[tilespmem:$0x1FF50] =	vst v10  }
0x6c: {  	[tilespmem:$0x1FF60] =	vst v6  }
0x6d: {  	[tilespmem:$0x1FF70] =	vst v7  }
0x6e: {  	[tilespmem:$0x1FF80] =	vst v11  }
0x6f: {  	[tilespmem:$0x1FF90] =	vst v4  }
0x70: {  	[tilespmem:$0x1FFA0] =	vst v12  }
0x71: {  	[tilespmem:$0x1FFB0] =	vst v5  }
.Ltmp2:
0x72: {  	[tilespmem:$0x1FFC0] =	vst v19;
	(pc) =	sbr.rel .LBB2_2-.Ltmp2, $4  }
0x73: {  	[tilespmem:$0x1FFD0] =	vst v13  }
0x74: {  	s4 =	simm.s32 $0x0;
	[tilespmem:$0x1FFE0] =	vst v14  }
0x75: {  	s30 =	simm.s32 $0x6C00;
	s19 =	simm.s32 $0x0;
	s26 =	rddreg [dreg:$0xc];
	[tilespmem:$0x1FFF0] =	vst v15  }
0x76: {  	[tilespmem:s30], [sflag:$0x3] =	stream.indirect.gather [hbm4b:s1+s29], $0x80, s26, s29, $0xb8;
	[tilespmem:$0x1CD00] =	vst v63  }
.LBB2_11:
0x77: {  	s19 =	sadd.s32 $0x1, s19  }
0x78: {  	p0 =	sne.s32 s19, $0x20  }
.Ltmp3:
0x79: {  	_ = 	snop;
	(pc) =	sbr.rel @!p0 .LBB2_12-.Ltmp3, $2  }
0x7a: {  	_ =	sdelay $0x2  }
0x7b: {  	s4 =	sadd.s32 $0x1, s4  }
.LBB2_2:
0x7c: {  	s15 =	sand.u32 $0x7, s19  }
0x7d: {  	p0 =	sne.s32 s15, $0x0  }
.Ltmp4:
0x7e: {  	_ = 	snop;
	(pc) =	sbr.rel @!p0 .LBB2_3-.Ltmp4, $3  }
0x7f: {  	_ =	sdelay $0x1  }
0x80: {  	s11 =	sshll.u32 s19, $0xA  }
0x81: {  	s14 =	sand.u32 $0x3FFFE000, s11  }
0x82: {  	s16 =	sand.u32 $0x3, s4  }
0x83: {  	s16 =	sshll.u32 s16, $0xD  }
0x84: {  	s16 =	sor.u32 $0x8C00, s16  }
0x85: {  	s17 =	sand.u32 $0x3, s19;
	v20 =	vmov s16  }
0x86: {  	s30 =	sadd.s32 $0x5, s17  }
0x87: {  	_ =	swait.ge [sflag:s30], $0x2000  }
0x88: {  	[sflag:s30] =	ssyncset.done $0x0  }
0x89: {  	s17 =	simm.s32 $0x0;
	[sflag:s30] =	ssyncadd.s32 $0xFFFFE000  }
0x8a: {  	v21 =	vld.idx.msk [tilespmem:v20+s17+$0x80 ss:$0x1], $0xffff;
	_ =	sdelay $0x1  }
0x8b: {  	v22 =	vld.idx.msk [tilespmem:v20+s17+$0x0 ss:$0x1], $0xffff  }
0x8c: {  	s18 =	sadd.s32 $0x10C00, s14  }
0x8d: {  	s16 =	sadd.s32 $0x0, s18  }
0x8e: {  	[tilespmem:s16+$0x80] =	vst.add.f32.msk $0xffff, v21  }
0x8f: {  	v21 =	vld.idx.msk [tilespmem:v20+s17+$0x90 ss:$0x1], $0xffff  }
0x90: {  	[tilespmem:s16+$0x0] =	vst.add.f32.msk $0xffff, v22  }
0x91: {  	s21 =	simm.s32 $0x100;
	v22 =	vld.idx.msk [tilespmem:v20+s17+$0x10 ss:$0x1], $0xffff  }
0x92: {  	v23 =	vld.idx.msk [tilespmem:v20+s21+$0x80 ss:$0x1], $0xffff  }
0x93: {  	v24 =	vld.idx.msk [tilespmem:v20+s21+$0x0 ss:$0x1], $0xffff  }
0x94: {  	[tilespmem:s16+$0x90] =	vst.add.f32.msk $0xffff, v21  }
0x95: {  	v21 =	vld.idx.msk [tilespmem:v20+s17+$0xA0 ss:$0x1], $0xffff  }
0x96: {  	[tilespmem:s16+$0x10] =	vst.add.f32.msk $0xffff, v22  }
0x97: {  	s22 =	sadd.s32 $0x100, s18;
	v22 =	vld.idx.msk [tilespmem:v20+s17+$0x20 ss:$0x1], $0xffff  }
0x98: {  	[tilespmem:s22+$0x80] =	vst.add.f32.msk $0xffff, v23  }
0x99: {  	[tilespmem:s22+$0x0] =	vst.add.f32.msk $0xffff, v24  }
0x9a: {  	[tilespmem:s16+$0xA0] =	vst.add.f32.msk $0xffff, v21  }
0x9b: {  	v21 =	vld.idx.msk [tilespmem:v20+s17+$0xB0 ss:$0x1], $0xffff  }
0x9c: {  	[tilespmem:s16+$0x20] =	vst.add.f32.msk $0xffff, v22  }
0x9d: {  	v22 =	vld.idx.msk [tilespmem:v20+s17+$0x30 ss:$0x1], $0xffff  }
0x9e: {  	v23 =	vld.idx.msk [tilespmem:v20+s21+$0x90 ss:$0x1], $0xffff  }
0x9f: {  	v24 =	vld.idx.msk [tilespmem:v20+s21+$0x10 ss:$0x1], $0xffff  }
0xa0: {  	[tilespmem:s16+$0xB0] =	vst.add.f32.msk $0xffff, v21  }
0xa1: {  	v21 =	vld.idx.msk [tilespmem:v20+s17+$0xC0 ss:$0x1], $0xffff  }
0xa2: {  	[tilespmem:s16+$0x30] =	vst.add.f32.msk $0xffff, v22  }
0xa3: {  	v22 =	vld.idx.msk [tilespmem:v20+s17+$0x40 ss:$0x1], $0xffff  }
0xa4: {  	[tilespmem:s22+$0x90] =	vst.add.f32.msk $0xffff, v23  }
0xa5: {  	[tilespmem:s22+$0x10] =	vst.add.f32.msk $0xffff, v24  }
0xa6: {  	[tilespmem:s16+$0xC0] =	vst.add.f32.msk $0xffff, v21  }
0xa7: {  	v21 =	vld.idx.msk [tilespmem:v20+s17+$0xD0 ss:$0x1], $0xffff  }
0xa8: {  	[tilespmem:s16+$0x40] =	vst.add.f32.msk $0xffff, v22  }
0xa9: {  	v22 =	vld.idx.msk [tilespmem:v20+s21+$0xA0 ss:$0x1], $0xffff  }
0xaa: {  	v24 =	vld.idx.msk [tilespmem:v20+s21+$0x20 ss:$0x1], $0xffff  }
0xab: {  	v23 =	vld.idx.msk [tilespmem:v20+s17+$0x50 ss:$0x1], $0xffff  }
0xac: {  	[tilespmem:s16+$0xD0] =	vst.add.f32.msk $0xffff, v21  }
0xad: {  	v21 =	vld.idx.msk [tilespmem:v20+s17+$0xE0 ss:$0x1], $0xffff  }
0xae: {  	[tilespmem:s22+$0xA0] =	vst.add.f32.msk $0xffff, v22  }
0xaf: {  	v22 =	vld.idx.msk [tilespmem:v20+s21+$0xB0 ss:$0x1], $0xffff  }
0xb0: {  	[tilespmem:s16+$0x50] =	vst.add.f32.msk $0xffff, v23  }
0xb1: {  	v23 =	vld.idx.msk [tilespmem:v20+s17+$0x60 ss:$0x1], $0xffff  }
0xb2: {  	[tilespmem:s16+$0xE0] =	vst.add.f32.msk $0xffff, v21  }
0xb3: {  	v21 =	vld.idx.msk [tilespmem:v20+s17+$0xF0 ss:$0x1], $0xffff  }
0xb4: {  	[tilespmem:s22+$0x20] =	vst.add.f32.msk $0xffff, v24  }
0xb5: {  	[tilespmem:s22+$0xB0] =	vst.add.f32.msk $0xffff, v22  }
0xb6: {  	v22 =	vld.idx.msk [tilespmem:v20+s21+$0xC0 ss:$0x1], $0xffff  }
0xb7: {  	[tilespmem:s16+$0x60] =	vst.add.f32.msk $0xffff, v23  }
0xb8: {  	[tilespmem:s16+$0xF0] =	vst.add.f32.msk $0xffff, v21  }
0xb9: {  	s23 =	simm.s32 $0x2;
	s24 =	simm.s32 $0x800;
	v21 =	vld.idx.msk [tilespmem:v20+s21+$0x30 ss:$0x1], $0xffff  }
.LBB2_5:
0xba: {  	s23 =	sadd.s32 $0x2, s23;
	v23 =	vld.idx.msk [tilespmem:v20+s17+$0x70 ss:$0x1], $0xffff;
	s17 =	smov.u32 s21;
	s21 =	sshra.s32 s24, $0x2  }
0xbb: {  	v24 =	vld.idx.msk [tilespmem:v20+s21+$0x80 ss:$0x1], $0xffff;
	p0 =	slt.u32 s23, $0x3E  }
0xbc: {  	v25 =	vld.idx.msk [tilespmem:v20+s21+$0x0 ss:$0x1], $0xffff  }
0xbd: {  	[tilespmem:s22+$0xC0] =	vst.add.f32.msk $0xffff, v22  }
0xbe: {  	v22 =	vld.idx.msk [tilespmem:v20+s17+$0xD0 ss:$0x1], $0xffff  }
0xbf: {  	[tilespmem:s22+$0x30] =	vst.add.f32.msk $0xffff, v21  }
0xc0: {  	s25 =	sadd.s32 s21, s18;
	v21 =	vld.idx.msk [tilespmem:v20+s17+$0x40 ss:$0x1], $0xffff  }
0xc1: {  	[tilespmem:s25+$0x80] =	vst.add.f32.msk $0xffff, v24  }
0xc2: {  	v24 =	vld.idx.msk [tilespmem:v20+s21+$0x90 ss:$0x1], $0xffff  }
0xc3: {  	[tilespmem:s25+$0x0] =	vst.add.f32.msk $0xffff, v25  }
0xc4: {  	[tilespmem:s22+$0xD0] =	vst.add.f32.msk $0xffff, v22  }
0xc5: {  	v22 =	vld.idx.msk [tilespmem:v20+s17+$0xE0 ss:$0x1], $0xffff  }
0xc6: {  	v25 =	vld.idx.msk [tilespmem:v20+s21+$0x10 ss:$0x1], $0xffff  }
0xc7: {  	[tilespmem:s22+$0x40] =	vst.add.f32.msk $0xffff, v21  }
0xc8: {  	[tilespmem:s25+$0x90] =	vst.add.f32.msk $0xffff, v24  }
0xc9: {  	v21 =	vld.idx.msk [tilespmem:v20+s21+$0xA0 ss:$0x1], $0xffff  }
0xca: {  	v24 =	vld.idx.msk [tilespmem:v20+s17+$0x50 ss:$0x1], $0xffff  }
0xcb: {  	[tilespmem:s22+$0xE0] =	vst.add.f32.msk $0xffff, v22  }
0xcc: {  	v22 =	vld.idx.msk [tilespmem:v20+s17+$0xF0 ss:$0x1], $0xffff  }
0xcd: {  	[tilespmem:s25+$0x10] =	vst.add.f32.msk $0xffff, v25  }
0xce: {  	v25 =	vld.idx.msk [tilespmem:v20+s21+$0x20 ss:$0x1], $0xffff  }
0xcf: {  	[tilespmem:s25+$0xA0] =	vst.add.f32.msk $0xffff, v21  }
0xd0: {  	v26 =	vld.idx.msk [tilespmem:v20+s21+$0xB0 ss:$0x1], $0xffff  }
0xd1: {  	[tilespmem:s22+$0x50] =	vst.add.f32.msk $0xffff, v24  }
0xd2: {  	[tilespmem:s22+$0xF0] =	vst.add.f32.msk $0xffff, v22  }
0xd3: {  	v24 =	vld.idx.msk [tilespmem:v20+s17+$0x60 ss:$0x1], $0xffff  }
0xd4: {  	[tilespmem:s25+$0x20] =	vst.add.f32.msk $0xffff, v25  }
.Ltmp5:
0xd5: {  	v21 =	vld.idx.msk [tilespmem:v20+s21+$0x30 ss:$0x1], $0xffff;
	(pc) =	sbr.rel @p0 .LBB2_5-.Ltmp5, $4  }
0xd6: {  	[tilespmem:s25+$0xB0] =	vst.add.f32.msk $0xffff, v26  }
0xd7: {  	v22 =	vld.idx.msk [tilespmem:v20+s21+$0xC0 ss:$0x1], $0xffff  }
0xd8: {  	[tilespmem:s16+$0x70] =	vst.add.f32.msk $0xffff, v23;
	s16 =	smov.u32 s22;
	s22 =	smov.u32 s25  }
0xd9: {  	s24 =	sadd.s32 $0x400, s24;
	[tilespmem:s16+$0x60] =	vst.add.f32.msk $0xffff, v24  }
0xda: {  	_ =	sdelay $0x2  }
0xdb: {  	[tilespmem:s22+$0x30] =	vst.add.f32.msk $0xffff, v21  }
0xdc: {  	v21 =	vld.idx.msk [tilespmem:v20+s21+$0x40 ss:$0x1], $0xffff;
	_ =	sdelay $0x2  }
0xdd: {  	[tilespmem:s22+$0xC0] =	vst.add.f32.msk $0xffff, v22  }
0xde: {  	v22 =	vld.idx.msk [tilespmem:v20+s21+$0xD0 ss:$0x1], $0xffff  }
0xdf: {  	[tilespmem:s22+$0x40] =	vst.add.f32.msk $0xffff, v21  }
0xe0: {  	v21 =	vld.idx.msk [tilespmem:v20+s21+$0x50 ss:$0x1], $0xffff;
	_ =	sdelay $0x2  }
0xe1: {  	[tilespmem:s22+$0xD0] =	vst.add.f32.msk $0xffff, v22  }
0xe2: {  	v22 =	vld.idx.msk [tilespmem:v20+s21+$0xE0 ss:$0x1], $0xffff  }
0xe3: {  	[tilespmem:s22+$0x50] =	vst.add.f32.msk $0xffff, v21  }
0xe4: {  	v21 =	vld.idx.msk [tilespmem:v20+s21+$0x60 ss:$0x1], $0xffff;
	_ =	sdelay $0x1  }
0xe5: {  	v23 =	vld.idx.msk [tilespmem:v20+s17+$0x70 ss:$0x1], $0xffff  }
0xe6: {  	[tilespmem:s22+$0xE0] =	vst.add.f32.msk $0xffff, v22  }
0xe7: {  	v22 =	vld.idx.msk [tilespmem:v20+s21+$0xF0 ss:$0x1], $0xffff  }
0xe8: {  	[tilespmem:s22+$0x60] =	vst.add.f32.msk $0xffff, v21  }
0xe9: {  	v20 =	vld.idx.msk [tilespmem:v20+s21+$0x70 ss:$0x1], $0xffff  }
.Ltmp6:
0xea: {  	_ = 	snop;
	(pc) =	sbr.rel .LBB2_7-.Ltmp6, $4  }
0xeb: {  	_ = 	snop  }
0xec: {  	[tilespmem:s16+$0x70] =	vst.add.f32.msk $0xffff, v23  }
0xed: {  	[tilespmem:s22+$0xF0] =	vst.add.f32.msk $0xffff, v22  }
0xee: {  	[tilespmem:s22+$0x70] =	vst.add.f32.msk $0xffff, v20  }
.LBB2_3:
0xef: {  	_ =	swait.ge [sflag:s31], $0x2000  }
0xf0: {  	[sflag:s31] =	ssyncset.done $0x0  }
0xf1: {  	[sflag:s31] =	ssyncadd.s32 $0xFFFFE000  }
.LBB2_7:
0xf2: {  	p0 =	sgt.u32 s19, $0x1B  }
0xf3: {  	s16 =	sadd.s32 @!p0 $0x4, s19  }
0xf4: {  	s17 =	sand.u32 @!p0 $0x7, s16  }
0xf5: {  	s18 =	sshrl.u32 @!p0 s16, $0x4;
	p1 =	sne.s32 @!p0 s17, $0x0  }
0xf6: {  	s17 =	sshrl.u32 @!p0 s16, $0x3;
	s21 =	sshll.u32 @!p0 s18, $0x7;
	p2 =	por !p1, p0  }
0xf7: {  	s22 =	sshll.u32 @!p0 s17, $0x6;
	s23 =	sshll.u32 @!p2 s18, $0xA;
	s16 =	sshll.u32 @!p2 s16, $0x7  }
0xf8: {  	s21 =	ssub.s32 @!p0 s22, s21;
	s23 =	sand.u32 @!p2 $0x3FFFFC00, s23;
	s16 =	sand.u32 @!p2 $0x380, s16  }
0xf9: {  	s24 =	sand.u32 @!p2 $0x3, s19;
	s25 =	sand.u32 @!p2 $0xFFFFFF80, s21;
	s16 =	sor.u32 @!p2 s16, s23  }
0xfa: {  	s26 =	sand.u32 @!p2 $0x40, s22;
	p0 =	por p1, p0;
	s16 =	sadd.s32 @!p2 s25, s16  }
0xfb: {  	s23 =	sshll.u32 @!p2 s24, $0xD;
	s24 =	sadd.s32 @!p2 $0x5, s24;
	s16 =	sor.u32 @!p2 s26, s16  }
0xfc: {  	s23 =	sor.u32 @!p2 $0x8C00, s23;
	s25 =	simm.s32 @!p2 $0x40;
	s16 =	sadd.s32 @!p2 $0x400, s16  }
0xfd: {  	[tilespmem:s23], [sflag:s24] =	stream.indirect.gather @!p2 [hbm4b:s1+s25], $0x80, s16, s25, $0xb8;
	[tilespmem:$0x1CD00] =	vst v63  }
0xfe: {  	s16 =	sshll.u32 @!p0 s18, $0xA  }
0xff: {  	s18 =	sand.u32 @!p0 $0xFFFFFF80, s21;
	s16 =	sand.u32 @!p0 $0x3FFFFC00, s16  }
0x100: {  	s17 =	sshll.u32 @!p0 s17, $0xD;
	s21 =	sand.u32 @!p0 $0x40, s22;
	s16 =	sadd.s32 @!p0 s18, s16  }
0x101: {  	s17 =	sand.u32 @!p0 $0x3FFFE000, s17;
	s16 =	sor.u32 @!p0 s21, s16  }
0x102: {  	s17 =	sadd.s32 @!p0 $0x10C00, s17;
	s18 =	simm.s32 @!p0 $0x40;
	s16 =	sadd.s32 @!p0 $0x400, s16  }
0x103: {  	[tilespmem:s17], [sflag:$0x4] =	stream.indirect.gather @!p0 [hbm4b:s1+s18], $0x80, s16, s18, $0xb8;
	[tilespmem:$0x1CD00] =	vst v63  }
0x104: {  	p0 =	sne.s32 s15, $0x7  }
.Ltmp7:
0x105: {  	_ = 	snop;
	(pc) =	sbr.rel @p0 .LBB2_11-.Ltmp7, $1  }
0x106: {  	_ =	sdelay $0x3  }
0x107: {  	s25 =	sshrl.u32 s19, $0x3;
	_ =	swait.ge [sflag:s0], $0x2000  }
0x108: {  	[sflag:s0] =	ssyncset.done $0x0;
	s15 =	sand.u32 $0x1, s25  }
0x109: {  	[sflag:s0] =	ssyncadd.s32 $0xFFFFE000;
	s24 =	sadd.s32 $0x9, s15  }
0x10a: {  	_ =	swait.ge [sflag:s24], $0x2000  }
0x10b: {  	[sflag:s24] =	ssyncset.done $0x0  }
0x10c: {  	s17 =	sadd.s32 $0x10C80, s14;
	[sflag:s24] =	ssyncadd.s32 $0xFFFFE000  }
0x10d: {  	v20 =	vld [tilespmem:s17+$0x0];
	_ =	sdelay $0x4  }
0x10e: {  	v20 =	vmul.f32 $1.250000000e-01, v20  }
0x10f: {  	v21 =	vld [tilespmem:s17+$0xFFFFFF80]  }
0x110: {  	s26 =	sor.u32 $0xC80, s14;
	[tilespmem:s17+$0x0] =	vst v20  }
0x111: {  	s11 =	sand.u32 $0x2000, s11;
	v22 =	vld [tilespmem:s26+$0x0]  }
0x112: {  	s16 =	sor.u32 $0x18C80, s11  }
0x113: {  	v23 =	vld [tilespmem:s16+$0x0]  }
0x114: {  	v21 =	vmul.f32 $1.250000000e-01, v21;
	_ =	sdelay $0x1  }
0x115: {  	[tilespmem:s17+$0xFFFFFF80] =	vst v21;
	v20 =	vadd.f32 v22, v20  }
0x116: {  	v22 =	vld [tilespmem:s26+$0xFFFFFF80]  }
0x117: {  	v24 =	vadd.f32 v23, v20  }
0x118: {  	v20 =	vld [tilespmem:s16+$0xFFFFFF80]  }
0x119: {  	[tilespmem:s26+$0x0] =	vst v24  }
0x11a: {  	v25 =	vld [tilespmem:s17+$0x10]  }
0x11b: {  	v21 =	vadd.f32 v22, v21;
	_ =	sdelay $0x1  }
0x11c: {  	v23 =	vadd.f32 v20, v21;
	_ =	sdelay $0x1  }
0x11d: {  	[tilespmem:s26+$0xFFFFFF80] =	vst v23;
	v20 =	vmul.f32 $1.250000000e-01, v25  }
0x11e: {  	v21 =	vld [tilespmem:s17+$0xFFFFFF90]  }
0x11f: {  	[tilespmem:s17+$0x10] =	vst v20  }
0x120: {  	v22 =	vld [tilespmem:s26+$0x10];
	_ =	sdelay $0x1  }
0x121: {  	v25 =	vld [tilespmem:s16+$0x10]  }
0x122: {  	v21 =	vmul.f32 $1.250000000e-01, v21;
	_ =	sdelay $0x1  }
0x123: {  	[tilespmem:s17+$0xFFFFFF90] =	vst v21;
	v20 =	vadd.f32 v22, v20  }
0x124: {  	v22 =	vld [tilespmem:s26+$0xFFFFFF90]  }
0x125: {  	v25 =	vadd.f32 v25, v20  }
0x126: {  	v20 =	vld [tilespmem:s16+$0xFFFFFF90]  }
0x127: {  	[tilespmem:s26+$0x10] =	vst v25  }
0x128: {  	v26 =	vld [tilespmem:s17+$0x20]  }
0x129: {  	v21 =	vadd.f32 v22, v21;
	_ =	sdelay $0x1  }
0x12a: {  	v29 =	vadd.f32 v20, v21;
	_ =	sdelay $0x1  }
0x12b: {  	[tilespmem:s26+$0xFFFFFF90] =	vst v29;
	v20 =	vmul.f32 $1.250000000e-01, v26  }
0x12c: {  	v21 =	vld [tilespmem:s17+$0xFFFFFFA0]  }
0x12d: {  	[tilespmem:s17+$0x20] =	vst v20  }
0x12e: {  	v22 =	vld [tilespmem:s26+$0x20];
	_ =	sdelay $0x1  }
0x12f: {  	v26 =	vld [tilespmem:s16+$0x20]  }
0x130: {  	v21 =	vmul.f32 $1.250000000e-01, v21;
	_ =	sdelay $0x1  }
0x131: {  	[tilespmem:s17+$0xFFFFFFA0] =	vst v21;
	v20 =	vadd.f32 v22, v20  }
0x132: {  	v22 =	vld [tilespmem:s26+$0xFFFFFFA0]  }
0x133: {  	v26 =	vadd.f32 v26, v20  }
0x134: {  	v20 =	vld [tilespmem:s16+$0xFFFFFFA0]  }
0x135: {  	[tilespmem:s26+$0x20] =	vst v26  }
0x136: {  	v27 =	vld [tilespmem:s17+$0x30]  }
0x137: {  	v21 =	vadd.f32 v22, v21;
	_ =	sdelay $0x1  }
0x138: {  	v30 =	vadd.f32 v20, v21;
	_ =	sdelay $0x1  }
0x139: {  	[tilespmem:s26+$0xFFFFFFA0] =	vst v30;
	v20 =	vmul.f32 $1.250000000e-01, v27  }
0x13a: {  	v21 =	vld [tilespmem:s17+$0xFFFFFFB0]  }
0x13b: {  	[tilespmem:s17+$0x30] =	vst v20  }
0x13c: {  	v22 =	vld [tilespmem:s26+$0x30];
	_ =	sdelay $0x1  }
0x13d: {  	v27 =	vld [tilespmem:s16+$0x30]  }
0x13e: {  	v21 =	vmul.f32 $1.250000000e-01, v21;
	_ =	sdelay $0x1  }
0x13f: {  	[tilespmem:s17+$0xFFFFFFB0] =	vst v21;
	v20 =	vadd.f32 v22, v20  }
0x140: {  	v22 =	vld [tilespmem:s26+$0xFFFFFFB0]  }
0x141: {  	v28 =	vadd.f32 v27, v20  }
0x142: {  	v20 =	vld [tilespmem:s16+$0xFFFFFFB0]  }
0x143: {  	[tilespmem:s26+$0x30] =	vst v28  }
0x144: {  	v27 =	vld [tilespmem:s17+$0x40]  }
0x145: {  	v21 =	vadd.f32 v22, v21;
	_ =	sdelay $0x1  }
0x146: {  	v31 =	vadd.f32 v20, v21;
	_ =	sdelay $0x1  }
0x147: {  	[tilespmem:s26+$0xFFFFFFB0] =	vst v31;
	v20 =	vmul.f32 $1.250000000e-01, v27  }
0x148: {  	s22 =	sadd.s32 $0x100, s17;
	v21 =	vld [tilespmem:s17+$0xFFFFFFC0]  }
0x149: {  	v22 =	vld [tilespmem:s22+$0x0];
	[tilespmem:s17+$0x40] =	vst v20  }
0x14a: {  	v27 =	vld [tilespmem:s26+$0x40];
	_ =	sdelay $0x1  }
0x14b: {  	v32 =	vld [tilespmem:s16+$0x40]  }
0x14c: {  	v33 =	vld [tilespmem:s22+$0xFFFFFF80];
	v21 =	vmul.f32 $1.250000000e-01, v21  }
0x14d: {  	v22 =	vmul.f32 $1.250000000e-01, v22  }
0x14e: {  	[tilespmem:s17+$0xFFFFFFC0] =	vst v21;
	v20 =	vadd.f32 v27, v20  }
0x14f: {  	s30 =	sadd.s32 $0x100, s26;
	[tilespmem:s22+$0x0] =	vst v22;
	v27 =	vld [tilespmem:s26+$0xFFFFFFC0]  }
0x150: {  	v34 =	vld [tilespmem:s30+$0x0];
	v32 =	vadd.f32 v32, v20  }
0x151: {  	s11 =	sadd.s32 $0x100, s16;
	v41 =	vld [tilespmem:s16+$0xFFFFFFC0];
	v20 =	vmul.f32 $1.250000000e-01, v33  }
0x152: {  	v35 =	vld [tilespmem:s11+$0x0];
	[tilespmem:s26+$0x40] =	vst v32  }
0x153: {  	[tilespmem:s22+$0xFFFFFF80] =	vst v20;
	v36 =	vld [tilespmem:s17+$0x50]  }
0x154: {  	v37 =	vld [tilespmem:s30+$0xFFFFFF80];
	v21 =	vadd.f32 v27, v21  }
0x155: {  	v22 =	vadd.f32 v34, v22  }
0x156: {  	v27 =	vld [tilespmem:s11+$0xFFFFFF80];
	v33 =	vadd.f32 v41, v21  }
0x157: {  	v21 =	vadd.f32 v35, v22  }
0x158: {  	[tilespmem:s26+$0xFFFFFFC0] =	vst v33;
	v22 =	vmul.f32 $1.250000000e-01, v36  }
0x159: {  	[tilespmem:s30+$0x0] =	vst v21;
	v20 =	vadd.f32 v37, v20;
	v42 =	vld [tilespmem:s17+$0xFFFFFFD0]  }
0x15a: {  	v43 =	vld [tilespmem:s22+$0x10];
	[tilespmem:s17+$0x50] =	vst v22  }
0x15b: {  	v20 =	vadd.f32 v27, v20;
	v27 =	vld [tilespmem:s26+$0x50];
	_ =	sdelay $0x1  }
0x15c: {  	v44 =	vld [tilespmem:s16+$0x50];
	[tilespmem:s30+$0xFFFFFF80] =	vst v20  }
0x15d: {  	v45 =	vld [tilespmem:s22+$0xFFFFFF90];
	v34 =	vmul.f32 $1.250000000e-01, v42  }
0x15e: {  	v35 =	vmul.f32 $1.250000000e-01, v43  }
0x15f: {  	[tilespmem:s17+$0xFFFFFFD0] =	vst v34;
	v22 =	vadd.f32 v27, v22  }
0x160: {  	[tilespmem:s22+$0x10] =	vst v35;
	v27 =	vld [tilespmem:s26+$0xFFFFFFD0]  }
0x161: {  	v38 =	vld [tilespmem:s30+$0x10];
	v36 =	vadd.f32 v44, v22  }
0x162: {  	v22 =	vld [tilespmem:s16+$0xFFFFFFD0];
	v37 =	vmul.f32 $1.250000000e-01, v45  }
0x163: {  	v39 =	vld [tilespmem:s11+$0x10];
	[tilespmem:s26+$0x50] =	vst v36  }
0x164: {  	[tilespmem:s22+$0xFFFFFF90] =	vst v37;
	v40 =	vld [tilespmem:s17+$0x60]  }
0x165: {  	v41 =	vld [tilespmem:s30+$0xFFFFFF90];
	v27 =	vadd.f32 v27, v34  }
0x166: {  	v46 =	vadd.f32 v38, v35  }
0x167: {  	v47 =	vld [tilespmem:s11+$0xFFFFFF90];
	v38 =	vadd.f32 v22, v27  }
0x168: {  	v22 =	vadd.f32 v39, v46  }
0x169: {  	[tilespmem:s26+$0xFFFFFFD0] =	vst v38;
	v48 =	vmul.f32 $1.250000000e-01, v40  }
0x16a: {  	[tilespmem:s30+$0x10] =	vst v22;
	v27 =	vadd.f32 v41, v37;
	v49 =	vld [tilespmem:s17+$0xFFFFFFE0]  }
0x16b: {  	v50 =	vld [tilespmem:s22+$0x20];
	[tilespmem:s17+$0x60] =	vst v48  }
0x16c: {  	v27 =	vadd.f32 v47, v27;
	v51 =	vld [tilespmem:s26+$0x60];
	_ =	sdelay $0x1  }
0x16d: {  	v52 =	vld [tilespmem:s16+$0x60];
	[tilespmem:s30+$0xFFFFFF90] =	vst v27  }
0x16e: {  	v53 =	vld [tilespmem:s22+$0xFFFFFFA0];
	v37 =	vmul.f32 $1.250000000e-01, v49  }
0x16f: {  	v39 =	vmul.f32 $1.250000000e-01, v50  }
0x170: {  	[tilespmem:s17+$0xFFFFFFE0] =	vst v37;
	v34 =	vadd.f32 v51, v48  }
0x171: {  	[tilespmem:s22+$0x20] =	vst v39;
	v54 =	vld [tilespmem:s26+$0xFFFFFFE0]  }
0x172: {  	v42 =	vld [tilespmem:s30+$0x20];
	v34 =	vadd.f32 v52, v34  }
0x173: {  	v43 =	vld [tilespmem:s16+$0xFFFFFFE0];
	v41 =	vmul.f32 $1.250000000e-01, v53  }
0x174: {  	v55 =	vadd.f32 $0.0e+00, v23;
	v23 =	vmul.f32 v23, v23;
	v44 =	vmul.f32 v29, v29;
	v45 =	vld [tilespmem:s11+$0x20];
	[tilespmem:s26+$0x60] =	vst v34  }
0x175: {  	v61 =	vadd.f32 $0.0e+00, v24;
	[tilespmem:s22+$0xFFFFFFA0] =	vst v41;
	v56 =	vld [tilespmem:s17+$0x70]  }
0x176: {  	v29 =	vadd.f32 v29, v55;
	v44 =	vadd.f32 v44, v23;
	v57 =	vld [tilespmem:s30+$0xFFFFFFA0]  }
0x177: {  	v23 =	vadd.f32 v54, v37;
	v58 =	vadd.f32 v42, v39  }
0x178: {  	v24 =	vmul.f32 v24, v24;
	v62 =	vmul.f32 v25, v25;
	v29 =	vadd.f32 v30, v29;
	v60 =	vld [tilespmem:s11+$0xFFFFFFA0]  }
0x179: {  	v30 =	vmul.f32 v30, v30;
	v59 =	vadd.f32 v43, v23;
	v23 =	vadd.f32 v45, v58  }
0x17a: {  	v25 =	vadd.f32 v25, v61;
	v24 =	vadd.f32 v62, v24;
	v6 =	vmul.f32 v26, v26  }
0x17b: {  	v44 =	vadd.f32 v30, v44;
	[tilespmem:s30+$0x20] =	vst v23;
	v40 =	vmul.f32 $1.250000000e-01, v56;
	v30 =	vadd.f32 v57, v41  }
0x17c: {  	v25 =	vadd.f32 v26, v25;
	v24 =	vadd.f32 v6, v24;
	[tilespmem:s26+$0xFFFFFFE0] =	vst v59;
	v7 =	vld [tilespmem:s22+$0x30]  }
0x17d: {  	v26 =	vmul.f32 v28, v28;
	v29 =	vadd.f32 v31, v29;
	v63 =	vld [tilespmem:s17+$0xFFFFFFF0];
	[tilespmem:s17+$0x70] =	vst v40;
	v30 =	vadd.f32 v60, v30  }
0x17e: {  	v25 =	vadd.f32 v28, v25;
	v8 =	vld [tilespmem:s26+$0x70]  }
0x17f: {  	v24 =	vadd.f32 v26, v24;
	v26 =	vmul.f32 v32, v32;
	v28 =	vadd.f32 v33, v29;
	v29 =	vld [tilespmem:s16+$0x70];
	[tilespmem:s30+$0xFFFFFFA0] =	vst v30  }
0x180: {  	v25 =	vadd.f32 v32, v25;
	v10 =	vld [tilespmem:s22+$0xFFFFFFB0]  }
0x181: {  	v24 =	vadd.f32 v26, v24;
	v26 =	vmul.f32 v36, v36;
	v45 =	vmul.f32 $1.250000000e-01, v7  }
0x182: {  	v25 =	vadd.f32 v36, v25;
	v31 =	vmul.f32 v31, v31;
	v9 =	vmul.f32 $1.250000000e-01, v63  }
0x183: {  	v24 =	vadd.f32 v26, v24;
	[tilespmem:s22+$0x30] =	vst v45;
	v35 =	vadd.f32 v8, v40  }
0x184: {  	v31 =	vadd.f32 v31, v44;
	v33 =	vmul.f32 v33, v33;
	v25 =	vadd.f32 v34, v25;
	[tilespmem:s17+$0xFFFFFFF0] =	vst v9;
	v47 =	vld [tilespmem:s30+$0x30]  }
0x185: {  	v34 =	vmul.f32 v34, v34;
	v46 =	vld [tilespmem:s26+$0xFFFFFFF0];
	v26 =	vadd.f32 v29, v35;
	v49 =	vmul.f32 $1.250000000e-01, v10  }
0x186: {  	v31 =	vadd.f32 v33, v31;
	v50 =	vld [tilespmem:s11+$0x30];
	v29 =	vmul.f32 v38, v38  }
0x187: {  	v24 =	vadd.f32 v34, v24;
	v48 =	vld [tilespmem:s16+$0xFFFFFFF0];
	v25 =	vadd.f32 v26, v25;
	v51 =	vmul.f32 v26, v26;
	[tilespmem:s22+$0xFFFFFFB0] =	vst v49  }
0x188: {  	v28 =	vadd.f32 v38, v28;
	v29 =	vadd.f32 v29, v31;
	v52 =	vld [tilespmem:s30+$0xFFFFFFB0]  }
0x189: {  	v32 =	vadd.f32 v47, v45;
	v34 =	vadd.f32 v51, v24;
	v24 =	vperm.xlane v25, v16  }
0x18a: {  	v31 =	vadd.f32 v59, v28;
	v28 =	vadd.f32 v46, v9;
	v54 =	vld [tilespmem:s11+$0xFFFFFFB0]  }
0x18b: {  	v25 =	vadd.f32 v24, v25;
	v55 =	vperm.xlane v34, v16;
	v24 =	vadd.f32 v50, v32  }
0x18c: {  	v53 =	vmul.f32 v59, v59;
	v28 =	vadd.f32 v48, v28  }
0x18d: {  	v56 =	vperm.xlane v25, v1;
	v57 =	vadd.f32 v55, v34;
	v59 =	vadd.f32 v52, v49;
	[tilespmem:s30+$0x30] =	vst v24  }
0x18e: {  	v29 =	vadd.f32 v53, v29;
	v31 =	vadd.f32 v28, v31;
	v58 =	vmul.f32 v28, v28;
	v60 =	vld [tilespmem:s22+$0x40]  }
0x18f: {  	v25 =	vadd.f32 v56, v25;
	v61 =	vperm.xlane v57, v1;
	v35 =	vadd.f32 v54, v59  }
0x190: {  	v29 =	vadd.f32 v58, v29;
	v62 =	vperm.xlane v31, v16  }
0x191: {  	v36 =	vld [tilespmem:s26+$0x0];
	v63 =	vperm.xlane v25, v2;
	v32 =	vadd.f32 v61, v57;
	[tilespmem:s30+$0xFFFFFFB0] =	vst v35  }
0x192: {  	s18 =	sadd.s32 $0x100, s22;
	v31 =	vadd.f32 v62, v31;
	v6 =	vperm.xlane v29, v16;
	v7 =	vld [tilespmem:s22+$0xFFFFFFC0]  }
0x193: {  	v49 =	vld [tilespmem:s18+$0x0];
	v25 =	vadd.f32 v63, v25;
	v8 =	vperm.xlane v32, v2;
	v10 =	vmul.f32 $1.250000000e-01, v60  }
0x194: {  	v33 =	vld [tilespmem:s26+$0xFFFFFF80];
	v9 =	vperm.xlane v31, v1;
	v29 =	vadd.f32 v6, v29  }
0x195: {  	v48 =	vadd.f32 $0.0e+00, v20;
	v54 =	vld [tilespmem:s18+$0xFFFFFF80];
	v50 =	vperm.xlane v25, v3;
	v32 =	vadd.f32 v8, v32;
	[tilespmem:s22+$0x40] =	vst v10  }
0x196: {  	v20 =	vmul.f32 v20, v20;
	v31 =	vadd.f32 v9, v31;
	v51 =	vperm.xlane v29, v1;
	v52 =	vld [tilespmem:s30+$0x40]  }
0x197: {  	v40 =	vld [tilespmem:s26+$0xFFFFFF90];
	v25 =	vadd.f32 v50, v25;
	v53 =	vperm.xlane v32, v3;
	v39 =	vmul.f32 $1.250000000e-01, v7  }
0x198: {  	v37 =	vmul.f32 $1.250000000e-01, v49;
	v55 =	vperm.xlane v31, v2;
	v41 =	vadd.f32 v51, v29;
	v46 =	vld [tilespmem:s11+$0x40]  }
0x199: {  	v38 =	vld [tilespmem:s26+$0xFFFFFFA0];
	v61 =	vadd.f32 v27, v48;
	v29 =	vmul.f32 $7.812500000e-03, v25;
	v25 =	vadd.f32 v53, v32;
	[tilespmem:s22+$0xFFFFFFC0] =	vst v39  }
0x19a: {  	s16 =	sadd.s32 $0x100, s30;
	[tilespmem:s18+$0x0] =	vst v37;
	v58 =	vmul.f32 $1.250000000e-01, v54;
	v31 =	vadd.f32 v55, v31;
	v56 =	vperm.xlane v41, v2;
	v57 =	vld [tilespmem:s30+$0xFFFFFFC0]  }
0x19b: {  	v59 =	vld [tilespmem:s16+$0x0];
	v25 =	vmul.f32 $7.812500000e-03, v25;
	v47 =	vmul.f32 v29, v29;
	v34 =	vadd.f32 v52, v10  }
0x19c: {  	s21 =	sadd.s32 $0x100, s11;
	v27 =	vmul.f32 v27, v27;
	v49 =	vperm.xlane v31, v3;
	v50 =	vld [tilespmem:s11+$0xFFFFFFC0];
	v41 =	vadd.f32 v56, v41  }
0x19d: {  	v63 =	vld [tilespmem:s21+$0x0];
	[tilespmem:s18+$0xFFFFFF80] =	vst v58;
	v60 =	vsub.f32 v25, v47;
	v25 =	vadd.f32 v46, v34  }
0x19e: {  	v27 =	vadd.f32 v27, v20;
	v6 =	vld [tilespmem:s16+$0xFFFFFF80];
	v31 =	vadd.f32 v49, v31;
	v62 =	vperm.xlane v41, v3  }
0x19f: {  	v51 =	vld [tilespmem:s21+$0xFFFFFF80];
	v44 =	vadd.f32 $9.999999960e-13, v60;
	v39 =	vadd.f32 v57, v39;
	[tilespmem:s30+$0x40] =	vst v25  }
0x1a0: {  	v37 =	vadd.f32 v59, v37;
	v31 =	vmul.f32 $7.812500000e-03, v31;
	v41 =	vadd.f32 v62, v41;
	v7 =	vld [tilespmem:s22+$0x50]  }
0x1a1: {  	v32 =	vld [tilespmem:s26+$0xFFFFFFB0];
	v8 =	vshrl.u32 v44, $0x1;
	v44 =	vmul.f32 $5.000000000e-01, v44;
	v39 =	vadd.f32 v50, v39  }
0x1a2: {  	v53 =	vld [tilespmem:s26+$0xFFFFFFE0];
	v54 =	vmul.f32 v31, v31;
	v41 =	vmul.f32 $7.812500000e-03, v41;
	v9 =	vsub.s32 $0x5F3759DF, v8  }
0x1a3: {  	v20 =	vadd.f32 v63, v37;
	v55 =	vadd.f32 v6, v58;
	v58 =	vld [tilespmem:s26+$0x10];
	v52 =	vmul.f32 v9, v44;
	[tilespmem:s30+$0xFFFFFFC0] =	vst v39  }
0x1a4: {  	v10 =	vmul.f32 v30, v30;
	v30 =	vadd.f32 v30, v61;
	v41 =	vsub.f32 v41, v54;
	v56 =	vld [tilespmem:s22+$0xFFFFFFD0]  }
0x1a5: {  	v36 =	vsub.f32 v36, v29;
	v47 =	vld [tilespmem:s26+$0xFFFFFFC0];
	[tilespmem:s16+$0x0] =	vst v20;
	v57 =	vmul.f32 v9, v52;
	v45 =	vmul.f32 $1.250000000e-01, v7  }
0x1a6: {  	v34 =	vadd.f32 v51, v55;
	v60 =	vld [tilespmem:s18+$0x10];
	v61 =	vadd.f32 $9.999999960e-13, v41  }
0x1a7: {  	v59 =	vmul.f32 v35, v35;
	v27 =	vadd.f32 v10, v27;
	v51 =	vld [tilespmem:s26+$0x20];
	v42 =	vsub.f32 $1.500000000e+00, v57;
	[tilespmem:s22+$0x50] =	vst v45  }
0x1a8: {  	v30 =	vadd.f32 v35, v30;
	[tilespmem:s16+$0xFFFFFF80] =	vst v34;
	v63 =	vshrl.u32 v61, $0x1;
	v35 =	vmul.f32 $5.000000000e-01, v61;
	v62 =	vld [tilespmem:s30+$0x50]  }
0x1a9: {  	v6 =	vld [tilespmem:s18+$0xFFFFFF90];
	v43 =	vsub.s32 $0x5F3759DF, v63;
	v42 =	vmul.f32 v9, v42;
	v37 =	vmul.f32 $1.250000000e-01, v56  }
0x1aa: {  	v26 =	vsub.f32 v26, v29;
	v27 =	vadd.f32 v59, v27;
	v7 =	vld [tilespmem:s11+$0x50];
	v56 =	vmul.f32 v43, v35  }
0x1ab: {  	v55 =	vld [tilespmem:s26+$0x30];
	v46 =	vsub.f32 v58, v29;
	v49 =	vmul.f32 $1.250000000e-01, v60;
	v8 =	vmul.f32 v42, v44;
	[tilespmem:s22+$0xFFFFFFD0] =	vst v37  }
0x1ac: {  	v57 =	vmul.f32 v39, v39;
	v39 =	vadd.f32 v39, v30;
	v30 =	vmul.f32 v43, v56;
	v58 =	vld [tilespmem:s30+$0xFFFFFFD0]  }
0x1ad: {  	v33 =	vsub.f32 v33, v31;
	[tilespmem:s18+$0x10] =	vst v49;
	v9 =	vld [tilespmem:s11+$0xFFFFFFD0];
	v54 =	vmul.f32 v8, v42;
	v41 =	vadd.f32 v62, v45  }
0x1ae: {  	v48 =	vmul.f32 $1.250000000e-01, v6;
	v45 =	vadd.f32 v57, v27;
	v27 =	vld [tilespmem:s16+$0x10];
	v59 =	vsub.f32 $1.500000000e+00, v30  }
0x1af: {  	v50 =	vld [tilespmem:s26+$0xFFFFFFD0];
	v54 =	vsub.f32 $1.500000000e+00, v54;
	v30 =	vadd.f32 v7, v41  }
0x1b0: {  	v40 =	vsub.f32 v40, v31;
	v38 =	vsub.f32 v38, v31;
	v10 =	vld [tilespmem:s21+$0x10];
	[tilespmem:s18+$0xFFFFFF90] =	vst v48;
	v43 =	vmul.f32 v43, v59  }
0x1b1: {  	v32 =	vsub.f32 v32, v31;
	v6 =	vld [tilespmem:s16+$0xFFFFFF90];
	v42 =	vmul.f32 v54, v42;
	v37 =	vadd.f32 v58, v37;
	[tilespmem:s30+$0x50] =	vst v30  }
0x1b2: {  	v53 =	vsub.f32 v53, v31;
	v28 =	vsub.f32 v28, v31;
	v59 =	vmul.f32 v43, v35;
	v7 =	vld [tilespmem:s22+$0x60]  }
0x1b3: {  	v60 =	vld [tilespmem:s21+$0xFFFFFF90];
	v27 =	vadd.f32 v27, v49;
	v44 =	vmul.f32 v42, v44;
	v37 =	vadd.f32 v9, v37  }
0x1b4: {  	v47 =	vsub.f32 v47, v31;
	v52 =	vadd.f32 $0.0e+00, v34;
	v57 =	vld [tilespmem:s26+$0x40];
	v9 =	vmul.f32 v59, v43  }
0x1b5: {  	v50 =	vsub.f32 v50, v31;
	v8 =	vld [tilespmem:s26+$0x50];
	v27 =	vadd.f32 v10, v27;
	v31 =	vmul.f32 v44, v42;
	[tilespmem:s30+$0xFFFFFFD0] =	vst v37  }
0x1b6: {  	v10 =	vadd.f32 v6, v48;
	v56 =	vsub.f32 $1.500000000e+00, v9;
	v61 =	vld [tilespmem:s22+$0xFFFFFFE0]  }
0x1b7: {  	v54 =	vsub.f32 v55, v29;
	[tilespmem:s16+$0x10] =	vst v27;
	v31 =	vsub.f32 $1.500000000e+00, v31;
	v55 =	vmul.f32 $1.250000000e-01, v7  }
0x1b8: {  	v34 =	vmul.f32 v34, v34;
	v41 =	vadd.f32 v60, v10;
	v62 =	vld [tilespmem:s18+$0x20];
	v43 =	vmul.f32 v56, v43  }
0x1b9: {  	v51 =	vsub.f32 v51, v29;
	v44 =	vld [tilespmem:s26+$0x60];
	v6 =	vmul.f32 v37, v37;
	v31 =	vmul.f32 v31, v42;
	[tilespmem:s22+$0x60] =	vst v55  }
0x1ba: {  	v49 =	vsub.f32 v8, v29;
	[tilespmem:s16+$0xFFFFFF90] =	vst v41;
	v7 =	vmul.f32 v41, v41;
	v35 =	vmul.f32 v43, v35;
	v8 =	vld [tilespmem:s30+$0x60]  }
0x1bb: {  	v63 =	vsub.f32 v57, v29;
	v9 =	vld [tilespmem:s18+$0xFFFFFFA0];
	v26 =	vmul.f32 v31, v26;
	v48 =	vmul.f32 $1.250000000e-01, v61  }
0x1bc: {  	v37 =	vadd.f32 v37, v39;
	v10 =	vld [tilespmem:s11+$0x60];
	v36 =	vmul.f32 v31, v36;
	v35 =	vmul.f32 v35, v43  }
0x1bd: {  	v45 =	vadd.f32 v6, v45;
	v46 =	vmul.f32 v31, v46;
	v60 =	vmul.f32 $1.250000000e-01, v62  }
0x1be: {  	v29 =	vsub.f32 v44, v29;
	v51 =	vmul.f32 v31, v51;
	v54 =	vmul.f32 v31, v54;
	[tilespmem:s22+$0xFFFFFFE0] =	vst v48  }
0x1bf: {  	v58 =	vmul.f32 v31, v63;
	v26 =	vmul.f32 v26, v12;
	v61 =	vld [tilespmem:s30+$0xFFFFFFE0];
	[tilespmem:s18+$0x20] =	vst v60;
	v55 =	vadd.f32 v8, v55  }
0x1c0: {  	v49 =	vmul.f32 v31, v49;
	v35 =	vsub.f32 $1.500000000e+00, v35;
	v44 =	vmul.f32 $1.250000000e-01, v9;
	v63 =	vld [tilespmem:s16+$0x20]  }
0x1c1: {  	v62 =	vld [tilespmem:s11+$0xFFFFFFE0];
	v6 =	vadd.f32 v26, v11;
	v26 =	vmul.f32 v36, v4;
	v55 =	vadd.f32 v10, v55  }
0x1c2: {  	v41 =	vadd.f32 v41, v52;
	v31 =	vmul.f32 v31, v29;
	v35 =	vmul.f32 v35, v43;
	v29 =	vld [tilespmem:s21+$0x20];
	[tilespmem:s18+$0xFFFFFFA0] =	vst v44  }
0x1c3: {  	v34 =	vadd.f32 v7, v34;
	v52 =	vadd.f32 v26, v5;
	v26 =	vld [tilespmem:s16+$0xFFFFFFA0];
	[tilespmem:s30+$0x60] =	vst v55  }
0x1c4: {  	v8 =	vmul.f32 v24, v24;
	v33 =	vmul.f32 v35, v33;
	v9 =	vadd.f32 v61, v48;
	v11 =	vld [tilespmem:s22+$0x70]  }
0x1c5: {  	v10 =	vmul.f32 v35, v40;
	v38 =	vmul.f32 v35, v38;
	v42 =	vadd.f32 v63, v60  }
0x1c6: {  	v32 =	vmul.f32 v35, v32;
	v61 =	vadd.f32 $0.0e+00, v21;
	v60 =	vld [tilespmem:s21+$0xFFFFFFA0];
	v36 =	vadd.f32 v62, v9  }
0x1c7: {  	v43 =	vmul.f32 v35, v47;
	v47 =	vmul.f32 v35, v50;
	v42 =	vadd.f32 v29, v42  }
0x1c8: {  	v21 =	vmul.f32 v21, v21;
	v62 =	vmul.f32 v22, v22;
	v22 =	vadd.f32 v22, v61;
	[tilespmem:s30+$0xFFFFFFE0] =	vst v36  }
0x1c9: {  	v26 =	vadd.f32 v26, v44;
	v56 =	vadd.f32 v36, v37;
	v29 =	vld [tilespmem:s22+$0xFFFFFFF0];
	[tilespmem:s16+$0x20] =	vst v42;
	v37 =	vmul.f32 $1.250000000e-01, v11  }
0x1ca: {  	v53 =	vmul.f32 v35, v53;
	v63 =	vmul.f32 v23, v23;
	v21 =	vadd.f32 v62, v21;
	v7 =	vld [tilespmem:s18+$0x30]  }
0x1cb: {  	v36 =	vmul.f32 v36, v36;
	v22 =	vadd.f32 v23, v22;
	v26 =	vadd.f32 v60, v26;
	[tilespmem:s22+$0x70] =	vst v37  }
0x1cc: {  	v28 =	vmul.f32 v35, v28;
	v59 =	vmul.f32 v10, v19;
	v21 =	vadd.f32 v63, v21;
	v9 =	vld [tilespmem:s30+$0x70]  }
0x1cd: {  	v48 =	vmul.f32 v38, v13;
	v45 =	vadd.f32 v36, v45;
	v22 =	vadd.f32 v24, v22;
	[tilespmem:s16+$0xFFFFFFA0] =	vst v26;
	v10 =	vld [tilespmem:s11+$0x70]  }
0x1ce: {  	v24 =	vmul.f32 v25, v25;
	v21 =	vadd.f32 v8, v21;
	v11 =	vld [tilespmem:s18+$0xFFFFFFB0];
	v29 =	vmul.f32 $1.250000000e-01, v29  }
0x1cf: {  	v60 =	vadd.f32 v26, v41;
	v22 =	vadd.f32 v25, v22;
	v25 =	vmul.f32 $1.250000000e-01, v7  }
0x1d0: {  	v26 =	vmul.f32 v26, v26;
	v36 =	vld [tilespmem:s30+$0x0];
	v21 =	vadd.f32 v24, v21;
	v24 =	vmul.f32 v30, v30;
	[tilespmem:s22+$0xFFFFFFF0] =	vst v29  }
0x1d1: {  	v23 =	vmul.f32 v33, v4;
	v22 =	vadd.f32 v30, v22;
	v44 =	vld [tilespmem:s30+$0xFFFFFFF0];
	[tilespmem:s18+$0x30] =	vst v25;
	v30 =	vadd.f32 v9, v37  }
0x1d2: {  	v61 =	vadd.f32 v26, v34;
	v26 =	vmul.f32 v55, v55;
	v24 =	vadd.f32 v24, v21;
	v8 =	vld [tilespmem:s16+$0x30]  }
0x1d3: {  	v22 =	vadd.f32 v55, v22;
	v7 =	vld [tilespmem:s11+$0xFFFFFFF0];
	v38 =	vmul.f32 $1.250000000e-01, v11;
	v21 =	vadd.f32 v10, v30  }
0x1d4: {  	v50 =	vmul.f32 v32, v14;
	v35 =	vmul.f32 v43, v15;
	v57 =	vadd.f32 v23, v5;
	v39 =	vld [tilespmem:s30+$0xFFFFFF80]  }
0x1d5: {  	v34 =	vmul.f32 v47, v17;
	v23 =	vld [tilespmem:s21+$0x30];
	v24 =	vadd.f32 v26, v24;
	[tilespmem:s18+$0xFFFFFFB0] =	vst v38;
	v22 =	vadd.f32 v21, v22  }
0x1d6: {  	v30 =	vmul.f32 v53, v18;
	v9 =	vld [tilespmem:s16+$0xFFFFFFB0];
	v26 =	vmul.f32 v21, v21;
	v32 =	vadd.f32 v44, v29  }
0x1d7: {  	v41 =	vld [tilespmem:s30+$0xFFFFFF90];
	v29 =	vmul.f32 v28, v12;
	v12 =	vadd.f32 v8, v25;
	v10 =	vperm.xlane v22, v16  }
0x1d8: {  	v11 =	vld [tilespmem:s21+$0xFFFFFFB0];
	v28 =	vmul.f32 v46, v19;
	v62 =	vadd.f32 v26, v24;
	v37 =	vadd.f32 v7, v32  }
0x1d9: {  	v43 =	vld [tilespmem:s30+$0xFFFFFFA0];
	v26 =	vmul.f32 v51, v13;
	v24 =	vmul.f32 v54, v14;
	v13 =	vadd.f32 v10, v22  }
0x1da: {  	v47 =	vld [tilespmem:s30+$0xFFFFFFC0];
	v33 =	vadd.f32 v23, v12;
	v22 =	vperm.xlane v62, v16;
	v40 =	vadd.f32 v37, v56  }
0x1db: {  	v53 =	vld [tilespmem:s30+$0x10];
	v23 =	vmul.f32 v37, v37;
	v38 =	vadd.f32 v9, v38;
	v14 =	vperm.xlane v13, v1  }
0x1dc: {  	v46 =	vld [tilespmem:s30+$0xFFFFFFB0];
	v7 =	vadd.f32 v22, v62;
	v22 =	vmul.f32 v49, v17;
	v8 =	vperm.xlane v40, v16  }
0x1dd: {  	v44 =	vld [tilespmem:s30+$0xFFFFFFD0];
	[tilespmem:s16+$0x30] =	vst v33;
	v45 =	vadd.f32 v23, v45;
	v23 =	vmul.f32 v31, v18;
	v31 =	vadd.f32 v11, v38  }
0x1de: {  	[tilespmem:s26+$0x70] =	vst v6;
	v63 =	vld [tilespmem:s18+$0x40];
	v32 =	vadd.f32 v14, v13;
	v9 =	vperm.xlane v7, v1;
	v10 =	vadd.f32 v8, v40  }
0x1df: {  	v49 =	vld [tilespmem:s30+$0xFFFFFFE0];
	v11 =	vperm.xlane v45, v16;
	[tilespmem:s16+$0xFFFFFFB0] =	vst v31;
	v54 =	vadd.f32 v31, v60;
	v31 =	vmul.f32 v31, v31  }
0x1e0: {  	[tilespmem:s26+$0x0] =	vst v52;
	v25 =	vmul.f32 v58, v15;
	v38 =	vld [tilespmem:s30+$0x20];
	v13 =	vadd.f32 v59, v0;
	v12 =	vperm.xlane v32, v2  }
0x1e1: {  	s23 =	sshll.u32 s15, $0xD;
	[tilespmem:s26+$0xFFFFFF80] =	vst v57;
	v40 =	vld [tilespmem:s30+$0x30];
	v56 =	vadd.f32 v9, v7;
	v14 =	vperm.xlane v10, v1;
	v58 =	vadd.f32 v11, v45  }
0x1e2: {  	s14 =	sshll.u32 s25, $0x6;
	s15 =	sor.u32 $0x18C00, s23;
	s23 =	simm.s32 $0x4;
	v62 =	vld [tilespmem:s18+$0xFFFFFFC0];
	[tilespmem:s26+$0xFFFFFF90] =	vst v13;
	v55 =	vadd.f32 v31, v61;
	v57 =	vadd.f32 v12, v32  }
0x1e3: {  	s17 =	smov.u32 s16;
	s22 =	smov.u32 s21;
	s11 =	sadd.s32 $0x100, s18;
	v45 =	vld [tilespmem:s30+$0x40];
	v61 =	vmul.f32 $1.250000000e-01, v63;
	v59 =	vperm.xlane v56, v2;
	v60 =	vadd.f32 v14, v10;
	v31 =	vmovc v27;
	v32 =	vmovc v42  }
.LBB2_9:
0x1e4: {  	v13 =	vld [tilespmem:$0x1FF60]  }
0x1e5: {  	v14 =	vld [tilespmem:$0x1FF70]  }
0x1e6: {  	v52 =	vmov v27;
	v27 =	vld [tilespmem:s11+$0x0]  }
0x1e7: {  	v12 =	vld [tilespmem:$0x1FF30]  }
0x1e8: {  	v19 =	vld [tilespmem:$0x1FF40];
	v63 =	vperm.xlane v57, v3;
	v56 =	vadd.f32 v59, v56  }
0x1e9: {  	v8 =	vperm.xlane v58, v1;
	v59 =	vld [tilespmem:s11+$0xFFFFFF80];
	[tilespmem:s18+$0x40] =	vst v61;
	v4 =	vperm.xlane v60, v2;
	v48 =	vadd.f32 v48, v13  }
0x1ea: {  	v5 =	vld [tilespmem:s16+$0x40];
	v9 =	vadd.f32 v63, v57;
	v10 =	vperm.xlane v56, v3;
	v50 =	vadd.f32 v50, v14  }
0x1eb: {  	v58 =	vadd.f32 v8, v58;
	v4 =	vadd.f32 v4, v60;
	v60 =	vld [tilespmem:s30+$0x50];
	v62 =	vmul.f32 $1.250000000e-01, v62;
	[tilespmem:s26+$0xFFFFFFA0] =	vst v48  }
0x1ec: {  	v51 =	vmovc v42;
	v35 =	vadd.f32 v35, v12;
	v42 =	vmul.f32 $7.812500000e-03, v9;
	v56 =	vadd.f32 v10, v56;
	v48 =	vld [tilespmem:s21+$0x40];
	[tilespmem:s26+$0xFFFFFFB0] =	vst v50  }
0x1ed: {  	v57 =	vld [tilespmem:s30+$0x60];
	v11 =	vperm.xlane v58, v2;
	v27 =	vmul.f32 $1.250000000e-01, v27;
	[tilespmem:s18+$0xFFFFFFC0] =	vst v62  }
0x1ee: {  	v56 =	vmul.f32 $7.812500000e-03, v56;
	v10 =	vmul.f32 v42, v42;
	v6 =	vld [tilespmem:s16+$0xFFFFFFC0];
	[tilespmem:s26+$0xFFFFFFC0] =	vst v35  }
0x1ef: {  	v9 =	vperm.xlane v4, v3;
	v34 =	vadd.f32 v34, v19;
	[tilespmem:s11+$0x0] =	vst v27;
	v5 =	vadd.f32 v5, v61;
	s16 =	sadd.s32 $0x100, s16;
	v35 =	vld [tilespmem:s21+$0xFFFFFFC0]  }
0x1f0: {  	v59 =	vmul.f32 $1.250000000e-01, v59;
	v58 =	vadd.f32 v11, v58;
	v56 =	vsub.f32 v56, v10;
	v61 =	vld [tilespmem:s16+$0x0]  }
0x1f1: {  	v4 =	vadd.f32 v9, v4;
	[tilespmem:s26+$0xFFFFFFD0] =	vst v34;
	s21 =	sadd.s32 $0x100, s21;
	v34 =	vadd.f32 v48, v5  }
0x1f2: {  	v7 =	vperm.xlane v58, v3;
	[tilespmem:s11+$0xFFFFFF80] =	vst v59;
	v11 =	vadd.f32 $9.999999960e-13, v56;
	v5 =	vld [tilespmem:s21+$0x0]  }
0x1f3: {  	v4 =	vmul.f32 $7.812500000e-03, v4;
	v56 =	vld [tilespmem:s16+$0xFFFFFF80];
	v6 =	vadd.f32 v6, v62;
	[tilespmem:s17+$0x40] =	vst v34  }
0x1f4: {  	v7 =	vadd.f32 v7, v58;
	v48 =	vsub.f32 v53, v42;
	v10 =	vshrl.u32 v11, $0x1;
	v62 =	vld [tilespmem:s18+$0x50]  }
0x1f5: {  	v53 =	vmul.f32 $5.000000000e-01, v11;
	v11 =	vld [tilespmem:s21+$0xFFFFFF80];
	v27 =	vadd.f32 v61, v27;
	v6 =	vadd.f32 v35, v6  }
0x1f6: {  	v9 =	vmul.f32 v4, v4;
	v7 =	vmul.f32 $7.812500000e-03, v7  }
0x1f7: {  	v35 =	vadd.f32 v5, v27;
	[tilespmem:s17+$0xFFFFFFC0] =	vst v6;
	v5 =	vadd.f32 v6, v54;
	v6 =	vmul.f32 v6, v6  }
0x1f8: {  	v61 =	vsub.s32 $0x5F3759DF, v10;
	v27 =	vadd.f32 v56, v59  }
0x1f9: {  	v7 =	vsub.f32 v7, v9;
	v9 =	vld [tilespmem:s18+$0xFFFFFFD0];
	v6 =	vadd.f32 v6, v55;
	v55 =	vmul.f32 $1.250000000e-01, v62  }
0x1fa: {  	v50 =	vsub.f32 v36, v42;
	v58 =	vmul.f32 v61, v53;
	[tilespmem:s16+$0x0] =	vst v35;
	v27 =	vadd.f32 v11, v27  }
0x1fb: {  	v36 =	vsub.f32 v39, v4;
	v7 =	vadd.f32 $9.999999960e-13, v7;
	[tilespmem:s18+$0x50] =	vst v55  }
0x1fc: {  	v10 =	vmul.f32 v61, v58;
	[tilespmem:s16+$0xFFFFFF80] =	vst v27;
	v62 =	vadd.f32 $0.0e+00, v27;
	v63 =	vmul.f32 v27, v27;
	v27 =	vld [tilespmem:s17+$0x50]  }
0x1fd: {  	v39 =	vsub.f32 v41, v4;
	v41 =	vsub.f32 v43, v4;
	v11 =	vshrl.u32 v7, $0x1;
	v58 =	vld [tilespmem:s11+$0x10]  }
0x1fe: {  	v7 =	vmul.f32 $5.000000000e-01, v7;
	v56 =	vsub.f32 $1.500000000e+00, v10;
	v54 =	vmul.f32 $1.250000000e-01, v9;
	v9 =	vld [tilespmem:s22+$0x50]  }
0x1ff: {  	v43 =	vsub.f32 v46, v4;
	v46 =	vsub.f32 v47, v4;
	v59 =	vsub.s32 $0x5F3759DF, v11  }
0x200: {  	v47 =	vsub.f32 v44, v4;
	v8 =	vmul.f32 v59, v7;
	v56 =	vmul.f32 v61, v56  }
0x201: {  	v44 =	vsub.f32 v49, v4;
	v61 =	vld [tilespmem:s11+$0xFFFFFF90];
	v27 =	vadd.f32 v27, v55  }
0x202: {  	v15 =	vld [tilespmem:$0x1FF80];
	v49 =	vsub.f32 v37, v4;
	v8 =	vmul.f32 v59, v8;
	v10 =	vmul.f32 v56, v53  }
0x203: {  	v58 =	vmul.f32 $1.250000000e-01, v58;
	[tilespmem:s18+$0xFFFFFFD0] =	vst v54;
	v37 =	vadd.f32 v9, v27;
	v9 =	vsub.f32 v60, v42;
	v60 =	vld [tilespmem:$0x1FF50]  }
0x204: {  	v10 =	vmul.f32 v10, v56;
	v4 =	vld [tilespmem:s17+$0xFFFFFFD0]  }
0x205: {  	v8 =	vsub.f32 $1.500000000e+00, v8;
	[tilespmem:s11+$0x10] =	vst v58;
	v11 =	vld [tilespmem:s22+$0xFFFFFFD0]  }
0x206: {  	v55 =	vmul.f32 $1.250000000e-01, v61;
	v61 =	vld [tilespmem:s16+$0x10];
	v10 =	vsub.f32 $1.500000000e+00, v10  }
0x207: {  	v8 =	vmul.f32 v59, v8  }
0x208: {  	v28 =	vadd.f32 v28, v0;
	[tilespmem:s11+$0xFFFFFF90] =	vst v55;
	v27 =	vld [tilespmem:s21+$0x10];
	v10 =	vmul.f32 v10, v56;
	v30 =	vadd.f32 v30, v60  }
0x209: {  	v56 =	vsub.f32 v57, v42;
	v57 =	vld [tilespmem:s16+$0xFFFFFF90];
	v4 =	vadd.f32 v4, v54;
	[tilespmem:s17+$0x50] =	vst v37;
	v54 =	vmul.f32 v8, v7  }
0x20a: {  	v29 =	vadd.f32 v29, v15;
	v26 =	vadd.f32 v26, v13;
	v59 =	vld [tilespmem:s18+$0x60];
	[tilespmem:s26+$0xFFFFFFE0] =	vst v30  }
0x20b: {  	v58 =	vadd.f32 v61, v58;
	[tilespmem:s26+$0x10] =	vst v28;
	v4 =	vadd.f32 v11, v4;
	v13 =	vmul.f32 v54, v8;
	v30 =	vld [tilespmem:s21+$0xFFFFFF90]  }
0x20c: {  	v24 =	vadd.f32 v24, v14;
	v25 =	vadd.f32 v25, v12;
	v53 =	vmul.f32 v10, v53;
	[tilespmem:s26+$0xFFFFFFF0] =	vst v29  }
0x20d: {  	v27 =	vadd.f32 v27, v58;
	v11 =	vsub.f32 $1.500000000e+00, v13;
	[tilespmem:s17+$0xFFFFFFD0] =	vst v4  }
0x20e: {  	v38 =	vsub.f32 v38, v42;
	[tilespmem:s26+$0x20] =	vst v26;
	v28 =	vadd.f32 v57, v55;
	v29 =	vmul.f32 v53, v10;
	v14 =	vld [tilespmem:s18+$0xFFFFFFE0]  }
0x20f: {  	v40 =	vsub.f32 v40, v42;
	[tilespmem:s16+$0x10] =	vst v27;
	v57 =	vmul.f32 $1.250000000e-01, v59;
	v8 =	vmul.f32 v11, v8  }
0x210: {  	v29 =	vsub.f32 $1.500000000e+00, v29;
	v26 =	vadd.f32 v30, v28;
	v28 =	vld [tilespmem:s11+$0x20];
	[tilespmem:s26+$0x30] =	vst v24  }
0x211: {  	v21 =	vsub.f32 v21, v42;
	v58 =	vadd.f32 v22, v19;
	v13 =	vld [tilespmem:$0x1FFA0];
	v7 =	vmul.f32 v8, v7;
	[tilespmem:s18+$0x60] =	vst v57  }
0x212: {  	v10 =	vmul.f32 v29, v10;
	[tilespmem:s16+$0xFFFFFF90] =	vst v26;
	v29 =	vadd.f32 v26, v62;
	v22 =	vmul.f32 v26, v26;
	v26 =	vld [tilespmem:s17+$0x60]  }
0x213: {  	v5 =	vadd.f32 v4, v5;
	v4 =	vmul.f32 v4, v4;
	v59 =	vmul.f32 $1.250000000e-01, v14;
	v14 =	vld [tilespmem:$0x1FFB0]  }
0x214: {  	v45 =	vsub.f32 v45, v42;
	v7 =	vmul.f32 v7, v8;
	v21 =	vmul.f32 v10, v21;
	[tilespmem:s26+$0x40] =	vst v25;
	v30 =	vld [tilespmem:s11+$0xFFFFFFA0]  }
0x215: {  	v23 =	vadd.f32 v23, v60;
	v50 =	vmul.f32 v10, v50;
	v24 =	vmul.f32 v10, v48;
	v60 =	vld [tilespmem:s22+$0x60];
	[tilespmem:s18+$0xFFFFFFE0] =	vst v59  }
0x216: {  	v7 =	vsub.f32 $1.500000000e+00, v7;
	v21 =	vmul.f32 v21, v13;
	v61 =	vmul.f32 $1.250000000e-01, v28;
	v28 =	vld [tilespmem:s17+$0xFFFFFFE0]  }
0x217: {  	v4 =	vadd.f32 v4, v6;
	v40 =	vmul.f32 v10, v40;
	v25 =	vmul.f32 v10, v45;
	[tilespmem:s26+$0x50] =	vst v58;
	v55 =	vld [tilespmem:s22+$0xFFFFFFE0]  }
0x218: {  	[tilespmem:s26+$0x60] =	vst v23;
	v7 =	vmul.f32 v7, v8;
	v21 =	vadd.f32 v21, v15;
	v6 =	vadd.f32 v26, v57;
	v57 =	vld [tilespmem:$0x1FF90]  }
0x219: {  	s26 =	smov.u32 s30;
	v23 =	vmul.f32 v10, v56;
	v53 =	vadd.f32 v22, v63;
	v15 =	vld [tilespmem:$0x1FFD0];
	[tilespmem:s11+$0x20] =	vst v61;
	v26 =	vmul.f32 $1.250000000e-01, v30  }
0x21a: {  	v22 =	vmul.f32 v10, v38;
	v38 =	vmul.f32 v10, v9;
	[tilespmem:s26+$0x70] =	vst v21;
	v21 =	vld [tilespmem:s16+$0x20];
	v6 =	vadd.f32 v60, v6  }
0x21b: {  	s30 =	smov.u32 s17;
	v44 =	vmul.f32 v7, v44;
	v30 =	vmul.f32 v7, v39;
	v63 =	vld [tilespmem:s21+$0x20];
	[tilespmem:s11+$0xFFFFFFA0] =	vst v26  }
0x21c: {  	v39 =	vmul.f32 v7, v41;
	v41 =	vmul.f32 v7, v43;
	v45 =	vadd.f32 v28, v59;
	[tilespmem:s30+$0x60] =	vst v6;
	v54 =	vld [tilespmem:s16+$0xFFFFFFA0]  }
0x21d: {  	v28 =	vmul.f32 v7, v36;
	v62 =	vmul.f32 v50, v57;
	v50 =	vld [tilespmem:s18+$0x70]  }
0x21e: {  	v19 =	vld [tilespmem:$0x1FFE0];
	v59 =	vadd.f32 $0.0e+00, v20;
	v48 =	vmul.f32 v39, v15;
	v10 =	vadd.f32 v55, v45  }
0x21f: {  	v45 =	vmul.f32 v7, v46;
	v46 =	vmul.f32 v7, v47;
	v55 =	vld [tilespmem:s21+$0xFFFFFFA0];
	v11 =	vadd.f32 v21, v61  }
0x220: {  	v28 =	vmul.f32 v28, v57;
	v57 =	vld [tilespmem:$0x1FFC0];
	v61 =	vmul.f32 v20, v20;
	v8 =	vadd.f32 v62, v14;
	[tilespmem:s30+$0xFFFFFFE0] =	vst v10  }
0x221: {  	v21 =	vmul.f32 v52, v31;
	v58 =	vmul.f32 v10, v10;
	v42 =	vadd.f32 v63, v11;
	v60 =	vld [tilespmem:s18+$0xFFFFFFF0]  }
0x222: {  	v62 =	vadd.f32 v31, v59;
	[tilespmem:s26+$0x0] =	vst v8;
	v26 =	vadd.f32 v54, v26;
	v63 =	vmul.f32 $1.250000000e-01, v50  }
0x223: {  	v11 =	vadd.f32 v21, v61;
	v21 =	vmul.f32 v51, v32;
	v61 =	vld [tilespmem:$0x1FFF0];
	v4 =	vadd.f32 v58, v4;
	[tilespmem:s16+$0x20] =	vst v42  }
0x224: {  	v7 =	vmul.f32 v7, v49;
	v8 =	vadd.f32 v32, v62;
	v56 =	vld [tilespmem:s11+$0x30];
	v26 =	vadd.f32 v55, v26;
	[tilespmem:s18+$0x70] =	vst v63  }
0x225: {  	v51 =	vmul.f32 v30, v57;
	v11 =	vadd.f32 v21, v11;
	v21 =	vmul.f32 v33, v33;
	v30 =	vld [tilespmem:s30+$0x70]  }
0x226: {  	v50 =	vmul.f32 v41, v19;
	v8 =	vadd.f32 v33, v8;
	v9 =	vmul.f32 $1.250000000e-01, v60;
	v36 =	vld [tilespmem:s30+$0x0];
	[tilespmem:s16+$0xFFFFFFA0] =	vst v26  }
0x227: {  	v20 =	vmovc v35;
	v11 =	vadd.f32 v21, v11;
	v21 =	vmul.f32 v34, v34;
	v52 =	vadd.f32 v26, v29;
	v58 =	vld [tilespmem:s11+$0xFFFFFFB0]  }
0x228: {  	v29 =	vld [tilespmem:s22+$0x70];
	v26 =	vmul.f32 v26, v26;
	v8 =	vadd.f32 v34, v8;
	v35 =	vmul.f32 v45, v61;
	[tilespmem:s18+$0xFFFFFFF0] =	vst v9  }
0x229: {  	v5 =	vadd.f32 v10, v5;
	v34 =	vmul.f32 v46, v17;
	v47 =	vmul.f32 $1.250000000e-01, v56;
	v59 =	vld [tilespmem:s30+$0xFFFFFFF0]  }
0x22a: {  	v11 =	vadd.f32 v21, v11;
	v21 =	vmul.f32 v37, v37;
	v8 =	vadd.f32 v37, v8;
	v60 =	vld [tilespmem:s22+$0xFFFFFFF0]  }
0x22b: {  	v25 =	vmul.f32 v25, v61;
	v45 =	vadd.f32 v26, v53;
	v39 =	vld [tilespmem:s30+$0xFFFFFF80];
	v10 =	vadd.f32 v30, v63;
	[tilespmem:s11+$0x30] =	vst v47  }
0x22c: {  	v26 =	vadd.f32 v28, v14;
	v11 =	vadd.f32 v21, v11;
	v62 =	vld [tilespmem:s16+$0x30];
	v63 =	vmul.f32 $1.250000000e-01, v58  }
0x22d: {  	v41 =	vld [tilespmem:s30+$0xFFFFFF90];
	v8 =	vadd.f32 v6, v8;
	v6 =	vmul.f32 v6, v6;
	v21 =	vadd.f32 v29, v10  }
0x22e: {  	v28 =	vmul.f32 v24, v57;
	v24 =	vmul.f32 v40, v19;
	v14 =	vld [tilespmem:s21+$0x30];
	[tilespmem:s11+$0xFFFFFFB0] =	vst v63;
	v9 =	vadd.f32 v59, v9  }
0x22f: {  	v6 =	vadd.f32 v6, v11;
	v8 =	vadd.f32 v21, v8;
	v55 =	vmul.f32 v21, v21;
	v56 =	vld [tilespmem:s16+$0xFFFFFFB0]  }
0x230: {  	v30 =	vmul.f32 v44, v18;
	v43 =	vld [tilespmem:s30+$0xFFFFFFA0];
	[tilespmem:s26+$0xFFFFFF80] =	vst v26;
	v26 =	vmul.f32 v22, v15;
	v37 =	vadd.f32 v60, v9  }
0x231: {  	v58 =	vld [tilespmem:s21+$0xFFFFFFB0];
	v6 =	vadd.f32 v55, v6;
	v57 =	vperm.xlane v8, v16;
	v22 =	vadd.f32 v62, v47  }
0x232: {  	v29 =	vmul.f32 v7, v13;
	v44 =	vld [tilespmem:s30+$0xFFFFFFD0];
	v5 =	vadd.f32 v37, v5;
	v60 =	vmul.f32 v37, v37  }
0x233: {  	v49 =	vld [tilespmem:s30+$0xFFFFFFE0];
	v8 =	vadd.f32 v57, v8;
	v59 =	vperm.xlane v6, v16;
	v33 =	vadd.f32 v14, v22  }
0x234: {  	v46 =	vld [tilespmem:s30+$0xFFFFFFB0];
	v14 =	vadd.f32 v51, v0;
	v7 =	vadd.f32 v56, v63;
	v62 =	vperm.xlane v5, v16  }
0x235: {  	s23 =	sadd.s32 $0x2, s23;
	v47 =	vld [tilespmem:s30+$0xFFFFFFC0];
	v4 =	vadd.f32 v60, v4;
	v61 =	vperm.xlane v8, v1;
	v6 =	vadd.f32 v59, v6;
	[tilespmem:s16+$0x30] =	vst v33  }
0x236: {  	p0 =	slt.u32 s23, $0x3E;
	v22 =	vmul.f32 v38, v17;
	v10 =	vld [tilespmem:s11+$0x40];
	v7 =	vadd.f32 v58, v7;
	v5 =	vadd.f32 v62, v5  }
.Ltmp8:
0x237: {  	v12 =	vperm.xlane v4, v16;
	v53 =	vld [tilespmem:s30+$0x10];
	v8 =	vadd.f32 v61, v8;
	v63 =	vperm.xlane v6, v1;
	(pc) =	sbr.rel @p0 .LBB2_9-.Ltmp8, $4  }
0x238: {  	v38 =	vld [tilespmem:s30+$0x20];
	[tilespmem:s16+$0xFFFFFFB0] =	vst v7;
	v54 =	vadd.f32 v7, v52;
	v7 =	vmul.f32 v7, v7;
	v51 =	vperm.xlane v5, v1  }
0x239: {  	v40 =	vld [tilespmem:s30+$0x30];
	v58 =	vadd.f32 v12, v4;
	v13 =	vperm.xlane v8, v2;
	v56 =	vadd.f32 v63, v6  }
0x23a: {  	s17 =	smov.u32 s16;
	v23 =	vmul.f32 v23, v18;
	v31 =	vmovc v27;
	v62 =	vld [tilespmem:s11+$0xFFFFFFC0];
	v55 =	vadd.f32 v7, v45;
	v60 =	vadd.f32 v51, v5  }
0x23b: {  	v32 =	vmovc v42;
	s18 =	smov.u32 s11;
	s22 =	smov.u32 s21;
	[tilespmem:s26+$0xFFFFFF90] =	vst v14;
	s11 =	sadd.s32 $0x100, s11;
	v45 =	vld [tilespmem:s30+$0x40];
	v57 =	vadd.f32 v13, v8;
	v59 =	vperm.xlane v56, v2;
	v61 =	vmul.f32 $1.250000000e-01, v10  }
0x23c: {  	_ = 	snop  }
0x23d: {  	[tilespmem:s18+$0x40] =	vst v61  }
0x23e: {  	v4 =	vld [tilespmem:s16+$0x40];
	_ =	sdelay $0x1  }
0x23f: {  	v5 =	vld [tilespmem:s21+$0x40];
	_ =	sdelay $0x2  }
0x240: {  	v4 =	vadd.f32 v4, v61  }
0x241: {  	v6 =	vmul.f32 $1.250000000e-01, v62  }
0x242: {  	v4 =	vadd.f32 v5, v4  }
0x243: {  	[tilespmem:s18+$0xFFFFFFC0] =	vst v6  }
0x244: {  	v5 =	vld [tilespmem:s16+$0xFFFFFFC0];
	[tilespmem:s17+$0x40] =	vst v4  }
0x245: {  	v7 =	vld [tilespmem:s18+$0x50]  }
0x246: {  	v8 =	vld [tilespmem:s21+$0xFFFFFFC0];
	_ =	sdelay $0x2  }
0x247: {  	v5 =	vadd.f32 v5, v6  }
0x248: {  	v6 =	vmul.f32 $1.250000000e-01, v7  }
0x249: {  	v5 =	vadd.f32 v8, v5  }
0x24a: {  	[tilespmem:s18+$0x50] =	vst v6  }
0x24b: {  	[tilespmem:s17+$0xFFFFFFC0] =	vst v5;
	v7 =	vld [tilespmem:s17+$0x50]  }
0x24c: {  	v8 =	vld [tilespmem:s18+$0xFFFFFFD0]  }
0x24d: {  	v9 =	vld [tilespmem:s22+$0x50];
	_ =	sdelay $0x2  }
0x24e: {  	v6 =	vadd.f32 v7, v6  }
0x24f: {  	v7 =	vmul.f32 $1.250000000e-01, v8  }
0x250: {  	v6 =	vadd.f32 v9, v6  }
0x251: {  	[tilespmem:s18+$0xFFFFFFD0] =	vst v7  }
0x252: {  	v8 =	vld [tilespmem:s17+$0xFFFFFFD0];
	[tilespmem:s17+$0x50] =	vst v6  }
0x253: {  	v9 =	vld [tilespmem:s18+$0x60]  }
0x254: {  	v10 =	vld [tilespmem:s22+$0xFFFFFFD0];
	_ =	sdelay $0x2  }
0x255: {  	v7 =	vadd.f32 v8, v7  }
0x256: {  	v8 =	vmul.f32 $1.250000000e-01, v9  }
0x257: {  	v7 =	vadd.f32 v10, v7  }
0x258: {  	[tilespmem:s18+$0x60] =	vst v8  }
0x259: {  	v11 =	vperm.xlane v60, v2;
	v9 =	vperm.xlane v58, v1;
	[tilespmem:s17+$0xFFFFFFD0] =	vst v7;
	v10 =	vld [tilespmem:s17+$0x60]  }
0x25a: {  	v51 =	vld [tilespmem:s18+$0xFFFFFFE0]  }
0x25b: {  	v11 =	vadd.f32 v11, v60;
	v9 =	vadd.f32 v9, v58;
	v52 =	vld [tilespmem:s22+$0x60]  }
0x25c: {  	v27 =	vmul.f32 v27, v31  }
0x25d: {  	v61 =	vperm.xlane v11, v3;
	v58 =	vperm.xlane v9, v2  }
0x25e: {  	v56 =	vadd.f32 v59, v56;
	v60 =	vperm.xlane v57, v3;
	v8 =	vadd.f32 v10, v8  }
0x25f: {  	v11 =	vadd.f32 v61, v11;
	v9 =	vadd.f32 v58, v9;
	v58 =	vmul.f32 $1.250000000e-01, v51  }
0x260: {  	v62 =	vperm.xlane v56, v3;
	v10 =	vadd.f32 v60, v57;
	v8 =	vadd.f32 v52, v8  }
0x261: {  	v63 =	vperm.xlane v9, v3;
	v60 =	vadd.f32 $0.0e+00, v20;
	v20 =	vmul.f32 v20, v20;
	[tilespmem:s18+$0xFFFFFFE0] =	vst v58  }
0x262: {  	v28 =	vadd.f32 v28, v0;
	v51 =	vmul.f32 $7.812500000e-03, v10;
	v10 =	vadd.f32 v62, v56;
	v52 =	vld [tilespmem:s17+$0xFFFFFFE0];
	[tilespmem:s17+$0x60] =	vst v8  }
0x263: {  	v11 =	vmul.f32 $7.812500000e-03, v11;
	v9 =	vadd.f32 v63, v9;
	v20 =	vadd.f32 v27, v20;
	v57 =	vld [tilespmem:s18+$0x70]  }
0x264: {  	v61 =	vld [tilespmem:s22+$0xFFFFFFE0];
	v10 =	vmul.f32 $7.812500000e-03, v10;
	v56 =	vmul.f32 v51, v51;
	v53 =	vsub.f32 v53, v51  }
0x265: {  	v38 =	vsub.f32 v38, v51;
	v40 =	vsub.f32 v40, v51  }
0x266: {  	v59 =	vmul.f32 v11, v11;
	v45 =	vsub.f32 v45, v51;
	v10 =	vsub.f32 v10, v56  }
0x267: {  	v9 =	vmul.f32 $7.812500000e-03, v9;
	v56 =	vadd.f32 v31, v60;
	v62 =	vadd.f32 v52, v58  }
0x268: {  	v21 =	vsub.f32 v21, v51;
	v60 =	vmul.f32 v42, v32;
	v52 =	vmul.f32 $1.250000000e-01, v57  }
0x269: {  	v31 =	vadd.f32 v32, v56;
	v56 =	vadd.f32 v61, v62  }
0x26a: {  	v63 =	vmul.f32 v33, v33;
	v9 =	vsub.f32 v9, v59;
	v20 =	vadd.f32 v60, v20;
	[tilespmem:s18+$0x70] =	vst v52  }
0x26b: {  	v10 =	vadd.f32 $9.999999960e-13, v10;
	v31 =	vadd.f32 v33, v31;
	[tilespmem:s17+$0xFFFFFFE0] =	vst v56  }
0x26c: {  	v60 =	vmul.f32 v5, v5;
	v5 =	vadd.f32 v5, v54;
	v20 =	vadd.f32 v63, v20;
	v58 =	vld [tilespmem:$0x1FF60]  }
0x26d: {  	v62 =	vmul.f32 v4, v4;
	v63 =	vshrl.u32 v10, $0x1;
	v4 =	vadd.f32 v4, v31;
	v59 =	vld [tilespmem:$0x1FF70]  }
0x26e: {  	v5 =	vadd.f32 v7, v5;
	v7 =	vmul.f32 v7, v7;
	v31 =	vadd.f32 v60, v55;
	v61 =	vld [tilespmem:s17+$0x70]  }
0x26f: {  	v20 =	vadd.f32 v62, v20;
	v60 =	vld [tilespmem:s18+$0xFFFFFFF0];
	v4 =	vadd.f32 v6, v4;
	v6 =	vmul.f32 v6, v6  }
0x270: {  	v10 =	vmul.f32 $5.000000000e-01, v10;
	v55 =	vsub.f32 v36, v51;
	v7 =	vadd.f32 v7, v31  }
0x271: {  	v54 =	vsub.s32 $0x5F3759DF, v63;
	v6 =	vadd.f32 v6, v20;
	v20 =	vld [tilespmem:s22+$0x70];
	v4 =	vadd.f32 v8, v4  }
0x272: {  	v8 =	vmul.f32 v8, v8;
	v33 =	vadd.f32 v48, v58;
	v32 =	vadd.f32 v50, v59  }
0x273: {  	v42 =	vadd.f32 v61, v52;
	v61 =	vmul.f32 v54, v10;
	v50 =	vsub.f32 v39, v11  }
0x274: {  	v27 =	vmul.f32 $1.250000000e-01, v60;
	v52 =	vsub.f32 v41, v11;
	v48 =	vsub.f32 v43, v11  }
0x275: {  	v43 =	vsub.f32 v46, v11;
	v39 =	vsub.f32 v44, v11;
	v62 =	vmul.f32 v54, v61  }
0x276: {  	v41 =	vsub.f32 v49, v11;
	[tilespmem:s18+$0xFFFFFFF0] =	vst v27;
	v20 =	vadd.f32 v20, v42  }
0x277: {  	v6 =	vadd.f32 v8, v6;
	v63 =	vld [tilespmem:s17+$0xFFFFFFF0];
	v36 =	vsub.f32 $1.500000000e+00, v62  }
0x278: {  	v57 =	vmul.f32 v56, v56;
	v42 =	vsub.f32 v47, v11;
	v4 =	vadd.f32 v20, v4  }
0x279: {  	v8 =	vmul.f32 v20, v20;
	v54 =	vmul.f32 v54, v36;
	v36 =	vsub.f32 v37, v11;
	v11 =	vld [tilespmem:s22+$0xFFFFFFF0]  }
0x27a: {  	v9 =	vadd.f32 $9.999999960e-13, v9;
	v5 =	vadd.f32 v56, v5  }
0x27b: {  	v7 =	vadd.f32 v57, v7;
	v6 =	vadd.f32 v8, v6;
	v8 =	vperm.xlane v4, v16  }
0x27c: {  	v49 =	vshrl.u32 v9, $0x1;
	v47 =	vmul.f32 v54, v10;
	v27 =	vadd.f32 v63, v27  }
0x27d: {  	v37 =	vsub.s32 $0x5F3759DF, v49;
	v49 =	vld [tilespmem:s30+$0x50];
	v4 =	vadd.f32 v8, v4;
	v8 =	vperm.xlane v6, v16  }
0x27e: {  	v9 =	vmul.f32 $5.000000000e-01, v9;
	v31 =	vmul.f32 v47, v54;
	v27 =	vadd.f32 v11, v27  }
0x27f: {  	v26 =	vadd.f32 v26, v58;
	v6 =	vadd.f32 v8, v6;
	v8 =	vperm.xlane v4, v1  }
0x280: {  	v11 =	vmul.f32 v37, v9;
	v31 =	vsub.f32 $1.500000000e+00, v31;
	v5 =	vadd.f32 v27, v5  }
0x281: {  	v60 =	vmul.f32 v27, v27;
	v4 =	vadd.f32 v8, v4;
	v8 =	vperm.xlane v6, v1  }
0x282: {  	v44 =	vsub.f32 v49, v51;
	v11 =	vmul.f32 v37, v11;
	v31 =	vmul.f32 v31, v54  }
0x283: {  	v7 =	vadd.f32 v60, v7;
	v61 =	vperm.xlane v5, v16;
	v6 =	vadd.f32 v8, v6  }
0x284: {  	v11 =	vsub.f32 $1.500000000e+00, v11;
	v62 =	vperm.xlane v4, v2;
	v8 =	vmul.f32 v31, v10  }
0x285: {  	v5 =	vadd.f32 v61, v5;
	v10 =	vperm.xlane v7, v16;
	v63 =	vperm.xlane v6, v2  }
0x286: {  	v11 =	vmul.f32 v37, v11;
	v4 =	vadd.f32 v62, v4;
	v8 =	vmul.f32 v8, v31  }
0x287: {  	v54 =	vperm.xlane v5, v1;
	v7 =	vadd.f32 v10, v7;
	v6 =	vadd.f32 v63, v6  }
0x288: {  	v56 =	vperm.xlane v4, v3;
	v57 =	vmul.f32 v11, v9;
	v8 =	vsub.f32 $1.500000000e+00, v8  }
0x289: {  	v10 =	vld [tilespmem:s30+$0x60];
	v5 =	vadd.f32 v54, v5;
	v60 =	vperm.xlane v6, v3;
	v61 =	vperm.xlane v7, v1  }
0x28a: {  	v4 =	vadd.f32 v56, v4;
	v46 =	vmul.f32 v57, v11;
	v8 =	vmul.f32 v8, v31  }
0x28b: {  	v6 =	vadd.f32 v60, v6;
	v7 =	vadd.f32 v61, v7;
	v62 =	vperm.xlane v5, v2  }
0x28c: {  	v31 =	vmul.f32 $7.812500000e-03, v4;
	v4 =	vsub.f32 $1.500000000e+00, v46;
	v21 =	vmul.f32 v8, v21  }
0x28d: {  	v54 =	vld [tilespmem:$0x1FF30];
	v37 =	vmul.f32 v8, v55;
	v5 =	vadd.f32 v62, v5;
	v49 =	vperm.xlane v7, v2  }
0x28e: {  	v56 =	vld [tilespmem:$0x1FF40];
	v10 =	vsub.f32 v10, v51;
	v6 =	vmul.f32 $7.812500000e-03, v6;
	v63 =	vmul.f32 v31, v31  }
0x28f: {  	v38 =	vmul.f32 v8, v38;
	v51 =	vperm.xlane v5, v3;
	v7 =	vadd.f32 v49, v7  }
0x290: {  	v57 =	vld [tilespmem:$0x1FF50];
	v40 =	vmul.f32 v8, v40;
	v45 =	vmul.f32 v8, v45;
	v6 =	vsub.f32 v6, v63  }
0x291: {  	v12 =	vld [tilespmem:$0x1FF90];
	v44 =	vmul.f32 v8, v44;
	v5 =	vadd.f32 v51, v5;
	v55 =	vperm.xlane v7, v3  }
0x292: {  	v4 =	vmul.f32 v4, v11;
	v35 =	vadd.f32 v35, v54;
	v6 =	vadd.f32 $9.999999960e-13, v6  }
0x293: {  	v60 =	vld [tilespmem:$0x1FFA0];
	v34 =	vadd.f32 v34, v56;
	v5 =	vmul.f32 $7.812500000e-03, v5;
	v7 =	vadd.f32 v55, v7  }
0x294: {  	v9 =	vmul.f32 v4, v9;
	v61 =	vshrl.u32 v6, $0x1;
	v6 =	vmul.f32 $5.000000000e-01, v6;
	v55 =	vld [tilespmem:$0x1FF80]  }
0x295: {  	v11 =	vadd.f32 v30, v57;
	[tilespmem:s26+$0xFFFFFFA0] =	vst v33;
	v63 =	vmul.f32 v5, v5;
	v7 =	vmul.f32 $7.812500000e-03, v7  }
0x296: {  	v37 =	vmul.f32 v37, v12;
	v9 =	vmul.f32 v9, v4;
	[tilespmem:s26+$0xFFFFFFB0] =	vst v32;
	v62 =	vsub.s32 $0x5F3759DF, v61  }
0x297: {  	v49 =	vmul.f32 v8, v53;
	[tilespmem:s26+$0xFFFFFFC0] =	vst v35;
	v46 =	vmul.f32 v62, v6;
	v7 =	vsub.f32 v7, v63  }
0x298: {  	v8 =	vmul.f32 v8, v10;
	v21 =	vmul.f32 v21, v60;
	v9 =	vsub.f32 $1.500000000e+00, v9;
	[tilespmem:s26+$0xFFFFFFD0] =	vst v34  }
0x299: {  	v34 =	vld [tilespmem:s17+$0xFFFFFFC0];
	[tilespmem:s26+$0xFFFFFFE0] =	vst v11;
	v46 =	vmul.f32 v62, v46;
	v29 =	vadd.f32 v29, v55;
	v7 =	vadd.f32 $9.999999960e-13, v7  }
0x29a: {  	v24 =	vadd.f32 v24, v59;
	v8 =	vmul.f32 v8, v18;
	v19 =	vld [tilespmem:$0x1FFC0];
	v4 =	vmul.f32 v9, v4  }
0x29b: {  	v63 =	vld [tilespmem:s17+$0xFFFFFF90];
	v9 =	vsub.f32 $1.500000000e+00, v46;
	[tilespmem:s26+$0xFFFFFFF0] =	vst v29;
	v53 =	vshrl.u32 v7, $0x1;
	v7 =	vmul.f32 $5.000000000e-01, v7  }
0x29c: {  	v10 =	vmul.f32 v4, v50;
	v32 =	vmul.f32 v4, v42;
	v13 =	vld [tilespmem:$0x1FFD0];
	v30 =	vsub.s32 $0x5F3759DF, v53  }
0x29d: {  	v25 =	vadd.f32 v25, v54;
	v42 =	vld [tilespmem:s17+$0xFFFFFFA0];
	v9 =	vmul.f32 v62, v9;
	v62 =	vmul.f32 v30, v7  }
0x29e: {  	v22 =	vadd.f32 v22, v56;
	v35 =	vmul.f32 v4, v39;
	v39 =	vmul.f32 v4, v41;
	v41 =	vld [tilespmem:s17+$0xFFFFFFB0]  }
0x29f: {  	v11 =	vadd.f32 v23, v57;
	v48 =	vmul.f32 v4, v48;
	[tilespmem:s26+$0x10] =	vst v28;
	v53 =	vld [tilespmem:s17+$0xFFFFFFD0];
	v51 =	vmul.f32 v30, v62  }
0x2a0: {  	v33 =	vmul.f32 v4, v43;
	v21 =	vadd.f32 v21, v55;
	v14 =	vld [tilespmem:$0x1FFE0];
	v61 =	vmul.f32 v9, v6  }
0x2a1: {  	v46 =	vmul.f32 v4, v52;
	v29 =	vmul.f32 v48, v13;
	v48 =	vld [tilespmem:$0x1FFB0];
	[tilespmem:s26+$0x20] =	vst v26;
	v52 =	vsub.f32 $1.500000000e+00, v51  }
0x2a2: {  	v34 =	vsub.f32 v34, v5;
	v4 =	vmul.f32 v4, v36;
	v47 =	vmul.f32 v61, v9;
	v61 =	vld [tilespmem:s17+$0xFFFFFFE0];
	[tilespmem:s26+$0x30] =	vst v24  }
0x2a3: {  	v23 =	vmul.f32 v46, v19;
	v43 =	vsub.f32 v63, v5;
	[tilespmem:s26+$0x40] =	vst v25;
	v30 =	vmul.f32 v30, v52  }
0x2a4: {  	v50 =	vld [tilespmem:s17+$0xFFFFFF80];
	v4 =	vmul.f32 v4, v60;
	v42 =	vsub.f32 v42, v5;
	[tilespmem:s26+$0x50] =	vst v22;
	v47 =	vsub.f32 $1.500000000e+00, v47  }
0x2a5: {  	v41 =	vsub.f32 v41, v5;
	v15 =	vld [tilespmem:$0x1FFF0];
	[tilespmem:s26+$0x60] =	vst v11;
	v11 =	vmul.f32 v35, v17;
	v63 =	vmul.f32 v30, v7  }
0x2a6: {  	v4 =	vadd.f32 v4, v55;
	v46 =	vsub.f32 v53, v5;
	v9 =	vmul.f32 v47, v9  }
0x2a7: {  	v24 =	vld [tilespmem:s17+$0x10];
	v11 =	vadd.f32 v11, v56;
	v36 =	vsub.f32 v61, v5;
	v47 =	vmul.f32 v63, v30  }
0x2a8: {  	v10 =	vmul.f32 v10, v12;
	v61 =	vadd.f32 v23, v0;
	v62 =	vadd.f32 v37, v48  }
0x2a9: {  	v26 =	vld [tilespmem:s17+$0x0];
	v33 =	vmul.f32 v33, v14;
	v37 =	vsub.f32 v50, v5;
	v53 =	vsub.f32 $1.500000000e+00, v47  }
0x2aa: {  	[tilespmem:s30+$0x70] =	vst v21;
	v6 =	vmul.f32 v9, v6;
	v5 =	vsub.f32 v27, v5;
	v10 =	vadd.f32 v10, v48  }
0x2ab: {  	[tilespmem:s30+$0xFFFFFFD0] =	vst v11;
	v11 =	vmul.f32 v38, v13;
	v63 =	vadd.f32 v33, v59;
	v33 =	vmul.f32 v53, v30  }
0x2ac: {  	v51 =	vld [tilespmem:s17+$0x30];
	v24 =	vsub.f32 v24, v31;
	v50 =	vmul.f32 v32, v15;
	[tilespmem:s30+$0xFFFFFF80] =	vst v10;
	v10 =	vmul.f32 v39, v18  }
0x2ad: {  	v52 =	vld [tilespmem:s17+$0x40];
	v6 =	vmul.f32 v6, v9;
	[tilespmem:s30+$0x0] =	vst v62;
	v62 =	vadd.f32 v29, v58;
	v7 =	vmul.f32 v33, v7  }
0x2ae: {  	v25 =	vld [tilespmem:s17+$0x20];
	[tilespmem:s30+$0xFFFFFF90] =	vst v61;
	v61 =	vmul.f32 v44, v17;
	v39 =	vsub.f32 v26, v31;
	v10 =	vadd.f32 v10, v57  }
0x2af: {  	[tilespmem:s30+$0xFFFFFFF0] =	vst v4;
	v11 =	vadd.f32 v11, v58;
	v6 =	vsub.f32 $1.500000000e+00, v6;
	v7 =	vmul.f32 v7, v33  }
0x2b0: {  	v35 =	vld [tilespmem:s17+$0x60];
	v22 =	vadd.f32 v50, v54;
	[tilespmem:s30+$0xFFFFFFE0] =	vst v10;
	v10 =	vsub.f32 v20, v31;
	v20 =	vmul.f32 v40, v14  }
0x2b1: {  	v50 =	vsub.f32 v51, v31;
	[tilespmem:s30+$0xFFFFFFA0] =	vst v62;
	v6 =	vmul.f32 v6, v9;
	v9 =	vld [tilespmem:s17+$0x50];
	v7 =	vsub.f32 $1.500000000e+00, v7  }
0x2b2: {  	v51 =	vsub.f32 v52, v31;
	v52 =	vmul.f32 v49, v19;
	[tilespmem:s30+$0xFFFFFFB0] =	vst v63;
	v20 =	vadd.f32 v20, v59  }
0x2b3: {  	v47 =	vsub.f32 v25, v31;
	[tilespmem:s30+$0xFFFFFFC0] =	vst v22;
	v4 =	vmul.f32 v7, v33;
	v7 =	vmul.f32 v45, v15  }
0x2b4: {  	v22 =	vadd.f32 v52, v0;
	v10 =	vmul.f32 v6, v10;
	[tilespmem:s30+$0x30] =	vst v20;
	v20 =	vadd.f32 v61, v56  }
0x2b5: {  	[tilespmem:s30+$0x20] =	vst v11;
	v53 =	vsub.f32 v35, v31;
	v11 =	vmul.f32 v6, v39;
	v7 =	vadd.f32 v7, v54  }
0x2b6: {  	v10 =	vmul.f32 v10, v60;
	v9 =	vsub.f32 v9, v31;
	[tilespmem:s30+$0x50] =	vst v20;
	v62 =	vmul.f32 v4, v37  }
0x2b7: {  	v20 =	vmul.f32 v4, v42;
	[tilespmem:s30+$0x40] =	vst v7;
	v7 =	vadd.f32 v8, v57;
	v8 =	vmul.f32 v11, v12  }
0x2b8: {  	[tilespmem:s30+$0x10] =	vst v22;
	v10 =	vadd.f32 v10, v55;
	v11 =	vmul.f32 v4, v43;
	v21 =	vmul.f32 v62, v12  }
0x2b9: {  	v20 =	vmul.f32 v20, v13;
	[tilespmem:s30+$0x60] =	vst v7;
	v7 =	vmul.f32 v4, v41;
	v8 =	vadd.f32 v8, v48  }
0x2ba: {  	[tilespmem:s17+$0x70] =	vst v10;
	v10 =	vmul.f32 v4, v34;
	v11 =	vmul.f32 v11, v19;
	v21 =	vadd.f32 v21, v48  }
0x2bb: {  	v20 =	vadd.f32 v20, v58;
	[tilespmem:s17+$0x0] =	vst v8;
	v8 =	vmul.f32 v4, v46;
	v7 =	vmul.f32 v7, v14  }
0x2bc: {  	v63 =	vmul.f32 v4, v36;
	v10 =	vmul.f32 v10, v15;
	v11 =	vadd.f32 v11, v0;
	[tilespmem:s17+$0xFFFFFF80] =	vst v21  }
0x2bd: {  	v4 =	vmul.f32 v4, v5;
	[tilespmem:s17+$0xFFFFFFA0] =	vst v20;
	v5 =	vmul.f32 v8, v17;
	v7 =	vadd.f32 v7, v59  }
0x2be: {  	v10 =	vadd.f32 v10, v54;
	[tilespmem:s17+$0xFFFFFF90] =	vst v11;
	v8 =	vmul.f32 v6, v24;
	v11 =	vmul.f32 v63, v18  }
0x2bf: {  	v4 =	vmul.f32 v4, v60;
	[tilespmem:s17+$0xFFFFFFB0] =	vst v7;
	v7 =	vmul.f32 v6, v47;
	v5 =	vadd.f32 v5, v56  }
0x2c0: {  	[tilespmem:s17+$0xFFFFFFC0] =	vst v10;
	v10 =	vmul.f32 v6, v50;
	v8 =	vmul.f32 v8, v19;
	v11 =	vadd.f32 v11, v57  }
0x2c1: {  	v4 =	vadd.f32 v4, v55;
	[tilespmem:s17+$0xFFFFFFD0] =	vst v5;
	v5 =	vmul.f32 v6, v51;
	v7 =	vmul.f32 v7, v13  }
0x2c2: {  	v9 =	vmul.f32 v6, v9;
	v10 =	vmul.f32 v10, v14;
	[tilespmem:s17+$0xFFFFFFE0] =	vst v11;
	v8 =	vadd.f32 v8, v0  }
0x2c3: {  	v6 =	vmul.f32 v6, v53;
	[tilespmem:s17+$0xFFFFFFF0] =	vst v4;
	v4 =	vmul.f32 v5, v15;
	v5 =	vadd.f32 v7, v58  }
0x2c4: {  	[tilespmem:s17+$0x10] =	vst v8;
	v7 =	vmul.f32 v9, v17;
	v8 =	vadd.f32 v10, v59  }
0x2c5: {  	[tilespmem:s17+$0x20] =	vst v5;
	v5 =	vmul.f32 v6, v18;
	v4 =	vadd.f32 v4, v54  }
0x2c6: {  	[tilespmem:s17+$0x30] =	vst v8;
	v6 =	vadd.f32 v7, v56  }
0x2c7: {  	s11 =	sor.u32 s9, s14;
	[tilespmem:s17+$0x40] =	vst v4;
	v4 =	vadd.f32 v5, v57  }
0x2c8: {  	s25 =	sshll.u32 s25, $0xD;
	s11 =	sshll.u32 s11, $0x4;
	[tilespmem:s17+$0x50] =	vst v6  }
0x2c9: {  	s26 =	sor.u32 $0xC00, s25;
	s30 =	sadd.s32 s5, s11;
	[tilespmem:s17+$0x60] =	vst v4  }
0x2ca: {  	[hbm4b:s30+s8] =	stream.linear.scatter [tilespmem:s26], [sflag:$0xB], $0x2000, $0x38;
	[tilespmem:$0x1CD00] =	vst v63  }
0x2cb: {  	p0 =	sgt.u32 s19, $0xF;
	s16 =	sadd.s32 $0x10C00, s25;
	s11 =	sadd.s32 s7, s11  }
0x2cc: {  	[hbm4b:s11+s8] =	stream.linear.scatter [tilespmem:s16], [sflag:$0xB], $0x2000, $0x38;
	[tilespmem:$0x1CD00] =	vst v63  }
.Ltmp9:
0x2cd: {  	s11 =	sor.u32 @!p0 s10, s14;
	(pc) =	sbr.rel .LBB2_11-.Ltmp9, $4  }
0x2ce: {  	s11 =	sshll.u32 @!p0 s11, $0x4  }
0x2cf: {  	s11 =	sadd.s32 @!p0 s11, s2  }
0x2d0: {  	s14 =	simm.s32 @!p0 $0x0;
	s11 =	sadd.s32 @!p0 $0x800, s11  }
0x2d1: {  	v11 =	vmovc v55;
	v5 =	vmov v48;
	v4 =	vmov v12;
	v12 =	vmov v60;
	[tilespmem:s15], [sflag:s24] =	stream.linear.gather @!p0 [hbm4b:s11+s14], $0x2000, $0x38;
	[tilespmem:$0x1CD00] =	vst v63  }
.LBB2_13:
0x2d2: {  	_ =	sfence.sel $0x180000  }
0x2d3: {  	[bflag:$0x0] =	sbarrier.arrive $0xFFFF  }
0x2d4: {  	_ =	strace $0x90000047  }
0x2d5: {  	s0 =	stileid.u32;
	[bflag:$0x2] =	sbarrier.arrive $0xFFFF  }
0x2d6: {  	p0 =	sne.s32 s0, $0x0;
	s0 =	rddreg [dreg:$0x8]  }
0x2d7: {  	s0 =	sadd.s32 @!p0 $0x100000, s0  }
0x2d8: {  	[sflag:s0] =	ssyncadd.tile.s32 @!p0 $0x1;
	_ =	shalt  }
.Lfunc_end2:
_tile_overlayer_lowered:
.L_overlay_start_2:
0x2d9: {  	(tag) =	ssettag $0x2  }
0x2da: {  	s0 =	rddreg [dreg:$0x0];
	s2 =	stileid.u32  }
0x2db: {  	s1 =	rddreg [dreg:$0x1];
	p0 =	sne.s32 s2, $0x0  }
0x2dc: {  	s3 =	rddreg [dreg:$0x2];
	[bflag:$0x3] =	sbarrier.arrive $0xFFFF;
	s2 =	simm.s32 @!p0 $0x1C0C  }
0x2dd: {  	[timem:s3], [sflag:s2] =	dma.local @!p0 [hbm:s0], s1  }
0x2de: {  	s0 =	simm.s32 @!p0 $0xC  }
0x2df: {  	_ =	swait.ge @!p0 [sflag:s0], s1  }
0x2e0: {  	s1 =	ssub.s32 @!p0 $0x0, s1;
	[sflag:s0] =	ssyncset.done @!p0 $0x0  }
0x2e1: {  	[sflag:s0] =	ssyncadd.s32 @!p0 s1  }
0x2e2: {  	[bflag:$0x3] =	sbarrier.arrive $0xFFFF  }
0x2e3: {  	_ =	shalt  }

</sc_bundles>
